<compile_context>
chip_gen: v7x
topology: tpu7x:2x2x1
jax: 0.10.2.dev20260603
libtpu: 0.0.44.dev20260713+nightly
codegen_flags: <defaults>
</compile_context>

<pallas_src>
import functools

import jax
import jax.numpy as jnp
from jax import lax
from jax.experimental import pallas as pl
from jax.experimental.pallas import tpu as pltpu
from jax.experimental.pallas import tpu_sc as plsc

N = 10000
D = 128
DH = D // 2
NNZ = 320000
NUM_HG = 3
E = NUM_HG * NNZ
CHUNK = 128
NC = 2
NS = 16
L = 16
CPT = 480
G = 16
NUM_CHUNKS = NS * CPT
E_PAD = NUM_CHUNKS * CHUNK
NPAD = 10240
ROWS_PER_TILE = NPAD // NS


def _proj_body(x_ref, w_ref, vals_ref, alpha_ref, h_ref, sv_ref):
    h = lax.dot_general(
        x_ref[...], w_ref[...], (((1,), (1,)), ((), ())),
        preferred_element_type=jnp.float32)
    h_ref[0] = h[:, :DH]
    h_ref[1] = h[:, DH:]
    a = jax.nn.sigmoid(alpha_ref[...])
    sv_ref[...] = vals_ref[...] * a


def _project_and_scale(x, w, vals3, alpha):
    return pl.pallas_call(
        _proj_body,
        grid=(10,),
        in_specs=[
            pl.BlockSpec((N // 10, D), lambda i: (i, 0)),
            pl.BlockSpec((D, D), lambda i: (0, 0)),
            pl.BlockSpec((NUM_HG, NNZ // 10), lambda i: (0, i)),
            pl.BlockSpec((NUM_HG, 1), lambda i: (0, 0)),
        ],
        out_specs=[
            pl.BlockSpec((NC, N // 10, DH), lambda i: (0, i, 0)),
            pl.BlockSpec((NUM_HG, NNZ // 10), lambda i: (0, i)),
        ],
        out_shape=[
            jax.ShapeDtypeStruct((NC, NPAD, DH), jnp.float32),
            jax.ShapeDtypeStruct((NUM_HG, NNZ), jnp.float32),
        ],
    )(x, w, vals3, alpha)


_mesh = plsc.VectorSubcoreMesh(core_axis_name="c", subcore_axis_name="s")


@functools.partial(
    pl.kernel,
    out_type=jax.ShapeDtypeStruct((NC, NPAD, DH), jnp.float32),
    mesh=_mesh,
    scratch_types=[
        pltpu.VMEM_SHARED((NPAD, DH), jnp.float32),
        pltpu.VMEM_SHARED((NPAD, DH), jnp.float32),
        pltpu.VMEM((G, CHUNK), jnp.int32),
        pltpu.VMEM((G, CHUNK), jnp.int32),
        pltpu.VMEM((G, CHUNK), jnp.float32),
        pltpu.VMEM((CHUNK, DH), jnp.float32),
        pltpu.VMEM((CHUNK, DH), jnp.float32),
        pltpu.SemaphoreType.DMA,
        pltpu.SemaphoreType.DMA,
        pltpu.SemaphoreType.DMA,
        pltpu.SemaphoreType.DMA,
    ],
)
def _spmm_kernel(h_hbm, cols_hbm, rows_hbm, vals_hbm, out_hbm,
                 acc, hs, cidx, ridx, valv, buf_a, buf_b, gsem_a, gsem_b,
                 ssem_a, ssem_b):
    cid = lax.axis_index("c")
    sid = lax.axis_index("s")

    r0 = sid * ROWS_PER_TILE

    pltpu.sync_copy(h_hbm.at[cid].at[pl.ds(r0, ROWS_PER_TILE)],
                    hs.at[pl.ds(r0, ROWS_PER_TILE)])

    zeros16 = jnp.zeros((L,), jnp.float32)

    @pl.loop(0, CHUNK)
    def _zero_buf(i):
        for j in range(DH // L):
            buf_a[i, pl.ds(j * L, L)] = zeros16

    @pl.loop(0, ROWS_PER_TILE // CHUNK)
    def _zero_acc(t):
        pltpu.sync_copy(buf_a, acc.at[pl.ds(r0 + t * CHUNK, CHUNK)])

    plsc.subcore_barrier()

    def _scale(c, buf):
        @plsc.parallel_loop(0, CHUNK // L)
        def _grp(g):
            vv = valv[c, pl.ds(g * L, L)]
            for l in range(L):
                vs = jnp.broadcast_to(vv[l], (L,))
                e = g * L + l
                for j in range(DH // L):
                    sl = pl.ds(j * L, L)
                    buf[e, sl] = buf[e, sl] * vs

    @pl.loop(0, CPT // G)
    def _batch(b):
        base = sid * CPT + b * G
        pltpu.sync_copy(cols_hbm.at[pl.ds(base, G)], cidx)
        pltpu.sync_copy(rows_hbm.at[pl.ds(base, G)], ridx)
        pltpu.sync_copy(vals_hbm.at[pl.ds(base, G)], valv)

        pltpu.async_copy(hs.at[cidx.at[0]], buf_a, gsem_a)

        @pl.loop(0, G // 2)
        def _chunk(i):
            c = i * 2

            @pl.when(c > 0)
            def _():
                pltpu.make_async_copy(
                    buf_b, acc.at[ridx.at[c - 1]], ssem_b).wait()

            pltpu.async_copy(hs.at[cidx.at[c + 1]], buf_b, gsem_b)
            pltpu.make_async_copy(hs.at[cidx.at[c]], buf_a, gsem_a).wait()
            _scale(c, buf_a)
            pltpu.async_copy(buf_a, acc.at[ridx.at[c]], ssem_a, add=True)
            pltpu.make_async_copy(hs.at[cidx.at[c + 1]], buf_b, gsem_b).wait()
            _scale(c + 1, buf_b)

            @pl.when(c + 2 < G)
            def _():
                pltpu.make_async_copy(
                    buf_a, acc.at[ridx.at[c]], ssem_a).wait()
                pltpu.async_copy(hs.at[cidx.at[c + 2]], buf_a, gsem_a)

            pltpu.async_copy(buf_b, acc.at[ridx.at[c + 1]], ssem_b, add=True)

        pltpu.make_async_copy(buf_a, acc.at[ridx.at[G - 2]], ssem_a).wait()
        pltpu.make_async_copy(buf_b, acc.at[ridx.at[G - 1]], ssem_b).wait()

    plsc.subcore_barrier()

    pltpu.sync_copy(acc.at[pl.ds(r0, ROWS_PER_TILE)],
                    out_hbm.at[cid].at[pl.ds(r0, ROWS_PER_TILE)])


def _combine_body(p_ref, o_ref):
    o_ref[:, :DH] = p_ref[0]
    o_ref[:, DH:] = p_ref[1]


def _combine(partials):
    return pl.pallas_call(
        _combine_body,
        grid=(10,),
        in_specs=[pl.BlockSpec((NC, N // 10, DH), lambda i: (0, i, 0))],
        out_specs=pl.BlockSpec((N // 10, D), lambda i: (i, 0)),
        out_shape=jax.ShapeDtypeStruct((N, D), jnp.float32),
    )(partials)


def kernel(company_emb, lap0_idx, lap0_val, lap1_idx, lap1_val, lap2_idx,
           lap2_val, W, alpha):
    vals3 = jnp.stack([lap0_val, lap1_val, lap2_val])
    h2, vals_scaled = _project_and_scale(company_emb, W, vals3, alpha)
    pad = E_PAD - E
    cols = jnp.concatenate(
        [lap0_idx[1], lap1_idx[1], lap2_idx[1],
         jnp.zeros((pad,), lap0_idx.dtype)]).astype(jnp.int32)
    rows = jnp.concatenate(
        [lap0_idx[0], lap1_idx[0], lap2_idx[0],
         jnp.full((pad,), N, lap0_idx.dtype)]).astype(jnp.int32)
    vals = jnp.concatenate(
        [vals_scaled.reshape(-1), jnp.zeros((pad,), jnp.float32)])
    partials = _spmm_kernel(
        h2,
        cols.reshape(NUM_CHUNKS, CHUNK),
        rows.reshape(NUM_CHUNKS, CHUNK),
        vals.reshape(NUM_CHUNKS, CHUNK),
    )
    return _combine(partials)

# --- scband reference (transcript-rebuilt; emitter-appended) ---
"""Pipeline reference for scband-hyper-gnn-68942815036073 (READ-ONLY COPY).

The authoritative reference and input builder live on the scoring server;
editing this copy changes nothing except your own understanding.
"""

import jax, jax.numpy as jnp
import numpy as np

N = 10000
D_IN = 128
D_OUT = 128
NNZ = 320000
NUM_HG = 3


def setup_inputs(seed: int = 0) -> dict:
    key = jax.random.key(seed)
    ks = jax.random.split(key, 10)
    inp = {}
    inp["company_emb"] = jax.random.normal(ks[0], (N, D_IN), dtype=jnp.float32)
    for i in range(NUM_HG):
        inp[f"lap{i}_idx"] = jax.random.randint(ks[1 + 2 * i], (2, NNZ), 0, N, dtype=jnp.int64 if jax.config.jax_enable_x64 else jnp.int32)
        inp[f"lap{i}_val"] = jax.random.normal(ks[2 + 2 * i], (NNZ,), dtype=jnp.float32) * 0.1
    # proj: nn.Linear(input_dim, output_dim, bias=False) -> weight [D_OUT, D_IN]
    inp["W"] = jax.random.normal(ks[7], (D_OUT, D_IN), dtype=jnp.float32) * (1.0 / np.sqrt(D_IN))
    # alpha: Parameter(hyper_edge_num, 1) with glorot init
    bound = np.sqrt(6.0 / (NUM_HG + 1))
    inp["alpha"] = jax.random.uniform(ks[8], (NUM_HG, 1), dtype=jnp.float32, minval=-bound, maxval=bound)
    return inp


def _spmm(idx, val, h, n):
    # sparse (COO) laplacian @ dense h
    rows = idx[0]
    cols = idx[1]
    gathered = jnp.take(h, cols, axis=0)          # gather (SparseCore friendly)
    contrib = val[:, None] * gathered
    return jax.ops.segment_sum(contrib, rows, num_segments=n)  # scatter-add


def reference(company_emb, lap0_idx, lap0_val, lap1_idx, lap1_val, lap2_idx, lap2_val, W, alpha):
    h = company_emb @ W.T                          # self.proj(company_emb)
    outlist = [
        _spmm(lap0_idx, lap0_val, h, N),
        _spmm(lap1_idx, lap1_val, h, N),
        _spmm(lap2_idx, lap2_val, h, N),
    ]
    a = jax.nn.sigmoid(alpha)                      # torch.sigmoid(self.alpha)
    res = jnp.zeros_like(outlist[0])
    for i in range(NUM_HG):
        res = res + outlist[i] * a[i]
    return res

if __name__ == "__main__":
    import jax
    _d = setup_inputs()
    print(jax.jit(kernel)(*tuple(_d.values())))

</pallas_src>

<mosaic_0001>
#map = affine_map<(d0, d1) -> (0, 0, 0)>
#map1 = affine_map<(d0, d1) -> (0, 0)>
module attributes {stable_mosaic.version = 14 : i64} {
  func.func @_spmm_kernel(%arg0: i32, %arg1: i32, %arg2: memref<2x10240x64xf32, #tpu.memory_space<hbm>>, %arg3: memref<7680x128xi32, #tpu.memory_space<hbm>>, %arg4: memref<7680x128xi32, #tpu.memory_space<hbm>>, %arg5: memref<7680x128xf32, #tpu.memory_space<hbm>>, %arg6: memref<2x10240x64xf32, #tpu.memory_space<hbm>>, %arg7: memref<10240x64xf32, #tpu.memory_space<vmem_shared>>, %arg8: memref<10240x64xf32, #tpu.memory_space<vmem_shared>>, %arg9: memref<16x128xi32, #tpu.memory_space<vmem>>, %arg10: memref<16x128xi32, #tpu.memory_space<vmem>>, %arg11: memref<16x128xf32, #tpu.memory_space<vmem>>, %arg12: memref<128x64xf32, #tpu.memory_space<vmem>>, %arg13: memref<128x64xf32, #tpu.memory_space<vmem>>, %arg14: memref<!tpu.dma_semaphore, #tpu.memory_space<semaphore_mem>>, %arg15: memref<!tpu.dma_semaphore, #tpu.memory_space<semaphore_mem>>, %arg16: memref<!tpu.dma_semaphore, #tpu.memory_space<semaphore_mem>>, %arg17: memref<!tpu.dma_semaphore, #tpu.memory_space<semaphore_mem>>) attributes {dimension_semantics = [#tpu.dimension_semantics<core_parallel>, #tpu.dimension_semantics<subcore_parallel>], iteration_bounds = array<i64: 2, 16>, scalar_prefetch = 0 : i64, scratch_operands = 11 : i64, tpu.core_type = #tpu.core_type<sc_vector_subcore>, window_params = [{transform_indices = #map}, {transform_indices = #map1}, {transform_indices = #map1}, {transform_indices = #map1}, {transform_indices = #map}]} {
    %mul3A = arith.constant 640 : i32
    %mul3A_0 = arith.muli %arg1, %mul3A : i32
    "tpu.region"() ({
      %run_scoped3A = tpu.sem_alloc : memref<!tpu.dma_semaphore, #tpu.memory_space<semaphore_mem>>
      %dma_start3A = arith.constant 0 : i32
      %dma_start3A_17 = tpu.memref_slice %arg8[%mul3A_0, %dma_start3A] : memref<10240x64xf32, #tpu.memory_space<vmem_shared>> -> memref<640x64xf32, #tpu.memory_space<vmem_shared>>
      %dma_start3A_18 = arith.constant 0 : i32
      %dma_start3A_19 = arith.constant 0 : i32
      %dma_start3A_20 = tpu.memref_slice %arg2[%arg0, %dma_start3A_18, %dma_start3A_19] : memref<2x10240x64xf32, #tpu.memory_space<hbm>> -> memref<1x10240x64xf32, #tpu.memory_space<hbm>>
      %dma_start3A_21 = tpu.memref_squeeze %dma_start3A_20 : memref<1x10240x64xf32, #tpu.memory_space<hbm>> -> memref<10240x64xf32, #tpu.memory_space<hbm>>
      %dma_start3A_22 = arith.constant 0 : i32
      %dma_start3A_23 = tpu.memref_slice %dma_start3A_21[%mul3A_0, %dma_start3A_22] : memref<10240x64xf32, #tpu.memory_space<hbm>> -> memref<640x64xf32, #tpu.memory_space<hbm>>
      tpu.enqueue_dma source(%dma_start3A_23 : memref<640x64xf32, #tpu.memory_space<hbm>>) target(%dma_start3A_17 : memref<640x64xf32, #tpu.memory_space<vmem_shared>>) target_semaphore(%run_scoped3A : memref<!tpu.dma_semaphore, #tpu.memory_space<semaphore_mem>>)
      %dma_wait3A = arith.constant 0 : i32
      %dma_wait3A_24 = tpu.memref_slice %arg8[%mul3A_0, %dma_wait3A] : memref<10240x64xf32, #tpu.memory_space<vmem_shared>> -> memref<640x64xf32, #tpu.memory_space<vmem_shared>>
      %dma_wait3A_25 = arith.constant 0 : i32
      %dma_wait3A_26 = arith.constant 0 : i32
      %dma_wait3A_27 = tpu.memref_slice %arg2[%arg0, %dma_wait3A_25, %dma_wait3A_26] : memref<2x10240x64xf32, #tpu.memory_space<hbm>> -> memref<1x10240x64xf32, #tpu.memory_space<hbm>>
      %dma_wait3A_28 = tpu.memref_squeeze %dma_wait3A_27 : memref<1x10240x64xf32, #tpu.memory_space<hbm>> -> memref<10240x64xf32, #tpu.memory_space<hbm>>
      %dma_wait3A_29 = arith.constant 0 : i32
      %dma_wait3A_30 = tpu.memref_slice %dma_wait3A_28[%mul3A_0, %dma_wait3A_29] : memref<10240x64xf32, #tpu.memory_space<hbm>> -> memref<640x64xf32, #tpu.memory_space<hbm>>
      tpu.wait_dma2 semaphore(%run_scoped3A : memref<!tpu.dma_semaphore, #tpu.memory_space<semaphore_mem>>) src(%dma_wait3A_30 : memref<640x64xf32, #tpu.memory_space<hbm>>) dst(%dma_wait3A_24 : memref<640x64xf32, #tpu.memory_space<vmem_shared>>)
      tpu.yield
    }) : () -> ()
    %broadcast_in_dim3A = arith.constant 0.000000e+00 : f32
    %broadcast_in_dim3A_1 = vector.broadcast %broadcast_in_dim3A : f32 to vector<16xf32>
    %scan3A = arith.constant 0 : i32
    %scan3A_2 = arith.constant 128 : i32
    %scan3A_3 = arith.addi %scan3A, %scan3A_2 : i32
    %scan3A_4 = arith.constant 1 : i32
    scf.for %scan3A_17 = %scan3A to %scan3A_3 step %scan3A_4  : i32 {
      %mul3A_18 = arith.constant 1 : i32
      %mul3A_19 = arith.muli %scan3A_17, %mul3A_18 : i32
      %add3A = arith.constant 0 : i32
      %add3A_20 = arith.addi %add3A, %mul3A_19 : i32
      %swap3A = arith.index_cast %add3A_20 : i32 to index
      %swap3A_21 = arith.constant 0 : index
      %swap3A_22 = tpu.vector_load %arg12[%swap3A, %swap3A_21] {strides = array<i32>} : memref<128x64xf32, #tpu.memory_space<vmem>>, vector<1x16xf32>,
      %swap3A_23 = vector.shape_cast %swap3A_22 : vector<1x16xf32> to vector<16xf32>
      %swap3A_24 = vector.shape_cast %broadcast_in_dim3A_1 : vector<16xf32> to vector<1x16xf32>
      tpu.vector_store %arg12[%swap3A, %swap3A_21], %swap3A_24 {strides = array<i32>} : memref<128x64xf32, #tpu.memory_space<vmem>>, vector<1x16xf32>,
      %swap3A_25 = arith.index_cast %add3A_20 : i32 to index
      %swap3A_26 = arith.constant 16 : index
      %swap3A_27 = tpu.vector_load %arg12[%swap3A_25, %swap3A_26] {strides = array<i32>} : memref<128x64xf32, #tpu.memory_space<vmem>>, vector<1x16xf32>,
      %swap3A_28 = vector.shape_cast %swap3A_27 : vector<1x16xf32> to vector<16xf32>
      %swap3A_29 = vector.shape_cast %broadcast_in_dim3A_1 : vector<16xf32> to vector<1x16xf32>
      tpu.vector_store %arg12[%swap3A_25, %swap3A_26], %swap3A_29 {strides = array<i32>} : memref<128x64xf32, #tpu.memory_space<vmem>>, vector<1x16xf32>,
      %swap3A_30 = arith.index_cast %add3A_20 : i32 to index
      %swap3A_31 = arith.constant 32 : index
      %swap3A_32 = tpu.vector_load %arg12[%swap3A_30, %swap3A_31] {strides = array<i32>} : memref<128x64xf32, #tpu.memory_space<vmem>>, vector<1x16xf32>,
      %swap3A_33 = vector.shape_cast %swap3A_32 : vector<1x16xf32> to vector<16xf32>
      %swap3A_34 = vector.shape_cast %broadcast_in_dim3A_1 : vector<16xf32> to vector<1x16xf32>
      tpu.vector_store %arg12[%swap3A_30, %swap3A_31], %swap3A_34 {strides = array<i32>} : memref<128x64xf32, #tpu.memory_space<vmem>>, vector<1x16xf32>,
      %swap3A_35 = arith.index_cast %add3A_20 : i32 to index
      %swap3A_36 = arith.constant 48 : index
      %swap3A_37 = tpu.vector_load %arg12[%swap3A_35, %swap3A_36] {strides = array<i32>} : memref<128x64xf32, #tpu.memory_space<vmem>>, vector<1x16xf32>,
      %swap3A_38 = vector.shape_cast %swap3A_37 : vector<1x16xf32> to vector<16xf32>
      %swap3A_39 = vector.shape_cast %broadcast_in_dim3A_1 : vector<16xf32> to vector<1x16xf32>
      tpu.vector_store %arg12[%swap3A_35, %swap3A_36], %swap3A_39 {strides = array<i32>} : memref<128x64xf32, #tpu.memory_space<vmem>>, vector<1x16xf32>,
    }
    %scan3A_5 = arith.constant 128 : i32
    %scan3A_6 = arith.constant 0 : i32
    %scan3A_7 = arith.constant 5 : i32
    %scan3A_8 = arith.addi %scan3A_6, %scan3A_7 : i32
    %scan3A_9 = arith.constant 1 : i32
    scf.for %scan3A_17 = %scan3A_6 to %scan3A_8 step %scan3A_9  : i32 {
      %mul3A_18 = arith.constant 1 : i32
      %mul3A_19 = arith.muli %scan3A_17, %mul3A_18 : i32
      %add3A = arith.constant 0 : i32
      %add3A_20 = arith.addi %add3A, %mul3A_19 : i32
      %mul3A_21 = arith.constant 128 : i32
      %mul3A_22 = arith.muli %add3A_20, %mul3A_21 : i32
      %add3A_23 = arith.addi %mul3A_0, %mul3A_22 : i32
      "tpu.region"() ({
        %run_scoped3A = tpu.sem_alloc : memref<!tpu.dma_semaphore, #tpu.memory_space<semaphore_mem>>
        %dma_start3A = arith.constant 0 : i32
        %dma_start3A_24 = tpu.memref_slice %arg7[%add3A_23, %dma_start3A] : memref<10240x64xf32, #tpu.memory_space<vmem_shared>> -> memref<128x64xf32, #tpu.memory_space<vmem_shared>>
        %dma_start3A_25 = arith.constant 0 : i32
        %dma_start3A_26 = tpu.memref_slice %arg7[%add3A_23, %dma_start3A_25] : memref<10240x64xf32, #tpu.memory_space<vmem_shared>> -> memref<128x64xf32, #tpu.memory_space<vmem_shared>>
        tpu.enqueue_dma source(%arg12 : memref<128x64xf32, #tpu.memory_space<vmem>>) target(%dma_start3A_26 : memref<128x64xf32, #tpu.memory_space<vmem_shared>>) target_semaphore(%run_scoped3A : memref<!tpu.dma_semaphore, #tpu.memory_space<semaphore_mem>>)
        %dma_wait3A = arith.constant 0 : i32
        %dma_wait3A_27 = tpu.memref_slice %arg7[%add3A_23, %dma_wait3A] : memref<10240x64xf32, #tpu.memory_space<vmem_shared>> -> memref<128x64xf32, #tpu.memory_space<vmem_shared>>
        %dma_wait3A_28 = arith.constant 0 : i32
        %dma_wait3A_29 = tpu.memref_slice %arg7[%add3A_23, %dma_wait3A_28] : memref<10240x64xf32, #tpu.memory_space<vmem_shared>> -> memref<128x64xf32, #tpu.memory_space<vmem_shared>>
        tpu.wait_dma2 semaphore(%run_scoped3A : memref<!tpu.dma_semaphore, #tpu.memory_space<semaphore_mem>>) src(%arg12 : memref<128x64xf32, #tpu.memory_space<vmem>>) dst(%dma_wait3A_29 : memref<128x64xf32, #tpu.memory_space<vmem_shared>>)
        tpu.yield
      }) : () -> ()
    }
    %scan3A_10 = arith.constant 5 : i32
    %barrier3A = arith.constant 0 : index
    tpu.barrier barrier_id(%barrier3A)
    %scan3A_11 = arith.constant 0 : i32
    %scan3A_12 = arith.constant 30 : i32
    %scan3A_13 = arith.addi %scan3A_11, %scan3A_12 : i32
    %scan3A_14 = arith.constant 1 : i32
    scf.for %scan3A_17 = %scan3A_11 to %scan3A_13 step %scan3A_14  : i32 {
      %mul3A_18 = arith.constant 1 : i32
      %mul3A_19 = arith.muli %scan3A_17, %mul3A_18 : i32
      %add3A = arith.constant 0 : i32
      %add3A_20 = arith.addi %add3A, %mul3A_19 : i32
      %mul3A_21 = arith.constant 480 : i32
      %mul3A_22 = arith.muli %arg1, %mul3A_21 : i32
      %mul3A_23 = arith.constant 16 : i32
      %mul3A_24 = arith.muli %add3A_20, %mul3A_23 : i32
      %add3A_25 = arith.addi %mul3A_22, %mul3A_24 : i32
      "tpu.region"() ({
        %run_scoped3A = tpu.sem_alloc : memref<!tpu.dma_semaphore, #tpu.memory_space<semaphore_mem>>
        %dma_start3A_50 = arith.constant 0 : i32
        %dma_start3A_51 = tpu.memref_slice %arg3[%add3A_25, %dma_start3A_50] : memref<7680x128xi32, #tpu.memory_space<hbm>> -> memref<16x128xi32, #tpu.memory_space<hbm>>
        %dma_start3A_52 = arith.constant 0 : i32
        %dma_start3A_53 = tpu.memref_slice %arg3[%add3A_25, %dma_start3A_52] : memref<7680x128xi32, #tpu.memory_space<hbm>> -> memref<16x128xi32, #tpu.memory_space<hbm>>
        tpu.enqueue_dma source(%dma_start3A_53 : memref<16x128xi32, #tpu.memory_space<hbm>>) target(%arg9 : memref<16x128xi32, #tpu.memory_space<vmem>>) target_semaphore(%run_scoped3A : memref<!tpu.dma_semaphore, #tpu.memory_space<semaphore_mem>>)
        %dma_wait3A_54 = arith.constant 0 : i32
        %dma_wait3A_55 = tpu.memref_slice %arg3[%add3A_25, %dma_wait3A_54] : memref<7680x128xi32, #tpu.memory_space<hbm>> -> memref<16x128xi32, #tpu.memory_space<hbm>>
        %dma_wait3A_56 = arith.constant 0 : i32
        %dma_wait3A_57 = tpu.memref_slice %arg3[%add3A_25, %dma_wait3A_56] : memref<7680x128xi32, #tpu.memory_space<hbm>> -> memref<16x128xi32, #tpu.memory_space<hbm>>
        tpu.wait_dma2 semaphore(%run_scoped3A : memref<!tpu.dma_semaphore, #tpu.memory_space<semaphore_mem>>) src(%dma_wait3A_57 : memref<16x128xi32, #tpu.memory_space<hbm>>) dst(%arg9 : memref<16x128xi32, #tpu.memory_space<vmem>>)
        tpu.yield
      }) : () -> ()
      "tpu.region"() ({
        %run_scoped3A = tpu.sem_alloc : memref<!tpu.dma_semaphore, #tpu.memory_space<semaphore_mem>>
        %dma_start3A_50 = arith.constant 0 : i32
        %dma_start3A_51 = tpu.memref_slice %arg4[%add3A_25, %dma_start3A_50] : memref<7680x128xi32, #tpu.memory_space<hbm>> -> memref<16x128xi32, #tpu.memory_space<hbm>>
        %dma_start3A_52 = arith.constant 0 : i32
        %dma_start3A_53 = tpu.memref_slice %arg4[%add3A_25, %dma_start3A_52] : memref<7680x128xi32, #tpu.memory_space<hbm>> -> memref<16x128xi32, #tpu.memory_space<hbm>>
        tpu.enqueue_dma source(%dma_start3A_53 : memref<16x128xi32, #tpu.memory_space<hbm>>) target(%arg10 : memref<16x128xi32, #tpu.memory_space<vmem>>) target_semaphore(%run_scoped3A : memref<!tpu.dma_semaphore, #tpu.memory_space<semaphore_mem>>)
        %dma_wait3A_54 = arith.constant 0 : i32
        %dma_wait3A_55 = tpu.memref_slice %arg4[%add3A_25, %dma_wait3A_54] : memref<7680x128xi32, #tpu.memory_space<hbm>> -> memref<16x128xi32, #tpu.memory_space<hbm>>
        %dma_wait3A_56 = arith.constant 0 : i32
        %dma_wait3A_57 = tpu.memref_slice %arg4[%add3A_25, %dma_wait3A_56] : memref<7680x128xi32, #tpu.memory_space<hbm>> -> memref<16x128xi32, #tpu.memory_space<hbm>>
        tpu.wait_dma2 semaphore(%run_scoped3A : memref<!tpu.dma_semaphore, #tpu.memory_space<semaphore_mem>>) src(%dma_wait3A_57 : memref<16x128xi32, #tpu.memory_space<hbm>>) dst(%arg10 : memref<16x128xi32, #tpu.memory_space<vmem>>)
        tpu.yield
      }) : () -> ()
      "tpu.region"() ({
        %run_scoped3A = tpu.sem_alloc : memref<!tpu.dma_semaphore, #tpu.memory_space<semaphore_mem>>
        %dma_start3A_50 = arith.constant 0 : i32
        %dma_start3A_51 = tpu.memref_slice %arg5[%add3A_25, %dma_start3A_50] : memref<7680x128xf32, #tpu.memory_space<hbm>> -> memref<16x128xf32, #tpu.memory_space<hbm>>
        %dma_start3A_52 = arith.constant 0 : i32
        %dma_start3A_53 = tpu.memref_slice %arg5[%add3A_25, %dma_start3A_52] : memref<7680x128xf32, #tpu.memory_space<hbm>> -> memref<16x128xf32, #tpu.memory_space<hbm>>
        tpu.enqueue_dma source(%dma_start3A_53 : memref<16x128xf32, #tpu.memory_space<hbm>>) target(%arg11 : memref<16x128xf32, #tpu.memory_space<vmem>>) target_semaphore(%run_scoped3A : memref<!tpu.dma_semaphore, #tpu.memory_space<semaphore_mem>>)
        %dma_wait3A_54 = arith.constant 0 : i32
        %dma_wait3A_55 = tpu.memref_slice %arg5[%add3A_25, %dma_wait3A_54] : memref<7680x128xf32, #tpu.memory_space<hbm>> -> memref<16x128xf32, #tpu.memory_space<hbm>>
        %dma_wait3A_56 = arith.constant 0 : i32
        %dma_wait3A_57 = tpu.memref_slice %arg5[%add3A_25, %dma_wait3A_56] : memref<7680x128xf32, #tpu.memory_space<hbm>> -> memref<16x128xf32, #tpu.memory_space<hbm>>
        tpu.wait_dma2 semaphore(%run_scoped3A : memref<!tpu.dma_semaphore, #tpu.memory_space<semaphore_mem>>) src(%dma_wait3A_57 : memref<16x128xf32, #tpu.memory_space<hbm>>) dst(%arg11 : memref<16x128xf32, #tpu.memory_space<vmem>>)
        tpu.yield
      }) : () -> ()
      %dma_start3A = arith.constant 0 : i32
      %dma_start3A_26 = arith.constant 0 : i32
      %dma_start3A_27 = tpu.memref_slice %arg9[%dma_start3A, %dma_start3A_26] : memref<16x128xi32, #tpu.memory_space<vmem>> -> memref<1x128xi32, #tpu.memory_space<vmem>>
      %dma_start3A_28 = tpu.memref_squeeze %dma_start3A_27 : memref<1x128xi32, #tpu.memory_space<vmem>> -> memref<128xi32, #tpu.memory_space<vmem>>
      %dma_start3A_29 = arith.constant 0 : i32
      %dma_start3A_30 = arith.constant 0 : i32
      %dma_start3A_31 = tpu.memref_slice %arg8[%dma_start3A_29, %dma_start3A_30] : memref<10240x64xf32, #tpu.memory_space<vmem_shared>> -> memref<10240x64xf32, #tpu.memory_space<vmem_shared>>
      tpu.enqueue_indirect_dma source(%dma_start3A_31 : memref<10240x64xf32, #tpu.memory_space<vmem_shared>>) target(%arg12 : memref<128x64xf32, #tpu.memory_space<vmem>>) offsets(%dma_start3A_28 : memref<128xi32, #tpu.memory_space<vmem>>) semaphore(%arg14 : memref<!tpu.dma_semaphore, #tpu.memory_space<semaphore_mem>>)
      %scan3A_32 = arith.constant 0 : i32
      %scan3A_33 = arith.constant 8 : i32
      %scan3A_34 = arith.addi %scan3A_32, %scan3A_33 : i32
      %scan3A_35 = arith.constant 1 : i32
      scf.for %scan3A_50 = %scan3A_32 to %scan3A_34 step %scan3A_35  : i32 {
        %mul3A_51 = arith.constant 1 : i32
        %mul3A_52 = arith.muli %scan3A_50, %mul3A_51 : i32
        %add3A_53 = arith.constant 0 : i32
        %add3A_54 = arith.addi %add3A_53, %mul3A_52 : i32
        %mul3A_55 = arith.constant 2 : i32
        %mul3A_56 = arith.muli %add3A_54, %mul3A_55 : i32
        %gt3A = arith.constant 0 : i32
        %gt3A_57 = arith.cmpi sgt, %mul3A_56, %gt3A : i32
        %convert_element_type3A = arith.extui %gt3A_57 : i1 to i32
        %cond3A = arith.constant 0 : i32
        %cond3A_58 = arith.cmpi ne, %convert_element_type3A, %cond3A : i32
        scf.if %cond3A_58 {
          %sub3A = arith.constant 1 : i32
          %sub3A_108 = arith.subi %mul3A_56, %sub3A : i32
          %dma_wait3A_109 = arith.constant 0 : i32
          %dma_wait3A_110 = tpu.memref_slice %arg10[%sub3A_108, %dma_wait3A_109] : memref<16x128xi32, #tpu.memory_space<vmem>> -> memref<1x128xi32, #tpu.memory_space<vmem>>
          %dma_wait3A_111 = tpu.memref_squeeze %dma_wait3A_110 : memref<1x128xi32, #tpu.memory_space<vmem>> -> memref<128xi32, #tpu.memory_space<vmem>>
          %dma_wait3A_112 = arith.constant 0 : i32
          %dma_wait3A_113 = arith.constant 0 : i32
          %dma_wait3A_114 = tpu.memref_slice %arg7[%dma_wait3A_112, %dma_wait3A_113] : memref<10240x64xf32, #tpu.memory_space<vmem_shared>> -> memref<10240x64xf32, #tpu.memory_space<vmem_shared>>
          tpu.wait_indirect_dma semaphore(%arg17 : memref<!tpu.dma_semaphore, #tpu.memory_space<semaphore_mem>>) src(%arg13 : memref<128x64xf32, #tpu.memory_space<vmem>>) dst(%dma_wait3A_114 : memref<10240x64xf32, #tpu.memory_space<vmem_shared>>)
        } else {
        }
        %add3A_59 = arith.constant 1 : i32
        %add3A_60 = arith.addi %mul3A_56, %add3A_59 : i32
        %dma_start3A_61 = arith.constant 0 : i32
        %dma_start3A_62 = tpu.memref_slice %arg9[%add3A_60, %dma_start3A_61] : memref<16x128xi32, #tpu.memory_space<vmem>> -> memref<1x128xi32, #tpu.memory_space<vmem>>
        %dma_start3A_63 = tpu.memref_squeeze %dma_start3A_62 : memref<1x128xi32, #tpu.memory_space<vmem>> -> memref<128xi32, #tpu.memory_space<vmem>>
        %dma_start3A_64 = arith.constant 0 : i32
        %dma_start3A_65 = arith.constant 0 : i32
        %dma_start3A_66 = tpu.memref_slice %arg8[%dma_start3A_64, %dma_start3A_65] : memref<10240x64xf32, #tpu.memory_space<vmem_shared>> -> memref<10240x64xf32, #tpu.memory_space<vmem_shared>>
        tpu.enqueue_indirect_dma source(%dma_start3A_66 : memref<10240x64xf32, #tpu.memory_space<vmem_shared>>) target(%arg13 : memref<128x64xf32, #tpu.memory_space<vmem>>) offsets(%dma_start3A_63 : memref<128xi32, #tpu.memory_space<vmem>>) semaphore(%arg15 : memref<!tpu.dma_semaphore, #tpu.memory_space<semaphore_mem>>)
        %dma_wait3A_67 = arith.constant 0 : i32
        %dma_wait3A_68 = tpu.memref_slice %arg9[%mul3A_56, %dma_wait3A_67] : memref<16x128xi32, #tpu.memory_space<vmem>> -> memref<1x128xi32, #tpu.memory_space<vmem>>
        %dma_wait3A_69 = tpu.memref_squeeze %dma_wait3A_68 : memref<1x128xi32, #tpu.memory_space<vmem>> -> memref<128xi32, #tpu.memory_space<vmem>>
        %dma_wait3A_70 = arith.constant 0 : i32
        %dma_wait3A_71 = arith.constant 0 : i32
        %dma_wait3A_72 = tpu.memref_slice %arg8[%dma_wait3A_70, %dma_wait3A_71] : memref<10240x64xf32, #tpu.memory_space<vmem_shared>> -> memref<10240x64xf32, #tpu.memory_space<vmem_shared>>
        tpu.wait_indirect_dma semaphore(%arg14 : memref<!tpu.dma_semaphore, #tpu.memory_space<semaphore_mem>>) src(%dma_wait3A_72 : memref<10240x64xf32, #tpu.memory_space<vmem_shared>>) dst(%arg12 : memref<128x64xf32, #tpu.memory_space<vmem>>)
        %parallel_loop3A = arith.constant 0 : i32
        %parallel_loop3A_73 = arith.constant 8 : i32
        %parallel_loop3A_74 = arith.constant 1 : i32
        scf.for %parallel_loop3A_108 = %parallel_loop3A to %parallel_loop3A_73 step %parallel_loop3A_74  : i32 {
          %parallel_loop3A_109 = arith.constant 16 : i32
          %parallel_loop3A_110 = arith.muli %parallel_loop3A_108, %parallel_loop3A_109 : i32
          %parallel_loop3A_111 = arith.index_cast %mul3A_56 : i32 to index
          %parallel_loop3A_112 = arith.index_cast %parallel_loop3A_110 : i32 to index
          %parallel_loop3A_113 = tpu.vector_load %arg11[%parallel_loop3A_111, %parallel_loop3A_112] {strides = array<i32>} : memref<16x128xf32, #tpu.memory_space<vmem>>, vector<1x16xf32>,
          %parallel_loop3A_114 = vector.shape_cast %parallel_loop3A_113 : vector<1x16xf32> to vector<16xf32>
          %parallel_loop3A_115 = vector.extract_strided_slice %parallel_loop3A_114 {offsets = [0], sizes = [1], strides = [1]} : vector<16xf32> to vector<1xf32>
          %parallel_loop3A_116 = vector.extract %parallel_loop3A_115[0] : f32 from vector<1xf32>
          %parallel_loop3A_117 = vector.broadcast %parallel_loop3A_116 : f32 to vector<16xf32>
          %parallel_loop3A_118 = arith.constant 16 : i32
          %parallel_loop3A_119 = arith.muli %parallel_loop3A_108, %parallel_loop3A_118 : i32
          %parallel_loop3A_120 = arith.constant 0 : i32
          %parallel_loop3A_121 = arith.addi %parallel_loop3A_119, %parallel_loop3A_120 : i32
          %parallel_loop3A_122 = arith.index_cast %parallel_loop3A_121 : i32 to index
          %parallel_loop3A_123 = arith.constant 0 : index
          %parallel_loop3A_124 = tpu.vector_load %arg12[%parallel_loop3A_122, %parallel_loop3A_123] {strides = array<i32>} : memref<128x64xf32, #tpu.memory_space<vmem>>, vector<1x16xf32>,
          %parallel_loop3A_125 = vector.shape_cast %parallel_loop3A_124 : vector<1x16xf32> to vector<16xf32>
          %parallel_loop3A_126 = arith.mulf %parallel_loop3A_125, %parallel_loop3A_117 : vector<16xf32>
          %parallel_loop3A_127 = arith.index_cast %parallel_loop3A_121 : i32 to index
          %parallel_loop3A_128 = arith.constant 0 : index
          %parallel_loop3A_129 = tpu.vector_load %arg12[%parallel_loop3A_127, %parallel_loop3A_128] {strides = array<i32>} : memref<128x64xf32, #tpu.memory_space<vmem>>, vector<1x16xf32>,
          %parallel_loop3A_130 = vector.shape_cast %parallel_loop3A_129 : vector<1x16xf32> to vector<16xf32>
          %parallel_loop3A_131 = vector.shape_cast %parallel_loop3A_126 : vector<16xf32> to vector<1x16xf32>
          tpu.vector_store %arg12[%parallel_loop3A_127, %parallel_loop3A_128], %parallel_loop3A_131 {strides = array<i32>} : memref<128x64xf32, #tpu.memory_space<vmem>>, vector<1x16xf32>,
          %parallel_loop3A_132 = arith.index_cast %parallel_loop3A_121 : i32 to index
          %parallel_loop3A_133 = arith.constant 16 : index
          %parallel_loop3A_134 = tpu.vector_load %arg12[%parallel_loop3A_132, %parallel_loop3A_133] {strides = array<i32>} : memref<128x64xf32, #tpu.memory_space<vmem>>, vector<1x16xf32>,
          %parallel_loop3A_135 = vector.shape_cast %parallel_loop3A_134 : vector<1x16xf32> to vector<16xf32>
          %parallel_loop3A_136 = arith.mulf %parallel_loop3A_135, %parallel_loop3A_117 : vector<16xf32>
          %parallel_loop3A_137 = arith.index_cast %parallel_loop3A_121 : i32 to index
          %parallel_loop3A_138 = arith.constant 16 : index
          %parallel_loop3A_139 = tpu.vector_load %arg12[%parallel_loop3A_137, %parallel_loop3A_138] {strides = array<i32>} : memref<128x64xf32, #tpu.memory_space<vmem>>, vector<1x16xf32>,
          %parallel_loop3A_140 = vector.shape_cast %parallel_loop3A_139 : vector<1x16xf32> to vector<16xf32>
          %parallel_loop3A_141 = vector.shape_cast %parallel_loop3A_136 : vector<16xf32> to vector<1x16xf32>
          tpu.vector_store %arg12[%parallel_loop3A_137, %parallel_loop3A_138], %parallel_loop3A_141 {strides = array<i32>} : memref<128x64xf32, #tpu.memory_space<vmem>>, vector<1x16xf32>,
          %parallel_loop3A_142 = arith.index_cast %parallel_loop3A_121 : i32 to index
          %parallel_loop3A_143 = arith.constant 32 : index
          %parallel_loop3A_144 = tpu.vector_load %arg12[%parallel_loop3A_142, %parallel_loop3A_143] {strides = array<i32>} : memref<128x64xf32, #tpu.memory_space<vmem>>, vector<1x16xf32>,
          %parallel_loop3A_145 = vector.shape_cast %parallel_loop3A_144 : vector<1x16xf32> to vector<16xf32>
          %parallel_loop3A_146 = arith.mulf %parallel_loop3A_145, %parallel_loop3A_117 : vector<16xf32>
          %parallel_loop3A_147 = arith.index_cast %parallel_loop3A_121 : i32 to index
          %parallel_loop3A_148 = arith.constant 32 : index
          %parallel_loop3A_149 = tpu.vector_load %arg12[%parallel_loop3A_147, %parallel_loop3A_148] {strides = array<i32>} : memref<128x64xf32, #tpu.memory_space<vmem>>, vector<1x16xf32>,
          %parallel_loop3A_150 = vector.shape_cast %parallel_loop3A_149 : vector<1x16xf32> to vector<16xf32>
          %parallel_loop3A_151 = vector.shape_cast %parallel_loop3A_146 : vector<16xf32> to vector<1x16xf32>
          tpu.vector_store %arg12[%parallel_loop3A_147, %parallel_loop3A_148], %parallel_loop3A_151 {strides = array<i32>} : memref<128x64xf32, #tpu.memory_space<vmem>>, vector<1x16xf32>,
          %parallel_loop3A_152 = arith.index_cast %parallel_loop3A_121 : i32 to index
          %parallel_loop3A_153 = arith.constant 48 : index
          %parallel_loop3A_154 = tpu.vector_load %arg12[%parallel_loop3A_152, %parallel_loop3A_153] {strides = array<i32>} : memref<128x64xf32, #tpu.memory_space<vmem>>, vector<1x16xf32>,
          %parallel_loop3A_155 = vector.shape_cast %parallel_loop3A_154 : vector<1x16xf32> to vector<16xf32>
          %parallel_loop3A_156 = arith.mulf %parallel_loop3A_155, %parallel_loop3A_117 : vector<16xf32>
          %parallel_loop3A_157 = arith.index_cast %parallel_loop3A_121 : i32 to index
          %parallel_loop3A_158 = arith.constant 48 : index
          %parallel_loop3A_159 = tpu.vector_load %arg12[%parallel_loop3A_157, %parallel_loop3A_158] {strides = array<i32>} : memref<128x64xf32, #tpu.memory_space<vmem>>, vector<1x16xf32>,
          %parallel_loop3A_160 = vector.shape_cast %parallel_loop3A_159 : vector<1x16xf32> to vector<16xf32>
          %parallel_loop3A_161 = vector.shape_cast %parallel_loop3A_156 : vector<16xf32> to vector<1x16xf32>
          tpu.vector_store %arg12[%parallel_loop3A_157, %parallel_loop3A_158], %parallel_loop3A_161 {strides = array<i32>} : memref<128x64xf32, #tpu.memory_space<vmem>>, vector<1x16xf32>,
          %parallel_loop3A_162 = vector.extract_strided_slice %parallel_loop3A_114 {offsets = [1], sizes = [1], strides = [1]} : vector<16xf32> to vector<1xf32>
          %parallel_loop3A_163 = vector.extract %parallel_loop3A_162[0] : f32 from vector<1xf32>
          %parallel_loop3A_164 = vector.broadcast %parallel_loop3A_163 : f32 to vector<16xf32>
          %parallel_loop3A_165 = arith.constant 16 : i32
          %parallel_loop3A_166 = arith.muli %parallel_loop3A_108, %parallel_loop3A_165 : i32
          %parallel_loop3A_167 = arith.constant 1 : i32
          %parallel_loop3A_168 = arith.addi %parallel_loop3A_166, %parallel_loop3A_167 : i32
          %parallel_loop3A_169 = arith.index_cast %parallel_loop3A_168 : i32 to index
          %parallel_loop3A_170 = arith.constant 0 : index
          %parallel_loop3A_171 = tpu.vector_load %arg12[%parallel_loop3A_169, %parallel_loop3A_170] {strides = array<i32>} : memref<128x64xf32, #tpu.memory_space<vmem>>, vector<1x16xf32>,
          %parallel_loop3A_172 = vector.shape_cast %parallel_loop3A_171 : vector<1x16xf32> to vector<16xf32>
          %parallel_loop3A_173 = arith.mulf %parallel_loop3A_172, %parallel_loop3A_164 : vector<16xf32>
          %parallel_loop3A_174 = arith.index_cast %parallel_loop3A_168 : i32 to index
          %parallel_loop3A_175 = arith.constant 0 : index
          %parallel_loop3A_176 = tpu.vector_load %arg12[%parallel_loop3A_174, %parallel_loop3A_175] {strides = array<i32>} : memref<128x64xf32, #tpu.memory_space<vmem>>, vector<1x16xf32>,
          %parallel_loop3A_177 = vector.shape_cast %parallel_loop3A_176 : vector<1x16xf32> to vector<16xf32>
          %parallel_loop3A_178 = vector.shape_cast %parallel_loop3A_173 : vector<16xf32> to vector<1x16xf32>
          tpu.vector_store %arg12[%parallel_loop3A_174, %parallel_loop3A_175], %parallel_loop3A_178 {strides = array<i32>} : memref<128x64xf32, #tpu.memory_space<vmem>>, vector<1x16xf32>,
          %parallel_loop3A_179 = arith.index_cast %parallel_loop3A_168 : i32 to index
          %parallel_loop3A_180 = arith.constant 16 : index
          %parallel_loop3A_181 = tpu.vector_load %arg12[%parallel_loop3A_179, %parallel_loop3A_180] {strides = array<i32>} : memref<128x64xf32, #tpu.memory_space<vmem>>, vector<1x16xf32>,
          %parallel_loop3A_182 = vector.shape_cast %parallel_loop3A_181 : vector<1x16xf32> to vector<16xf32>
          %parallel_loop3A_183 = arith.mulf %parallel_loop3A_182, %parallel_loop3A_164 : vector<16xf32>
          %parallel_loop3A_184 = arith.index_cast %parallel_loop3A_168 : i32 to index
          %parallel_loop3A_185 = arith.constant 16 : index
          %parallel_loop3A_186 = tpu.vector_load %arg12[%parallel_loop3A_184, %parallel_loop3A_185] {strides = array<i32>} : memref<128x64xf32, #tpu.memory_space<vmem>>, vector<1x16xf32>,
          %parallel_loop3A_187 = vector.shape_cast %parallel_loop3A_186 : vector<1x16xf32> to vector<16xf32>
          %parallel_loop3A_188 = vector.shape_cast %parallel_loop3A_183 : vector<16xf32> to vector<1x16xf32>
          tpu.vector_store %arg12[%parallel_loop3A_184, %parallel_loop3A_185], %parallel_loop3A_188 {strides = array<i32>} : memref<128x64xf32, #tpu.memory_space<vmem>>, vector<1x16xf32>,
          %parallel_loop3A_189 = arith.index_cast %parallel_loop3A_168 : i32 to index
          %parallel_loop3A_190 = arith.constant 32 : index
          %parallel_loop3A_191 = tpu.vector_load %arg12[%parallel_loop3A_189, %parallel_loop3A_190] {strides = array<i32>} : memref<128x64xf32, #tpu.memory_space<vmem>>, vector<1x16xf32>,
          %parallel_loop3A_192 = vector.shape_cast %parallel_loop3A_191 : vector<1x16xf32> to vector<16xf32>
          %parallel_loop3A_193 = arith.mulf %parallel_loop3A_192, %parallel_loop3A_164 : vector<16xf32>
          %parallel_loop3A_194 = arith.index_cast %parallel_loop3A_168 : i32 to index
          %parallel_loop3A_195 = arith.constant 32 : index
          %parallel_loop3A_196 = tpu.vector_load %arg12[%parallel_loop3A_194, %parallel_loop3A_195] {strides = array<i32>} : memref<128x64xf32, #tpu.memory_space<vmem>>, vector<1x16xf32>,
          %parallel_loop3A_197 = vector.shape_cast %parallel_loop3A_196 : vector<1x16xf32> to vector<16xf32>
          %parallel_loop3A_198 = vector.shape_cast %parallel_loop3A_193 : vector<16xf32> to vector<1x16xf32>
          tpu.vector_store %arg12[%parallel_loop3A_194, %parallel_loop3A_195], %parallel_loop3A_198 {strides = array<i32>} : memref<128x64xf32, #tpu.memory_space<vmem>>, vector<1x16xf32>,
          %parallel_loop3A_199 = arith.index_cast %parallel_loop3A_168 : i32 to index
          %parallel_loop3A_200 = arith.constant 48 : index
          %parallel_loop3A_201 = tpu.vector_load %arg12[%parallel_loop3A_199, %parallel_loop3A_200] {strides = array<i32>} : memref<128x64xf32, #tpu.memory_space<vmem>>, vector<1x16xf32>,
          %parallel_loop3A_202 = vector.shape_cast %parallel_loop3A_201 : vector<1x16xf32> to vector<16xf32>
          %parallel_loop3A_203 = arith.mulf %parallel_loop3A_202, %parallel_loop3A_164 : vector<16xf32>
          %parallel_loop3A_204 = arith.index_cast %parallel_loop3A_168 : i32 to index
          %parallel_loop3A_205 = arith.constant 48 : index
          %parallel_loop3A_206 = tpu.vector_load %arg12[%parallel_loop3A_204, %parallel_loop3A_205] {strides = array<i32>} : memref<128x64xf32, #tpu.memory_space<vmem>>, vector<1x16xf32>,
          %parallel_loop3A_207 = vector.shape_cast %parallel_loop3A_206 : vector<1x16xf32> to vector<16xf32>
          %parallel_loop3A_208 = vector.shape_cast %parallel_loop3A_203 : vector<16xf32> to vector<1x16xf32>
          tpu.vector_store %arg12[%parallel_loop3A_204, %parallel_loop3A_205], %parallel_loop3A_208 {strides = array<i32>} : memref<128x64xf32, #tpu.memory_space<vmem>>, vector<1x16xf32>,
          %parallel_loop3A_209 = vector.extract_strided_slice %parallel_loop3A_114 {offsets = [2], sizes = [1], strides = [1]} : vector<16xf32> to vector<1xf32>
          %parallel_loop3A_210 = vector.extract %parallel_loop3A_209[0] : f32 from vector<1xf32>
          %parallel_loop3A_211 = vector.broadcast %parallel_loop3A_210 : f32 to vector<16xf32>
          %parallel_loop3A_212 = arith.constant 16 : i32
          %parallel_loop3A_213 = arith.muli %parallel_loop3A_108, %parallel_loop3A_212 : i32
          %parallel_loop3A_214 = arith.constant 2 : i32
          %parallel_loop3A_215 = arith.addi %parallel_loop3A_213, %parallel_loop3A_214 : i32
          %parallel_loop3A_216 = arith.index_cast %parallel_loop3A_215 : i32 to index
          %parallel_loop3A_217 = arith.constant 0 : index
          %parallel_loop3A_218 = tpu.vector_load %arg12[%parallel_loop3A_216, %parallel_loop3A_217] {strides = array<i32>} : memref<128x64xf32, #tpu.memory_space<vmem>>, vector<1x16xf32>,
          %parallel_loop3A_219 = vector.shape_cast %parallel_loop3A_218 : vector<1x16xf32> to vector<16xf32>
          %parallel_loop3A_220 = arith.mulf %parallel_loop3A_219, %parallel_loop3A_211 : vector<16xf32>
          %parallel_loop3A_221 = arith.index_cast %parallel_loop3A_215 : i32 to index
          %parallel_loop3A_222 = arith.constant 0 : index
          %parallel_loop3A_223 = tpu.vector_load %arg12[%parallel_loop3A_221, %parallel_loop3A_222] {strides = array<i32>} : memref<128x64xf32, #tpu.memory_space<vmem>>, vector<1x16xf32>,
          %parallel_loop3A_224 = vector.shape_cast %parallel_loop3A_223 : vector<1x16xf32> to vector<16xf32>
          %parallel_loop3A_225 = vector.shape_cast %parallel_loop3A_220 : vector<16xf32> to vector<1x16xf32>
          tpu.vector_store %arg12[%parallel_loop3A_221, %parallel_loop3A_222], %parallel_loop3A_225 {strides = array<i32>} : memref<128x64xf32, #tpu.memory_space<vmem>>, vector<1x16xf32>,
          %parallel_loop3A_226 = arith.index_cast %parallel_loop3A_215 : i32 to index
          %parallel_loop3A_227 = arith.constant 16 : index
          %parallel_loop3A_228 = tpu.vector_load %arg12[%parallel_loop3A_226, %parallel_loop3A_227] {strides = array<i32>} : memref<128x64xf32, #tpu.memory_space<vmem>>, vector<1x16xf32>,
          %parallel_loop3A_229 = vector.shape_cast %parallel_loop3A_228 : vector<1x16xf32> to vector<16xf32>
          %parallel_loop3A_230 = arith.mulf %parallel_loop3A_229, %parallel_loop3A_211 : vector<16xf32>
          %parallel_loop3A_231 = arith.index_cast %parallel_loop3A_215 : i32 to index
          %parallel_loop3A_232 = arith.constant 16 : index
          %parallel_loop3A_233 = tpu.vector_load %arg12[%parallel_loop3A_231, %parallel_loop3A_232] {strides = array<i32>} : memref<128x64xf32, #tpu.memory_space<vmem>>, vector<1x16xf32>,
          %parallel_loop3A_234 = vector.shape_cast %parallel_loop3A_233 : vector<1x16xf32> to vector<16xf32>
          %parallel_loop3A_235 = vector.shape_cast %parallel_loop3A_230 : vector<16xf32> to vector<1x16xf32>
          tpu.vector_store %arg12[%parallel_loop3A_231, %parallel_loop3A_232], %parallel_loop3A_235 {strides = array<i32>} : memref<128x64xf32, #tpu.memory_space<vmem>>, vector<1x16xf32>,
          %parallel_loop3A_236 = arith.index_cast %parallel_loop3A_215 : i32 to index
          %parallel_loop3A_237 = arith.constant 32 : index
          %parallel_loop3A_238 = tpu.vector_load %arg12[%parallel_loop3A_236, %parallel_loop3A_237] {strides = array<i32>} : memref<128x64xf32, #tpu.memory_space<vmem>>, vector<1x16xf32>,
          %parallel_loop3A_239 = vector.shape_cast %parallel_loop3A_238 : vector<1x16xf32> to vector<16xf32>
          %parallel_loop3A_240 = arith.mulf %parallel_loop3A_239, %parallel_loop3A_211 : vector<16xf32>
          %parallel_loop3A_241 = arith.index_cast %parallel_loop3A_215 : i32 to index
          %parallel_loop3A_242 = arith.constant 32 : index
          %parallel_loop3A_243 = tpu.vector_load %arg12[%parallel_loop3A_241, %parallel_loop3A_242] {strides = array<i32>} : memref<128x64xf32, #tpu.memory_space<vmem>>, vector<1x16xf32>,
          %parallel_loop3A_244 = vector.shape_cast %parallel_loop3A_243 : vector<1x16xf32> to vector<16xf32>
          %parallel_loop3A_245 = vector.shape_cast %parallel_loop3A_240 : vector<16xf32> to vector<1x16xf32>
          tpu.vector_store %arg12[%parallel_loop3A_241, %parallel_loop3A_242], %parallel_loop3A_245 {strides = array<i32>} : memref<128x64xf32, #tpu.memory_space<vmem>>, vector<1x16xf32>,
          %parallel_loop3A_246 = arith.index_cast %parallel_loop3A_215 : i32 to index
          %parallel_loop3A_247 = arith.constant 48 : index
          %parallel_loop3A_248 = tpu.vector_load %arg12[%parallel_loop3A_246, %parallel_loop3A_247] {strides = array<i32>} : memref<128x64xf32, #tpu.memory_space<vmem>>, vector<1x16xf32>,
          %parallel_loop3A_249 = vector.shape_cast %parallel_loop3A_248 : vector<1x16xf32> to vector<16xf32>
          %parallel_loop3A_250 = arith.mulf %parallel_loop3A_249, %parallel_loop3A_211 : vector<16xf32>
          %parallel_loop3A_251 = arith.index_cast %parallel_loop3A_215 : i32 to index
          %parallel_loop3A_252 = arith.constant 48 : index
          %parallel_loop3A_253 = tpu.vector_load %arg12[%parallel_loop3A_251, %parallel_loop3A_252] {strides = array<i32>} : memref<128x64xf32, #tpu.memory_space<vmem>>, vector<1x16xf32>,
          %parallel_loop3A_254 = vector.shape_cast %parallel_loop3A_253 : vector<1x16xf32> to vector<16xf32>
          %parallel_loop3A_255 = vector.shape_cast %parallel_loop3A_250 : vector<16xf32> to vector<1x16xf32>
          tpu.vector_store %arg12[%parallel_loop3A_251, %parallel_loop3A_252], %parallel_loop3A_255 {strides = array<i32>} : memref<128x64xf32, #tpu.memory_space<vmem>>, vector<1x16xf32>,
          %parallel_loop3A_256 = vector.extract_strided_slice %parallel_loop3A_114 {offsets = [3], sizes = [1], strides = [1]} : vector<16xf32> to vector<1xf32>
          %parallel_loop3A_257 = vector.extract %parallel_loop3A_256[0] : f32 from vector<1xf32>
          %parallel_loop3A_258 = vector.broadcast %parallel_loop3A_257 : f32 to vector<16xf32>
          %parallel_loop3A_259 = arith.constant 16 : i32
          %parallel_loop3A_260 = arith.muli %parallel_loop3A_108, %parallel_loop3A_259 : i32
          %parallel_loop3A_261 = arith.constant 3 : i32
          %parallel_loop3A_262 = arith.addi %parallel_loop3A_260, %parallel_loop3A_261 : i32
          %parallel_loop3A_263 = arith.index_cast %parallel_loop3A_262 : i32 to index
          %parallel_loop3A_264 = arith.constant 0 : index
          %parallel_loop3A_265 = tpu.vector_load %arg12[%parallel_loop3A_263, %parallel_loop3A_264] {strides = array<i32>} : memref<128x64xf32, #tpu.memory_space<vmem>>, vector<1x16xf32>,
          %parallel_loop3A_266 = vector.shape_cast %parallel_loop3A_265 : vector<1x16xf32> to vector<16xf32>
          %parallel_loop3A_267 = arith.mulf %parallel_loop3A_266, %parallel_loop3A_258 : vector<16xf32>
          %parallel_loop3A_268 = arith.index_cast %parallel_loop3A_262 : i32 to index
          %parallel_loop3A_269 = arith.constant 0 : index
          %parallel_loop3A_270 = tpu.vector_load %arg12[%parallel_loop3A_268, %parallel_loop3A_269] {strides = array<i32>} : memref<128x64xf32, #tpu.memory_space<vmem>>, vector<1x16xf32>,
          %parallel_loop3A_271 = vector.shape_cast %parallel_loop3A_270 : vector<1x16xf32> to vector<16xf32>
          %parallel_loop3A_272 = vector.shape_cast %parallel_loop3A_267 : vector<16xf32> to vector<1x16xf32>
          tpu.vector_store %arg12[%parallel_loop3A_268, %parallel_loop3A_269], %parallel_loop3A_272 {strides = array<i32>} : memref<128x64xf32, #tpu.memory_space<vmem>>, vector<1x16xf32>,
          %parallel_loop3A_273 = arith.index_cast %parallel_loop3A_262 : i32 to index
          %parallel_loop3A_274 = arith.constant 16 : index
          %parallel_loop3A_275 = tpu.vector_load %arg12[%parallel_loop3A_273, %parallel_loop3A_274] {strides = array<i32>} : memref<128x64xf32, #tpu.memory_space<vmem>>, vector<1x16xf32>,
          %parallel_loop3A_276 = vector.shape_cast %parallel_loop3A_275 : vector<1x16xf32> to vector<16xf32>
          %parallel_loop3A_277 = arith.mulf %parallel_loop3A_276, %parallel_loop3A_258 : vector<16xf32>
          %parallel_loop3A_278 = arith.index_cast %parallel_loop3A_262 : i32 to index
          %parallel_loop3A_279 = arith.constant 16 : index
          %parallel_loop3A_280 = tpu.vector_load %arg12[%parallel_loop3A_278, %parallel_loop3A_279] {strides = array<i32>} : memref<128x64xf32, #tpu.memory_space<vmem>>, vector<1x16xf32>,
          %parallel_loop3A_281 = vector.shape_cast %parallel_loop3A_280 : vector<1x16xf32> to vector<16xf32>
          %parallel_loop3A_282 = vector.shape_cast %parallel_loop3A_277 : vector<16xf32> to vector<1x16xf32>
          tpu.vector_store %arg12[%parallel_loop3A_278, %parallel_loop3A_279], %parallel_loop3A_282 {strides = array<i32>} : memref<128x64xf32, #tpu.memory_space<vmem>>, vector<1x16xf32>,
          %parallel_loop3A_283 = arith.index_cast %parallel_loop3A_262 : i32 to index
          %parallel_loop3A_284 = arith.constant 32 : index
          %parallel_loop3A_285 = tpu.vector_load %arg12[%parallel_loop3A_283, %parallel_loop3A_284] {strides = array<i32>} : memref<128x64xf32, #tpu.memory_space<vmem>>, vector<1x16xf32>,
          %parallel_loop3A_286 = vector.shape_cast %parallel_loop3A_285 : vector<1x16xf32> to vector<16xf32>
          %parallel_loop3A_287 = arith.mulf %parallel_loop3A_286, %parallel_loop3A_258 : vector<16xf32>
          %parallel_loop3A_288 = arith.index_cast %parallel_loop3A_262 : i32 to index
          %parallel_loop3A_289 = arith.constant 32 : index
          %parallel_loop3A_290 = tpu.vector_load %arg12[%parallel_loop3A_288, %parallel_loop3A_289] {strides = array<i32>} : memref<128x64xf32, #tpu.memory_space<vmem>>, vector<1x16xf32>,
          %parallel_loop3A_291 = vector.shape_cast %parallel_loop3A_290 : vector<1x16xf32> to vector<16xf32>
          %parallel_loop3A_292 = vector.shape_cast %parallel_loop3A_287 : vector<16xf32> to vector<1x16xf32>
          tpu.vector_store %arg12[%parallel_loop3A_288, %parallel_loop3A_289], %parallel_loop3A_292 {strides = array<i32>} : memref<128x64xf32, #tpu.memory_space<vmem>>, vector<1x16xf32>,
          %parallel_loop3A_293 = arith.index_cast %parallel_loop3A_262 : i32 to index
          %parallel_loop3A_294 = arith.constant 48 : index
          %parallel_loop3A_295 = tpu.vector_load %arg12[%parallel_loop3A_293, %parallel_loop3A_294] {strides = array<i32>} : memref<128x64xf32, #tpu.memory_space<vmem>>, vector<1x16xf32>,
          %parallel_loop3A_296 = vector.shape_cast %parallel_loop3A_295 : vector<1x16xf32> to vector<16xf32>
          %parallel_loop3A_297 = arith.mulf %parallel_loop3A_296, %parallel_loop3A_258 : vector<16xf32>
          %parallel_loop3A_298 = arith.index_cast %parallel_loop3A_262 : i32 to index
          %parallel_loop3A_299 = arith.constant 48 : index
          %parallel_loop3A_300 = tpu.vector_load %arg12[%parallel_loop3A_298, %parallel_loop3A_299] {strides = array<i32>} : memref<128x64xf32, #tpu.memory_space<vmem>>, vector<1x16xf32>,
          %parallel_loop3A_301 = vector.shape_cast %parallel_loop3A_300 : vector<1x16xf32> to vector<16xf32>
          %parallel_loop3A_302 = vector.shape_cast %parallel_loop3A_297 : vector<16xf32> to vector<1x16xf32>
          tpu.vector_store %arg12[%parallel_loop3A_298, %parallel_loop3A_299], %parallel_loop3A_302 {strides = array<i32>} : memref<128x64xf32, #tpu.memory_space<vmem>>, vector<1x16xf32>,
          %parallel_loop3A_303 = vector.extract_strided_slice %parallel_loop3A_114 {offsets = [4], sizes = [1], strides = [1]} : vector<16xf32> to vector<1xf32>
          %parallel_loop3A_304 = vector.extract %parallel_loop3A_303[0] : f32 from vector<1xf32>
          %parallel_loop3A_305 = vector.broadcast %parallel_loop3A_304 : f32 to vector<16xf32>
          %parallel_loop3A_306 = arith.constant 16 : i32
          %parallel_loop3A_307 = arith.muli %parallel_loop3A_108, %parallel_loop3A_306 : i32
          %parallel_loop3A_308 = arith.constant 4 : i32
          %parallel_loop3A_309 = arith.addi %parallel_loop3A_307, %parallel_loop3A_308 : i32
          %parallel_loop3A_310 = arith.index_cast %parallel_loop3A_309 : i32 to index
          %parallel_loop3A_311 = arith.constant 0 : index
          %parallel_loop3A_312 = tpu.vector_load %arg12[%parallel_loop3A_310, %parallel_loop3A_311] {strides = array<i32>} : memref<128x64xf32, #tpu.memory_space<vmem>>, vector<1x16xf32>,
          %parallel_loop3A_313 = vector.shape_cast %parallel_loop3A_312 : vector<1x16xf32> to vector<16xf32>
          %parallel_loop3A_314 = arith.mulf %parallel_loop3A_313, %parallel_loop3A_305 : vector<16xf32>
          %parallel_loop3A_315 = arith.index_cast %parallel_loop3A_309 : i32 to index
          %parallel_loop3A_316 = arith.constant 0 : index
          %parallel_loop3A_317 = tpu.vector_load %arg12[%parallel_loop3A_315, %parallel_loop3A_316] {strides = array<i32>} : memref<128x64xf32, #tpu.memory_space<vmem>>, vector<1x16xf32>,
          %parallel_loop3A_318 = vector.shape_cast %parallel_loop3A_317 : vector<1x16xf32> to vector<16xf32>
          %parallel_loop3A_319 = vector.shape_cast %parallel_loop3A_314 : vector<16xf32> to vector<1x16xf32>
          tpu.vector_store %arg12[%parallel_loop3A_315, %parallel_loop3A_316], %parallel_loop3A_319 {strides = array<i32>} : memref<128x64xf32, #tpu.memory_space<vmem>>, vector<1x16xf32>,
          %parallel_loop3A_320 = arith.index_cast %parallel_loop3A_309 : i32 to index
          %parallel_loop3A_321 = arith.constant 16 : index
          %parallel_loop3A_322 = tpu.vector_load %arg12[%parallel_loop3A_320, %parallel_loop3A_321] {strides = array<i32>} : memref<128x64xf32, #tpu.memory_space<vmem>>, vector<1x16xf32>,
          %parallel_loop3A_323 = vector.shape_cast %parallel_loop3A_322 : vector<1x16xf32> to vector<16xf32>
          %parallel_loop3A_324 = arith.mulf %parallel_loop3A_323, %parallel_loop3A_305 : vector<16xf32>
          %parallel_loop3A_325 = arith.index_cast %parallel_loop3A_309 : i32 to index
          %parallel_loop3A_326 = arith.constant 16 : index
          %parallel_loop3A_327 = tpu.vector_load %arg12[%parallel_loop3A_325, %parallel_loop3A_326] {strides = array<i32>} : memref<128x64xf32, #tpu.memory_space<vmem>>, vector<1x16xf32>,
          %parallel_loop3A_328 = vector.shape_cast %parallel_loop3A_327 : vector<1x16xf32> to vector<16xf32>
          %parallel_loop3A_329 = vector.shape_cast %parallel_loop3A_324 : vector<16xf32> to vector<1x16xf32>
          tpu.vector_store %arg12[%parallel_loop3A_325, %parallel_loop3A_326], %parallel_loop3A_329 {strides = array<i32>} : memref<128x64xf32, #tpu.memory_space<vmem>>, vector<1x16xf32>,
          %parallel_loop3A_330 = arith.index_cast %parallel_loop3A_309 : i32 to index
          %parallel_loop3A_331 = arith.constant 32 : index
          %parallel_loop3A_332 = tpu.vector_load %arg12[%parallel_loop3A_330, %parallel_loop3A_331] {strides = array<i32>} : memref<128x64xf32, #tpu.memory_space<vmem>>, vector<1x16xf32>,
          %parallel_loop3A_333 = vector.shape_cast %parallel_loop3A_332 : vector<1x16xf32> to vector<16xf32>
          %parallel_loop3A_334 = arith.mulf %parallel_loop3A_333, %parallel_loop3A_305 : vector<16xf32>
          %parallel_loop3A_335 = arith.index_cast %parallel_loop3A_309 : i32 to index
          %parallel_loop3A_336 = arith.constant 32 : index
          %parallel_loop3A_337 = tpu.vector_load %arg12[%parallel_loop3A_335, %parallel_loop3A_336] {strides = array<i32>} : memref<128x64xf32, #tpu.memory_space<vmem>>, vector<1x16xf32>,
          %parallel_loop3A_338 = vector.shape_cast %parallel_loop3A_337 : vector<1x16xf32> to vector<16xf32>
          %parallel_loop3A_339 = vector.shape_cast %parallel_loop3A_334 : vector<16xf32> to vector<1x16xf32>
          tpu.vector_store %arg12[%parallel_loop3A_335, %parallel_loop3A_336], %parallel_loop3A_339 {strides = array<i32>} : memref<128x64xf32, #tpu.memory_space<vmem>>, vector<1x16xf32>,
          %parallel_loop3A_340 = arith.index_cast %parallel_loop3A_309 : i32 to index
          %parallel_loop3A_341 = arith.constant 48 : index
          %parallel_loop3A_342 = tpu.vector_load %arg12[%parallel_loop3A_340, %parallel_loop3A_341] {strides = array<i32>} : memref<128x64xf32, #tpu.memory_space<vmem>>, vector<1x16xf32>,
          %parallel_loop3A_343 = vector.shape_cast %parallel_loop3A_342 : vector<1x16xf32> to vector<16xf32>
          %parallel_loop3A_344 = arith.mulf %parallel_loop3A_343, %parallel_loop3A_305 : vector<16xf32>
          %parallel_loop3A_345 = arith.index_cast %parallel_loop3A_309 : i32 to index
          %parallel_loop3A_346 = arith.constant 48 : index
          %parallel_loop3A_347 = tpu.vector_load %arg12[%parallel_loop3A_345, %parallel_loop3A_346] {strides = array<i32>} : memref<128x64xf32, #tpu.memory_space<vmem>>, vector<1x16xf32>,
          %parallel_loop3A_348 = vector.shape_cast %parallel_loop3A_347 : vector<1x16xf32> to vector<16xf32>
          %parallel_loop3A_349 = vector.shape_cast %parallel_loop3A_344 : vector<16xf32> to vector<1x16xf32>
          tpu.vector_store %arg12[%parallel_loop3A_345, %parallel_loop3A_346], %parallel_loop3A_349 {strides = array<i32>} : memref<128x64xf32, #tpu.memory_space<vmem>>, vector<1x16xf32>,
          %parallel_loop3A_350 = vector.extract_strided_slice %parallel_loop3A_114 {offsets = [5], sizes = [1], strides = [1]} : vector<16xf32> to vector<1xf32>
          %parallel_loop3A_351 = vector.extract %parallel_loop3A_350[0] : f32 from vector<1xf32>
          %parallel_loop3A_352 = vector.broadcast %parallel_loop3A_351 : f32 to vector<16xf32>
          %parallel_loop3A_353 = arith.constant 16 : i32
          %parallel_loop3A_354 = arith.muli %parallel_loop3A_108, %parallel_loop3A_353 : i32
          %parallel_loop3A_355 = arith.constant 5 : i32
          %parallel_loop3A_356 = arith.addi %parallel_loop3A_354, %parallel_loop3A_355 : i32
          %parallel_loop3A_357 = arith.index_cast %parallel_loop3A_356 : i32 to index
          %parallel_loop3A_358 = arith.constant 0 : index
          %parallel_loop3A_359 = tpu.vector_load %arg12[%parallel_loop3A_357, %parallel_loop3A_358] {strides = array<i32>} : memref<128x64xf32, #tpu.memory_space<vmem>>, vector<1x16xf32>,
          %parallel_loop3A_360 = vector.shape_cast %parallel_loop3A_359 : vector<1x16xf32> to vector<16xf32>
          %parallel_loop3A_361 = arith.mulf %parallel_loop3A_360, %parallel_loop3A_352 : vector<16xf32>
          %parallel_loop3A_362 = arith.index_cast %parallel_loop3A_356 : i32 to index
          %parallel_loop3A_363 = arith.constant 0 : index
          %parallel_loop3A_364 = tpu.vector_load %arg12[%parallel_loop3A_362, %parallel_loop3A_363] {strides = array<i32>} : memref<128x64xf32, #tpu.memory_space<vmem>>, vector<1x16xf32>,
          %parallel_loop3A_365 = vector.shape_cast %parallel_loop3A_364 : vector<1x16xf32> to vector<16xf32>
          %parallel_loop3A_366 = vector.shape_cast %parallel_loop3A_361 : vector<16xf32> to vector<1x16xf32>
          tpu.vector_store %arg12[%parallel_loop3A_362, %parallel_loop3A_363], %parallel_loop3A_366 {strides = array<i32>} : memref<128x64xf32, #tpu.memory_space<vmem>>, vector<1x16xf32>,
          %parallel_loop3A_367 = arith.index_cast %parallel_loop3A_356 : i32 to index
          %parallel_loop3A_368 = arith.constant 16 : index
          %parallel_loop3A_369 = tpu.vector_load %arg12[%parallel_loop3A_367, %parallel_loop3A_368] {strides = array<i32>} : memref<128x64xf32, #tpu.memory_space<vmem>>, vector<1x16xf32>,
          %parallel_loop3A_370 = vector.shape_cast %parallel_loop3A_369 : vector<1x16xf32> to vector<16xf32>
          %parallel_loop3A_371 = arith.mulf %parallel_loop3A_370, %parallel_loop3A_352 : vector<16xf32>
          %parallel_loop3A_372 = arith.index_cast %parallel_loop3A_356 : i32 to index
          %parallel_loop3A_373 = arith.constant 16 : index
          %parallel_loop3A_374 = tpu.vector_load %arg12[%parallel_loop3A_372, %parallel_loop3A_373] {strides = array<i32>} : memref<128x64xf32, #tpu.memory_space<vmem>>, vector<1x16xf32>,
          %parallel_loop3A_375 = vector.shape_cast %parallel_loop3A_374 : vector<1x16xf32> to vector<16xf32>
          %parallel_loop3A_376 = vector.shape_cast %parallel_loop3A_371 : vector<16xf32> to vector<1x16xf32>
          tpu.vector_store %arg12[%parallel_loop3A_372, %parallel_loop3A_373], %parallel_loop3A_376 {strides = array<i32>} : memref<128x64xf32, #tpu.memory_space<vmem>>, vector<1x16xf32>,
          %parallel_loop3A_377 = arith.index_cast %parallel_loop3A_356 : i32 to index
          %parallel_loop3A_378 = arith.constant 32 : index
          %parallel_loop3A_379 = tpu.vector_load %arg12[%parallel_loop3A_377, %parallel_loop3A_378] {strides = array<i32>} : memref<128x64xf32, #tpu.memory_space<vmem>>, vector<1x16xf32>,
          %parallel_loop3A_380 = vector.shape_cast %parallel_loop3A_379 : vector<1x16xf32> to vector<16xf32>
          %parallel_loop3A_381 = arith.mulf %parallel_loop3A_380, %parallel_loop3A_352 : vector<16xf32>
          %parallel_loop3A_382 = arith.index_cast %parallel_loop3A_356 : i32 to index
          %parallel_loop3A_383 = arith.constant 32 : index
          %parallel_loop3A_384 = tpu.vector_load %arg12[%parallel_loop3A_382, %parallel_loop3A_383] {strides = array<i32>} : memref<128x64xf32, #tpu.memory_space<vmem>>, vector<1x16xf32>,
          %parallel_loop3A_385 = vector.shape_cast %parallel_loop3A_384 : vector<1x16xf32> to vector<16xf32>
          %parallel_loop3A_386 = vector.shape_cast %parallel_loop3A_381 : vector<16xf32> to vector<1x16xf32>
          tpu.vector_store %arg12[%parallel_loop3A_382, %parallel_loop3A_383], %parallel_loop3A_386 {strides = array<i32>} : memref<128x64xf32, #tpu.memory_space<vmem>>, vector<1x16xf32>,
          %parallel_loop3A_387 = arith.index_cast %parallel_loop3A_356 : i32 to index
          %parallel_loop3A_388 = arith.constant 48 : index
          %parallel_loop3A_389 = tpu.vector_load %arg12[%parallel_loop3A_387, %parallel_loop3A_388] {strides = array<i32>} : memref<128x64xf32, #tpu.memory_space<vmem>>, vector<1x16xf32>,
          %parallel_loop3A_390 = vector.shape_cast %parallel_loop3A_389 : vector<1x16xf32> to vector<16xf32>
          %parallel_loop3A_391 = arith.mulf %parallel_loop3A_390, %parallel_loop3A_352 : vector<16xf32>
          %parallel_loop3A_392 = arith.index_cast %parallel_loop3A_356 : i32 to index
          %parallel_loop3A_393 = arith.constant 48 : index
          %parallel_loop3A_394 = tpu.vector_load %arg12[%parallel_loop3A_392, %parallel_loop3A_393] {strides = array<i32>} : memref<128x64xf32, #tpu.memory_space<vmem>>, vector<1x16xf32>,
          %parallel_loop3A_395 = vector.shape_cast %parallel_loop3A_394 : vector<1x16xf32> to vector<16xf32>
          %parallel_loop3A_396 = vector.shape_cast %parallel_loop3A_391 : vector<16xf32> to vector<1x16xf32>
          tpu.vector_store %arg12[%parallel_loop3A_392, %parallel_loop3A_393], %parallel_loop3A_396 {strides = array<i32>} : memref<128x64xf32, #tpu.memory_space<vmem>>, vector<1x16xf32>,
          %parallel_loop3A_397 = vector.extract_strided_slice %parallel_loop3A_114 {offsets = [6], sizes = [1], strides = [1]} : vector<16xf32> to vector<1xf32>
          %parallel_loop3A_398 = vector.extract %parallel_loop3A_397[0] : f32 from vector<1xf32>
          %parallel_loop3A_399 = vector.broadcast %parallel_loop3A_398 : f32 to vector<16xf32>
          %parallel_loop3A_400 = arith.constant 16 : i32
          %parallel_loop3A_401 = arith.muli %parallel_loop3A_108, %parallel_loop3A_400 : i32
          %parallel_loop3A_402 = arith.constant 6 : i32
          %parallel_loop3A_403 = arith.addi %parallel_loop3A_401, %parallel_loop3A_402 : i32
          %parallel_loop3A_404 = arith.index_cast %parallel_loop3A_403 : i32 to index
          %parallel_loop3A_405 = arith.constant 0 : index
          %parallel_loop3A_406 = tpu.vector_load %arg12[%parallel_loop3A_404, %parallel_loop3A_405] {strides = array<i32>} : memref<128x64xf32, #tpu.memory_space<vmem>>, vector<1x16xf32>,
          %parallel_loop3A_407 = vector.shape_cast %parallel_loop3A_406 : vector<1x16xf32> to vector<16xf32>
          %parallel_loop3A_408 = arith.mulf %parallel_loop3A_407, %parallel_loop3A_399 : vector<16xf32>
          %parallel_loop3A_409 = arith.index_cast %parallel_loop3A_403 : i32 to index
          %parallel_loop3A_410 = arith.constant 0 : index
          %parallel_loop3A_411 = tpu.vector_load %arg12[%parallel_loop3A_409, %parallel_loop3A_410] {strides = array<i32>} : memref<128x64xf32, #tpu.memory_space<vmem>>, vector<1x16xf32>,
          %parallel_loop3A_412 = vector.shape_cast %parallel_loop3A_411 : vector<1x16xf32> to vector<16xf32>
          %parallel_loop3A_413 = vector.shape_cast %parallel_loop3A_408 : vector<16xf32> to vector<1x16xf32>
          tpu.vector_store %arg12[%parallel_loop3A_409, %parallel_loop3A_410], %parallel_loop3A_413 {strides = array<i32>} : memref<128x64xf32, #tpu.memory_space<vmem>>, vector<1x16xf32>,
          %parallel_loop3A_414 = arith.index_cast %parallel_loop3A_403 : i32 to index
          %parallel_loop3A_415 = arith.constant 16 : index
          %parallel_loop3A_416 = tpu.vector_load %arg12[%parallel_loop3A_414, %parallel_loop3A_415] {strides = array<i32>} : memref<128x64xf32, #tpu.memory_space<vmem>>, vector<1x16xf32>,
          %parallel_loop3A_417 = vector.shape_cast %parallel_loop3A_416 : vector<1x16xf32> to vector<16xf32>
          %parallel_loop3A_418 = arith.mulf %parallel_loop3A_417, %parallel_loop3A_399 : vector<16xf32>
          %parallel_loop3A_419 = arith.index_cast %parallel_loop3A_403 : i32 to index
          %parallel_loop3A_420 = arith.constant 16 : index
          %parallel_loop3A_421 = tpu.vector_load %arg12[%parallel_loop3A_419, %parallel_loop3A_420] {strides = array<i32>} : memref<128x64xf32, #tpu.memory_space<vmem>>, vector<1x16xf32>,
          %parallel_loop3A_422 = vector.shape_cast %parallel_loop3A_421 : vector<1x16xf32> to vector<16xf32>
          %parallel_loop3A_423 = vector.shape_cast %parallel_loop3A_418 : vector<16xf32> to vector<1x16xf32>
          tpu.vector_store %arg12[%parallel_loop3A_419, %parallel_loop3A_420], %parallel_loop3A_423 {strides = array<i32>} : memref<128x64xf32, #tpu.memory_space<vmem>>, vector<1x16xf32>,
          %parallel_loop3A_424 = arith.index_cast %parallel_loop3A_403 : i32 to index
          %parallel_loop3A_425 = arith.constant 32 : index
          %parallel_loop3A_426 = tpu.vector_load %arg12[%parallel_loop3A_424, %parallel_loop3A_425] {strides = array<i32>} : memref<128x64xf32, #tpu.memory_space<vmem>>, vector<1x16xf32>,
          %parallel_loop3A_427 = vector.shape_cast %parallel_loop3A_426 : vector<1x16xf32> to vector<16xf32>
          %parallel_loop3A_428 = arith.mulf %parallel_loop3A_427, %parallel_loop3A_399 : vector<16xf32>
          %parallel_loop3A_429 = arith.index_cast %parallel_loop3A_403 : i32 to index
          %parallel_loop3A_430 = arith.constant 32 : index
          %parallel_loop3A_431 = tpu.vector_load %arg12[%parallel_loop3A_429, %parallel_loop3A_430] {strides = array<i32>} : memref<128x64xf32, #tpu.memory_space<vmem>>, vector<1x16xf32>,
          %parallel_loop3A_432 = vector.shape_cast %parallel_loop3A_431 : vector<1x16xf32> to vector<16xf32>
          %parallel_loop3A_433 = vector.shape_cast %parallel_loop3A_428 : vector<16xf32> to vector<1x16xf32>
          tpu.vector_store %arg12[%parallel_loop3A_429, %parallel_loop3A_430], %parallel_loop3A_433 {strides = array<i32>} : memref<128x64xf32, #tpu.memory_space<vmem>>, vector<1x16xf32>,
          %parallel_loop3A_434 = arith.index_cast %parallel_loop3A_403 : i32 to index
          %parallel_loop3A_435 = arith.constant 48 : index
          %parallel_loop3A_436 = tpu.vector_load %arg12[%parallel_loop3A_434, %parallel_loop3A_435] {strides = array<i32>} : memref<128x64xf32, #tpu.memory_space<vmem>>, vector<1x16xf32>,
          %parallel_loop3A_437 = vector.shape_cast %parallel_loop3A_436 : vector<1x16xf32> to vector<16xf32>
          %parallel_loop3A_438 = arith.mulf %parallel_loop3A_437, %parallel_loop3A_399 : vector<16xf32>
          %parallel_loop3A_439 = arith.index_cast %parallel_loop3A_403 : i32 to index
          %parallel_loop3A_440 = arith.constant 48 : index
          %parallel_loop3A_441 = tpu.vector_load %arg12[%parallel_loop3A_439, %parallel_loop3A_440] {strides = array<i32>} : memref<128x64xf32, #tpu.memory_space<vmem>>, vector<1x16xf32>,
          %parallel_loop3A_442 = vector.shape_cast %parallel_loop3A_441 : vector<1x16xf32> to vector<16xf32>
          %parallel_loop3A_443 = vector.shape_cast %parallel_loop3A_438 : vector<16xf32> to vector<1x16xf32>
          tpu.vector_store %arg12[%parallel_loop3A_439, %parallel_loop3A_440], %parallel_loop3A_443 {strides = array<i32>} : memref<128x64xf32, #tpu.memory_space<vmem>>, vector<1x16xf32>,
          %parallel_loop3A_444 = vector.extract_strided_slice %parallel_loop3A_114 {offsets = [7], sizes = [1], strides = [1]} : vector<16xf32> to vector<1xf32>
          %parallel_loop3A_445 = vector.extract %parallel_loop3A_444[0] : f32 from vector<1xf32>
          %parallel_loop3A_446 = vector.broadcast %parallel_loop3A_445 : f32 to vector<16xf32>
          %parallel_loop3A_447 = arith.constant 16 : i32
          %parallel_loop3A_448 = arith.muli %parallel_loop3A_108, %parallel_loop3A_447 : i32
          %parallel_loop3A_449 = arith.constant 7 : i32
          %parallel_loop3A_450 = arith.addi %parallel_loop3A_448, %parallel_loop3A_449 : i32
          %parallel_loop3A_451 = arith.index_cast %parallel_loop3A_450 : i32 to index
          %parallel_loop3A_452 = arith.constant 0 : index
          %parallel_loop3A_453 = tpu.vector_load %arg12[%parallel_loop3A_451, %parallel_loop3A_452] {strides = array<i32>} : memref<128x64xf32, #tpu.memory_space<vmem>>, vector<1x16xf32>,
          %parallel_loop3A_454 = vector.shape_cast %parallel_loop3A_453 : vector<1x16xf32> to vector<16xf32>
          %parallel_loop3A_455 = arith.mulf %parallel_loop3A_454, %parallel_loop3A_446 : vector<16xf32>
          %parallel_loop3A_456 = arith.index_cast %parallel_loop3A_450 : i32 to index
          %parallel_loop3A_457 = arith.constant 0 : index
          %parallel_loop3A_458 = tpu.vector_load %arg12[%parallel_loop3A_456, %parallel_loop3A_457] {strides = array<i32>} : memref<128x64xf32, #tpu.memory_space<vmem>>, vector<1x16xf32>,
          %parallel_loop3A_459 = vector.shape_cast %parallel_loop3A_458 : vector<1x16xf32> to vector<16xf32>
          %parallel_loop3A_460 = vector.shape_cast %parallel_loop3A_455 : vector<16xf32> to vector<1x16xf32>
          tpu.vector_store %arg12[%parallel_loop3A_456, %parallel_loop3A_457], %parallel_loop3A_460 {strides = array<i32>} : memref<128x64xf32, #tpu.memory_space<vmem>>, vector<1x16xf32>,
          %parallel_loop3A_461 = arith.index_cast %parallel_loop3A_450 : i32 to index
          %parallel_loop3A_462 = arith.constant 16 : index
          %parallel_loop3A_463 = tpu.vector_load %arg12[%parallel_loop3A_461, %parallel_loop3A_462] {strides = array<i32>} : memref<128x64xf32, #tpu.memory_space<vmem>>, vector<1x16xf32>,
          %parallel_loop3A_464 = vector.shape_cast %parallel_loop3A_463 : vector<1x16xf32> to vector<16xf32>
          %parallel_loop3A_465 = arith.mulf %parallel_loop3A_464, %parallel_loop3A_446 : vector<16xf32>
          %parallel_loop3A_466 = arith.index_cast %parallel_loop3A_450 : i32 to index
          %parallel_loop3A_467 = arith.constant 16 : index
          %parallel_loop3A_468 = tpu.vector_load %arg12[%parallel_loop3A_466, %parallel_loop3A_467] {strides = array<i32>} : memref<128x64xf32, #tpu.memory_space<vmem>>, vector<1x16xf32>,
          %parallel_loop3A_469 = vector.shape_cast %parallel_loop3A_468 : vector<1x16xf32> to vector<16xf32>
          %parallel_loop3A_470 = vector.shape_cast %parallel_loop3A_465 : vector<16xf32> to vector<1x16xf32>
          tpu.vector_store %arg12[%parallel_loop3A_466, %parallel_loop3A_467], %parallel_loop3A_470 {strides = array<i32>} : memref<128x64xf32, #tpu.memory_space<vmem>>, vector<1x16xf32>,
          %parallel_loop3A_471 = arith.index_cast %parallel_loop3A_450 : i32 to index
          %parallel_loop3A_472 = arith.constant 32 : index
          %parallel_loop3A_473 = tpu.vector_load %arg12[%parallel_loop3A_471, %parallel_loop3A_472] {strides = array<i32>} : memref<128x64xf32, #tpu.memory_space<vmem>>, vector<1x16xf32>,
          %parallel_loop3A_474 = vector.shape_cast %parallel_loop3A_473 : vector<1x16xf32> to vector<16xf32>
          %parallel_loop3A_475 = arith.mulf %parallel_loop3A_474, %parallel_loop3A_446 : vector<16xf32>
          %parallel_loop3A_476 = arith.index_cast %parallel_loop3A_450 : i32 to index
          %parallel_loop3A_477 = arith.constant 32 : index
          %parallel_loop3A_478 = tpu.vector_load %arg12[%parallel_loop3A_476, %parallel_loop3A_477] {strides = array<i32>} : memref<128x64xf32, #tpu.memory_space<vmem>>, vector<1x16xf32>,
          %parallel_loop3A_479 = vector.shape_cast %parallel_loop3A_478 : vector<1x16xf32> to vector<16xf32>
          %parallel_loop3A_480 = vector.shape_cast %parallel_loop3A_475 : vector<16xf32> to vector<1x16xf32>
          tpu.vector_store %arg12[%parallel_loop3A_476, %parallel_loop3A_477], %parallel_loop3A_480 {strides = array<i32>} : memref<128x64xf32, #tpu.memory_space<vmem>>, vector<1x16xf32>,
          %parallel_loop3A_481 = arith.index_cast %parallel_loop3A_450 : i32 to index
          %parallel_loop3A_482 = arith.constant 48 : index
          %parallel_loop3A_483 = tpu.vector_load %arg12[%parallel_loop3A_481, %parallel_loop3A_482] {strides = array<i32>} : memref<128x64xf32, #tpu.memory_space<vmem>>, vector<1x16xf32>,
          %parallel_loop3A_484 = vector.shape_cast %parallel_loop3A_483 : vector<1x16xf32> to vector<16xf32>
          %parallel_loop3A_485 = arith.mulf %parallel_loop3A_484, %parallel_loop3A_446 : vector<16xf32>
          %parallel_loop3A_486 = arith.index_cast %parallel_loop3A_450 : i32 to index
          %parallel_loop3A_487 = arith.constant 48 : index
          %parallel_loop3A_488 = tpu.vector_load %arg12[%parallel_loop3A_486, %parallel_loop3A_487] {strides = array<i32>} : memref<128x64xf32, #tpu.memory_space<vmem>>, vector<1x16xf32>,
          %parallel_loop3A_489 = vector.shape_cast %parallel_loop3A_488 : vector<1x16xf32> to vector<16xf32>
          %parallel_loop3A_490 = vector.shape_cast %parallel_loop3A_485 : vector<16xf32> to vector<1x16xf32>
          tpu.vector_store %arg12[%parallel_loop3A_486, %parallel_loop3A_487], %parallel_loop3A_490 {strides = array<i32>} : memref<128x64xf32, #tpu.memory_space<vmem>>, vector<1x16xf32>,
          %parallel_loop3A_491 = vector.extract_strided_slice %parallel_loop3A_114 {offsets = [8], sizes = [1], strides = [1]} : vector<16xf32> to vector<1xf32>
          %parallel_loop3A_492 = vector.extract %parallel_loop3A_491[0] : f32 from vector<1xf32>
          %parallel_loop3A_493 = vector.broadcast %parallel_loop3A_492 : f32 to vector<16xf32>
          %parallel_loop3A_494 = arith.constant 16 : i32
          %parallel_loop3A_495 = arith.muli %parallel_loop3A_108, %parallel_loop3A_494 : i32
          %parallel_loop3A_496 = arith.constant 8 : i32
          %parallel_loop3A_497 = arith.addi %parallel_loop3A_495, %parallel_loop3A_496 : i32
          %parallel_loop3A_498 = arith.index_cast %parallel_loop3A_497 : i32 to index
          %parallel_loop3A_499 = arith.constant 0 : index
          %parallel_loop3A_500 = tpu.vector_load %arg12[%parallel_loop3A_498, %parallel_loop3A_499] {strides = array<i32>} : memref<128x64xf32, #tpu.memory_space<vmem>>, vector<1x16xf32>,
          %parallel_loop3A_501 = vector.shape_cast %parallel_loop3A_500 : vector<1x16xf32> to vector<16xf32>
          %parallel_loop3A_502 = arith.mulf %parallel_loop3A_501, %parallel_loop3A_493 : vector<16xf32>
          %parallel_loop3A_503 = arith.index_cast %parallel_loop3A_497 : i32 to index
          %parallel_loop3A_504 = arith.constant 0 : index
          %parallel_loop3A_505 = tpu.vector_load %arg12[%parallel_loop3A_503, %parallel_loop3A_504] {strides = array<i32>} : memref<128x64xf32, #tpu.memory_space<vmem>>, vector<1x16xf32>,
          %parallel_loop3A_506 = vector.shape_cast %parallel_loop3A_505 : vector<1x16xf32> to vector<16xf32>
          %parallel_loop3A_507 = vector.shape_cast %parallel_loop3A_502 : vector<16xf32> to vector<1x16xf32>
          tpu.vector_store %arg12[%parallel_loop3A_503, %parallel_loop3A_504], %parallel_loop3A_507 {strides = array<i32>} : memref<128x64xf32, #tpu.memory_space<vmem>>, vector<1x16xf32>,
          %parallel_loop3A_508 = arith.index_cast %parallel_loop3A_497 : i32 to index
          %parallel_loop3A_509 = arith.constant 16 : index
          %parallel_loop3A_510 = tpu.vector_load %arg12[%parallel_loop3A_508, %parallel_loop3A_509] {strides = array<i32>} : memref<128x64xf32, #tpu.memory_space<vmem>>, vector<1x16xf32>,
          %parallel_loop3A_511 = vector.shape_cast %parallel_loop3A_510 : vector<1x16xf32> to vector<16xf32>
          %parallel_loop3A_512 = arith.mulf %parallel_loop3A_511, %parallel_loop3A_493 : vector<16xf32>
          %parallel_loop3A_513 = arith.index_cast %parallel_loop3A_497 : i32 to index
          %parallel_loop3A_514 = arith.constant 16 : index
          %parallel_loop3A_515 = tpu.vector_load %arg12[%parallel_loop3A_513, %parallel_loop3A_514] {strides = array<i32>} : memref<128x64xf32, #tpu.memory_space<vmem>>, vector<1x16xf32>,
          %parallel_loop3A_516 = vector.shape_cast %parallel_loop3A_515 : vector<1x16xf32> to vector<16xf32>
          %parallel_loop3A_517 = vector.shape_cast %parallel_loop3A_512 : vector<16xf32> to vector<1x16xf32>
          tpu.vector_store %arg12[%parallel_loop3A_513, %parallel_loop3A_514], %parallel_loop3A_517 {strides = array<i32>} : memref<128x64xf32, #tpu.memory_space<vmem>>, vector<1x16xf32>,
          %parallel_loop3A_518 = arith.index_cast %parallel_loop3A_497 : i32 to index
          %parallel_loop3A_519 = arith.constant 32 : index
          %parallel_loop3A_520 = tpu.vector_load %arg12[%parallel_loop3A_518, %parallel_loop3A_519] {strides = array<i32>} : memref<128x64xf32, #tpu.memory_space<vmem>>, vector<1x16xf32>,
          %parallel_loop3A_521 = vector.shape_cast %parallel_loop3A_520 : vector<1x16xf32> to vector<16xf32>
          %parallel_loop3A_522 = arith.mulf %parallel_loop3A_521, %parallel_loop3A_493 : vector<16xf32>
          %parallel_loop3A_523 = arith.index_cast %parallel_loop3A_497 : i32 to index
          %parallel_loop3A_524 = arith.constant 32 : index
          %parallel_loop3A_525 = tpu.vector_load %arg12[%parallel_loop3A_523, %parallel_loop3A_524] {strides = array<i32>} : memref<128x64xf32, #tpu.memory_space<vmem>>, vector<1x16xf32>,
          %parallel_loop3A_526 = vector.shape_cast %parallel_loop3A_525 : vector<1x16xf32> to vector<16xf32>
          %parallel_loop3A_527 = vector.shape_cast %parallel_loop3A_522 : vector<16xf32> to vector<1x16xf32>
          tpu.vector_store %arg12[%parallel_loop3A_523, %parallel_loop3A_524], %parallel_loop3A_527 {strides = array<i32>} : memref<128x64xf32, #tpu.memory_space<vmem>>, vector<1x16xf32>,
          %parallel_loop3A_528 = arith.index_cast %parallel_loop3A_497 : i32 to index
          %parallel_loop3A_529 = arith.constant 48 : index
          %parallel_loop3A_530 = tpu.vector_load %arg12[%parallel_loop3A_528, %parallel_loop3A_529] {strides = array<i32>} : memref<128x64xf32, #tpu.memory_space<vmem>>, vector<1x16xf32>,
          %parallel_loop3A_531 = vector.shape_cast %parallel_loop3A_530 : vector<1x16xf32> to vector<16xf32>
          %parallel_loop3A_532 = arith.mulf %parallel_loop3A_531, %parallel_loop3A_493 : vector<16xf32>
          %parallel_loop3A_533 = arith.index_cast %parallel_loop3A_497 : i32 to index
          %parallel_loop3A_534 = arith.constant 48 : index
          %parallel_loop3A_535 = tpu.vector_load %arg12[%parallel_loop3A_533, %parallel_loop3A_534] {strides = array<i32>} : memref<128x64xf32, #tpu.memory_space<vmem>>, vector<1x16xf32>,
          %parallel_loop3A_536 = vector.shape_cast %parallel_loop3A_535 : vector<1x16xf32> to vector<16xf32>
          %parallel_loop3A_537 = vector.shape_cast %parallel_loop3A_532 : vector<16xf32> to vector<1x16xf32>
          tpu.vector_store %arg12[%parallel_loop3A_533, %parallel_loop3A_534], %parallel_loop3A_537 {strides = array<i32>} : memref<128x64xf32, #tpu.memory_space<vmem>>, vector<1x16xf32>,
          %parallel_loop3A_538 = vector.extract_strided_slice %parallel_loop3A_114 {offsets = [9], sizes = [1], strides = [1]} : vector<16xf32> to vector<1xf32>
          %parallel_loop3A_539 = vector.extract %parallel_loop3A_538[0] : f32 from vector<1xf32>
          %parallel_loop3A_540 = vector.broadcast %parallel_loop3A_539 : f32 to vector<16xf32>
          %parallel_loop3A_541 = arith.constant 16 : i32
          %parallel_loop3A_542 = arith.muli %parallel_loop3A_108, %parallel_loop3A_541 : i32
          %parallel_loop3A_543 = arith.constant 9 : i32
          %parallel_loop3A_544 = arith.addi %parallel_loop3A_542, %parallel_loop3A_543 : i32
          %parallel_loop3A_545 = arith.index_cast %parallel_loop3A_544 : i32 to index
          %parallel_loop3A_546 = arith.constant 0 : index
          %parallel_loop3A_547 = tpu.vector_load %arg12[%parallel_loop3A_545, %parallel_loop3A_546] {strides = array<i32>} : memref<128x64xf32, #tpu.memory_space<vmem>>, vector<1x16xf32>,
          %parallel_loop3A_548 = vector.shape_cast %parallel_loop3A_547 : vector<1x16xf32> to vector<16xf32>
          %parallel_loop3A_549 = arith.mulf %parallel_loop3A_548, %parallel_loop3A_540 : vector<16xf32>
          %parallel_loop3A_550 = arith.index_cast %parallel_loop3A_544 : i32 to index
          %parallel_loop3A_551 = arith.constant 0 : index
          %parallel_loop3A_552 = tpu.vector_load %arg12[%parallel_loop3A_550, %parallel_loop3A_551] {strides = array<i32>} : memref<128x64xf32, #tpu.memory_space<vmem>>, vector<1x16xf32>,
          %parallel_loop3A_553 = vector.shape_cast %parallel_loop3A_552 : vector<1x16xf32> to vector<16xf32>
          %parallel_loop3A_554 = vector.shape_cast %parallel_loop3A_549 : vector<16xf32> to vector<1x16xf32>
          tpu.vector_store %arg12[%parallel_loop3A_550, %parallel_loop3A_551], %parallel_loop3A_554 {strides = array<i32>} : memref<128x64xf32, #tpu.memory_space<vmem>>, vector<1x16xf32>,
          %parallel_loop3A_555 = arith.index_cast %parallel_loop3A_544 : i32 to index
          %parallel_loop3A_556 = arith.constant 16 : index
          %parallel_loop3A_557 = tpu.vector_load %arg12[%parallel_loop3A_555, %parallel_loop3A_556] {strides = array<i32>} : memref<128x64xf32, #tpu.memory_space<vmem>>, vector<1x16xf32>,
          %parallel_loop3A_558 = vector.shape_cast %parallel_loop3A_557 : vector<1x16xf32> to vector<16xf32>
          %parallel_loop3A_559 = arith.mulf %parallel_loop3A_558, %parallel_loop3A_540 : vector<16xf32>
          %parallel_loop3A_560 = arith.index_cast %parallel_loop3A_544 : i32 to index
          %parallel_loop3A_561 = arith.constant 16 : index
          %parallel_loop3A_562 = tpu.vector_load %arg12[%parallel_loop3A_560, %parallel_loop3A_561] {strides = array<i32>} : memref<128x64xf32, #tpu.memory_space<vmem>>, vector<1x16xf32>,
          %parallel_loop3A_563 = vector.shape_cast %parallel_loop3A_562 : vector<1x16xf32> to vector<16xf32>
          %parallel_loop3A_564 = vector.shape_cast %parallel_loop3A_559 : vector<16xf32> to vector<1x16xf32>
          tpu.vector_store %arg12[%parallel_loop3A_560, %parallel_loop3A_561], %parallel_loop3A_564 {strides = array<i32>} : memref<128x64xf32, #tpu.memory_space<vmem>>, vector<1x16xf32>,
          %parallel_loop3A_565 = arith.index_cast %parallel_loop3A_544 : i32 to index
          %parallel_loop3A_566 = arith.constant 32 : index
          %parallel_loop3A_567 = tpu.vector_load %arg12[%parallel_loop3A_565, %parallel_loop3A_566] {strides = array<i32>} : memref<128x64xf32, #tpu.memory_space<vmem>>, vector<1x16xf32>,
          %parallel_loop3A_568 = vector.shape_cast %parallel_loop3A_567 : vector<1x16xf32> to vector<16xf32>
          %parallel_loop3A_569 = arith.mulf %parallel_loop3A_568, %parallel_loop3A_540 : vector<16xf32>
          %parallel_loop3A_570 = arith.index_cast %parallel_loop3A_544 : i32 to index
          %parallel_loop3A_571 = arith.constant 32 : index
          %parallel_loop3A_572 = tpu.vector_load %arg12[%parallel_loop3A_570, %parallel_loop3A_571] {strides = array<i32>} : memref<128x64xf32, #tpu.memory_space<vmem>>, vector<1x16xf32>,
          %parallel_loop3A_573 = vector.shape_cast %parallel_loop3A_572 : vector<1x16xf32> to vector<16xf32>
          %parallel_loop3A_574 = vector.shape_cast %parallel_loop3A_569 : vector<16xf32> to vector<1x16xf32>
          tpu.vector_store %arg12[%parallel_loop3A_570, %parallel_loop3A_571], %parallel_loop3A_574 {strides = array<i32>} : memref<128x64xf32, #tpu.memory_space<vmem>>, vector<1x16xf32>,
          %parallel_loop3A_575 = arith.index_cast %parallel_loop3A_544 : i32 to index
          %parallel_loop3A_576 = arith.constant 48 : index
          %parallel_loop3A_577 = tpu.vector_load %arg12[%parallel_loop3A_575, %parallel_loop3A_576] {strides = array<i32>} : memref<128x64xf32, #tpu.memory_space<vmem>>, vector<1x16xf32>,
          %parallel_loop3A_578 = vector.shape_cast %parallel_loop3A_577 : vector<1x16xf32> to vector<16xf32>
          %parallel_loop3A_579 = arith.mulf %parallel_loop3A_578, %parallel_loop3A_540 : vector<16xf32>
          %parallel_loop3A_580 = arith.index_cast %parallel_loop3A_544 : i32 to index
          %parallel_loop3A_581 = arith.constant 48 : index
          %parallel_loop3A_582 = tpu.vector_load %arg12[%parallel_loop3A_580, %parallel_loop3A_581] {strides = array<i32>} : memref<128x64xf32, #tpu.memory_space<vmem>>, vector<1x16xf32>,
          %parallel_loop3A_583 = vector.shape_cast %parallel_loop3A_582 : vector<1x16xf32> to vector<16xf32>
          %parallel_loop3A_584 = vector.shape_cast %parallel_loop3A_579 : vector<16xf32> to vector<1x16xf32>
          tpu.vector_store %arg12[%parallel_loop3A_580, %parallel_loop3A_581], %parallel_loop3A_584 {strides = array<i32>} : memref<128x64xf32, #tpu.memory_space<vmem>>, vector<1x16xf32>,
          %parallel_loop3A_585 = vector.extract_strided_slice %parallel_loop3A_114 {offsets = [10], sizes = [1], strides = [1]} : vector<16xf32> to vector<1xf32>
          %parallel_loop3A_586 = vector.extract %parallel_loop3A_585[0] : f32 from vector<1xf32>
          %parallel_loop3A_587 = vector.broadcast %parallel_loop3A_586 : f32 to vector<16xf32>
          %parallel_loop3A_588 = arith.constant 16 : i32
          %parallel_loop3A_589 = arith.muli %parallel_loop3A_108, %parallel_loop3A_588 : i32
          %parallel_loop3A_590 = arith.constant 10 : i32
          %parallel_loop3A_591 = arith.addi %parallel_loop3A_589, %parallel_loop3A_590 : i32
          %parallel_loop3A_592 = arith.index_cast %parallel_loop3A_591 : i32 to index
          %parallel_loop3A_593 = arith.constant 0 : index
          %parallel_loop3A_594 = tpu.vector_load %arg12[%parallel_loop3A_592, %parallel_loop3A_593] {strides = array<i32>} : memref<128x64xf32, #tpu.memory_space<vmem>>, vector<1x16xf32>,
          %parallel_loop3A_595 = vector.shape_cast %parallel_loop3A_594 : vector<1x16xf32> to vector<16xf32>
          %parallel_loop3A_596 = arith.mulf %parallel_loop3A_595, %parallel_loop3A_587 : vector<16xf32>
          %parallel_loop3A_597 = arith.index_cast %parallel_loop3A_591 : i32 to index
          %parallel_loop3A_598 = arith.constant 0 : index
          %parallel_loop3A_599 = tpu.vector_load %arg12[%parallel_loop3A_597, %parallel_loop3A_598] {strides = array<i32>} : memref<128x64xf32, #tpu.memory_space<vmem>>, vector<1x16xf32>,
          %parallel_loop3A_600 = vector.shape_cast %parallel_loop3A_599 : vector<1x16xf32> to vector<16xf32>
          %parallel_loop3A_601 = vector.shape_cast %parallel_loop3A_596 : vector<16xf32> to vector<1x16xf32>
          tpu.vector_store %arg12[%parallel_loop3A_597, %parallel_loop3A_598], %parallel_loop3A_601 {strides = array<i32>} : memref<128x64xf32, #tpu.memory_space<vmem>>, vector<1x16xf32>,
          %parallel_loop3A_602 = arith.index_cast %parallel_loop3A_591 : i32 to index
          %parallel_loop3A_603 = arith.constant 16 : index
          %parallel_loop3A_604 = tpu.vector_load %arg12[%parallel_loop3A_602, %parallel_loop3A_603] {strides = array<i32>} : memref<128x64xf32, #tpu.memory_space<vmem>>, vector<1x16xf32>,
          %parallel_loop3A_605 = vector.shape_cast %parallel_loop3A_604 : vector<1x16xf32> to vector<16xf32>
          %parallel_loop3A_606 = arith.mulf %parallel_loop3A_605, %parallel_loop3A_587 : vector<16xf32>
          %parallel_loop3A_607 = arith.index_cast %parallel_loop3A_591 : i32 to index
          %parallel_loop3A_608 = arith.constant 16 : index
          %parallel_loop3A_609 = tpu.vector_load %arg12[%parallel_loop3A_607, %parallel_loop3A_608] {strides = array<i32>} : memref<128x64xf32, #tpu.memory_space<vmem>>, vector<1x16xf32>,
          %parallel_loop3A_610 = vector.shape_cast %parallel_loop3A_609 : vector<1x16xf32> to vector<16xf32>
          %parallel_loop3A_611 = vector.shape_cast %parallel_loop3A_606 : vector<16xf32> to vector<1x16xf32>
          tpu.vector_store %arg12[%parallel_loop3A_607, %parallel_loop3A_608], %parallel_loop3A_611 {strides = array<i32>} : memref<128x64xf32, #tpu.memory_space<vmem>>, vector<1x16xf32>,
          %parallel_loop3A_612 = arith.index_cast %parallel_loop3A_591 : i32 to index
          %parallel_loop3A_613 = arith.constant 32 : index
          %parallel_loop3A_614 = tpu.vector_load %arg12[%parallel_loop3A_612, %parallel_loop3A_613] {strides = array<i32>} : memref<128x64xf32, #tpu.memory_space<vmem>>, vector<1x16xf32>,
          %parallel_loop3A_615 = vector.shape_cast %parallel_loop3A_614 : vector<1x16xf32> to vector<16xf32>
          %parallel_loop3A_616 = arith.mulf %parallel_loop3A_615, %parallel_loop3A_587 : vector<16xf32>
          %parallel_loop3A_617 = arith.index_cast %parallel_loop3A_591 : i32 to index
          %parallel_loop3A_618 = arith.constant 32 : index
          %parallel_loop3A_619 = tpu.vector_load %arg12[%parallel_loop3A_617, %parallel_loop3A_618] {strides = array<i32>} : memref<128x64xf32, #tpu.memory_space<vmem>>, vector<1x16xf32>,
          %parallel_loop3A_620 = vector.shape_cast %parallel_loop3A_619 : vector<1x16xf32> to vector<16xf32>
          %parallel_loop3A_621 = vector.shape_cast %parallel_loop3A_616 : vector<16xf32> to vector<1x16xf32>
          tpu.vector_store %arg12[%parallel_loop3A_617, %parallel_loop3A_618], %parallel_loop3A_621 {strides = array<i32>} : memref<128x64xf32, #tpu.memory_space<vmem>>, vector<1x16xf32>,
          %parallel_loop3A_622 = arith.index_cast %parallel_loop3A_591 : i32 to index
          %parallel_loop3A_623 = arith.constant 48 : index
          %parallel_loop3A_624 = tpu.vector_load %arg12[%parallel_loop3A_622, %parallel_loop3A_623] {strides = array<i32>} : memref<128x64xf32, #tpu.memory_space<vmem>>, vector<1x16xf32>,
          %parallel_loop3A_625 = vector.shape_cast %parallel_loop3A_624 : vector<1x16xf32> to vector<16xf32>
          %parallel_loop3A_626 = arith.mulf %parallel_loop3A_625, %parallel_loop3A_587 : vector<16xf32>
          %parallel_loop3A_627 = arith.index_cast %parallel_loop3A_591 : i32 to index
          %parallel_loop3A_628 = arith.constant 48 : index
          %parallel_loop3A_629 = tpu.vector_load %arg12[%parallel_loop3A_627, %parallel_loop3A_628] {strides = array<i32>} : memref<128x64xf32, #tpu.memory_space<vmem>>, vector<1x16xf32>,
          %parallel_loop3A_630 = vector.shape_cast %parallel_loop3A_629 : vector<1x16xf32> to vector<16xf32>
          %parallel_loop3A_631 = vector.shape_cast %parallel_loop3A_626 : vector<16xf32> to vector<1x16xf32>
          tpu.vector_store %arg12[%parallel_loop3A_627, %parallel_loop3A_628], %parallel_loop3A_631 {strides = array<i32>} : memref<128x64xf32, #tpu.memory_space<vmem>>, vector<1x16xf32>,
          %parallel_loop3A_632 = vector.extract_strided_slice %parallel_loop3A_114 {offsets = [11], sizes = [1], strides = [1]} : vector<16xf32> to vector<1xf32>
          %parallel_loop3A_633 = vector.extract %parallel_loop3A_632[0] : f32 from vector<1xf32>
          %parallel_loop3A_634 = vector.broadcast %parallel_loop3A_633 : f32 to vector<16xf32>
          %parallel_loop3A_635 = arith.constant 16 : i32
          %parallel_loop3A_636 = arith.muli %parallel_loop3A_108, %parallel_loop3A_635 : i32
          %parallel_loop3A_637 = arith.constant 11 : i32
          %parallel_loop3A_638 = arith.addi %parallel_loop3A_636, %parallel_loop3A_637 : i32
          %parallel_loop3A_639 = arith.index_cast %parallel_loop3A_638 : i32 to index
          %parallel_loop3A_640 = arith.constant 0 : index
          %parallel_loop3A_641 = tpu.vector_load %arg12[%parallel_loop3A_639, %parallel_loop3A_640] {strides = array<i32>} : memref<128x64xf32, #tpu.memory_space<vmem>>, vector<1x16xf32>,
          %parallel_loop3A_642 = vector.shape_cast %parallel_loop3A_641 : vector<1x16xf32> to vector<16xf32>
          %parallel_loop3A_643 = arith.mulf %parallel_loop3A_642, %parallel_loop3A_634 : vector<16xf32>
          %parallel_loop3A_644 = arith.index_cast %parallel_loop3A_638 : i32 to index
          %parallel_loop3A_645 = arith.constant 0 : index
          %parallel_loop3A_646 = tpu.vector_load %arg12[%parallel_loop3A_644, %parallel_loop3A_645] {strides = array<i32>} : memref<128x64xf32, #tpu.memory_space<vmem>>, vector<1x16xf32>,
          %parallel_loop3A_647 = vector.shape_cast %parallel_loop3A_646 : vector<1x16xf32> to vector<16xf32>
          %parallel_loop3A_648 = vector.shape_cast %parallel_loop3A_643 : vector<16xf32> to vector<1x16xf32>
          tpu.vector_store %arg12[%parallel_loop3A_644, %parallel_loop3A_645], %parallel_loop3A_648 {strides = array<i32>} : memref<128x64xf32, #tpu.memory_space<vmem>>, vector<1x16xf32>,
          %parallel_loop3A_649 = arith.index_cast %parallel_loop3A_638 : i32 to index
          %parallel_loop3A_650 = arith.constant 16 : index
          %parallel_loop3A_651 = tpu.vector_load %arg12[%parallel_loop3A_649, %parallel_loop3A_650] {strides = array<i32>} : memref<128x64xf32, #tpu.memory_space<vmem>>, vector<1x16xf32>,
          %parallel_loop3A_652 = vector.shape_cast %parallel_loop3A_651 : vector<1x16xf32> to vector<16xf32>
          %parallel_loop3A_653 = arith.mulf %parallel_loop3A_652, %parallel_loop3A_634 : vector<16xf32>
          %parallel_loop3A_654 = arith.index_cast %parallel_loop3A_638 : i32 to index
          %parallel_loop3A_655 = arith.constant 16 : index
          %parallel_loop3A_656 = tpu.vector_load %arg12[%parallel_loop3A_654, %parallel_loop3A_655] {strides = array<i32>} : memref<128x64xf32, #tpu.memory_space<vmem>>, vector<1x16xf32>,
          %parallel_loop3A_657 = vector.shape_cast %parallel_loop3A_656 : vector<1x16xf32> to vector<16xf32>
          %parallel_loop3A_658 = vector.shape_cast %parallel_loop3A_653 : vector<16xf32> to vector<1x16xf32>
          tpu.vector_store %arg12[%parallel_loop3A_654, %parallel_loop3A_655], %parallel_loop3A_658 {strides = array<i32>} : memref<128x64xf32, #tpu.memory_space<vmem>>, vector<1x16xf32>,
          %parallel_loop3A_659 = arith.index_cast %parallel_loop3A_638 : i32 to index
          %parallel_loop3A_660 = arith.constant 32 : index
          %parallel_loop3A_661 = tpu.vector_load %arg12[%parallel_loop3A_659, %parallel_loop3A_660] {strides = array<i32>} : memref<128x64xf32, #tpu.memory_space<vmem>>, vector<1x16xf32>,
          %parallel_loop3A_662 = vector.shape_cast %parallel_loop3A_661 : vector<1x16xf32> to vector<16xf32>
          %parallel_loop3A_663 = arith.mulf %parallel_loop3A_662, %parallel_loop3A_634 : vector<16xf32>
          %parallel_loop3A_664 = arith.index_cast %parallel_loop3A_638 : i32 to index
          %parallel_loop3A_665 = arith.constant 32 : index
          %parallel_loop3A_666 = tpu.vector_load %arg12[%parallel_loop3A_664, %parallel_loop3A_665] {strides = array<i32>} : memref<128x64xf32, #tpu.memory_space<vmem>>, vector<1x16xf32>,
          %parallel_loop3A_667 = vector.shape_cast %parallel_loop3A_666 : vector<1x16xf32> to vector<16xf32>
          %parallel_loop3A_668 = vector.shape_cast %parallel_loop3A_663 : vector<16xf32> to vector<1x16xf32>
          tpu.vector_store %arg12[%parallel_loop3A_664, %parallel_loop3A_665], %parallel_loop3A_668 {strides = array<i32>} : memref<128x64xf32, #tpu.memory_space<vmem>>, vector<1x16xf32>,
          %parallel_loop3A_669 = arith.index_cast %parallel_loop3A_638 : i32 to index
          %parallel_loop3A_670 = arith.constant 48 : index
          %parallel_loop3A_671 = tpu.vector_load %arg12[%parallel_loop3A_669, %parallel_loop3A_670] {strides = array<i32>} : memref<128x64xf32, #tpu.memory_space<vmem>>, vector<1x16xf32>,
          %parallel_loop3A_672 = vector.shape_cast %parallel_loop3A_671 : vector<1x16xf32> to vector<16xf32>
          %parallel_loop3A_673 = arith.mulf %parallel_loop3A_672, %parallel_loop3A_634 : vector<16xf32>
          %parallel_loop3A_674 = arith.index_cast %parallel_loop3A_638 : i32 to index
          %parallel_loop3A_675 = arith.constant 48 : index
          %parallel_loop3A_676 = tpu.vector_load %arg12[%parallel_loop3A_674, %parallel_loop3A_675] {strides = array<i32>} : memref<128x64xf32, #tpu.memory_space<vmem>>, vector<1x16xf32>,
          %parallel_loop3A_677 = vector.shape_cast %parallel_loop3A_676 : vector<1x16xf32> to vector<16xf32>
          %parallel_loop3A_678 = vector.shape_cast %parallel_loop3A_673 : vector<16xf32> to vector<1x16xf32>
          tpu.vector_store %arg12[%parallel_loop3A_674, %parallel_loop3A_675], %parallel_loop3A_678 {strides = array<i32>} : memref<128x64xf32, #tpu.memory_space<vmem>>, vector<1x16xf32>,
          %parallel_loop3A_679 = vector.extract_strided_slice %parallel_loop3A_114 {offsets = [12], sizes = [1], strides = [1]} : vector<16xf32> to vector<1xf32>
          %parallel_loop3A_680 = vector.extract %parallel_loop3A_679[0] : f32 from vector<1xf32>
          %parallel_loop3A_681 = vector.broadcast %parallel_loop3A_680 : f32 to vector<16xf32>
          %parallel_loop3A_682 = arith.constant 16 : i32
          %parallel_loop3A_683 = arith.muli %parallel_loop3A_108, %parallel_loop3A_682 : i32
          %parallel_loop3A_684 = arith.constant 12 : i32
          %parallel_loop3A_685 = arith.addi %parallel_loop3A_683, %parallel_loop3A_684 : i32
          %parallel_loop3A_686 = arith.index_cast %parallel_loop3A_685 : i32 to index
          %parallel_loop3A_687 = arith.constant 0 : index
          %parallel_loop3A_688 = tpu.vector_load %arg12[%parallel_loop3A_686, %parallel_loop3A_687] {strides = array<i32>} : memref<128x64xf32, #tpu.memory_space<vmem>>, vector<1x16xf32>,
          %parallel_loop3A_689 = vector.shape_cast %parallel_loop3A_688 : vector<1x16xf32> to vector<16xf32>
          %parallel_loop3A_690 = arith.mulf %parallel_loop3A_689, %parallel_loop3A_681 : vector<16xf32>
          %parallel_loop3A_691 = arith.index_cast %parallel_loop3A_685 : i32 to index
          %parallel_loop3A_692 = arith.constant 0 : index
          %parallel_loop3A_693 = tpu.vector_load %arg12[%parallel_loop3A_691, %parallel_loop3A_692] {strides = array<i32>} : memref<128x64xf32, #tpu.memory_space<vmem>>, vector<1x16xf32>,
          %parallel_loop3A_694 = vector.shape_cast %parallel_loop3A_693 : vector<1x16xf32> to vector<16xf32>
          %parallel_loop3A_695 = vector.shape_cast %parallel_loop3A_690 : vector<16xf32> to vector<1x16xf32>
          tpu.vector_store %arg12[%parallel_loop3A_691, %parallel_loop3A_692], %parallel_loop3A_695 {strides = array<i32>} : memref<128x64xf32, #tpu.memory_space<vmem>>, vector<1x16xf32>,
          %parallel_loop3A_696 = arith.index_cast %parallel_loop3A_685 : i32 to index
          %parallel_loop3A_697 = arith.constant 16 : index
          %parallel_loop3A_698 = tpu.vector_load %arg12[%parallel_loop3A_696, %parallel_loop3A_697] {strides = array<i32>} : memref<128x64xf32, #tpu.memory_space<vmem>>, vector<1x16xf32>,
          %parallel_loop3A_699 = vector.shape_cast %parallel_loop3A_698 : vector<1x16xf32> to vector<16xf32>
          %parallel_loop3A_700 = arith.mulf %parallel_loop3A_699, %parallel_loop3A_681 : vector<16xf32>
          %parallel_loop3A_701 = arith.index_cast %parallel_loop3A_685 : i32 to index
          %parallel_loop3A_702 = arith.constant 16 : index
          %parallel_loop3A_703 = tpu.vector_load %arg12[%parallel_loop3A_701, %parallel_loop3A_702] {strides = array<i32>} : memref<128x64xf32, #tpu.memory_space<vmem>>, vector<1x16xf32>,
          %parallel_loop3A_704 = vector.shape_cast %parallel_loop3A_703 : vector<1x16xf32> to vector<16xf32>
          %parallel_loop3A_705 = vector.shape_cast %parallel_loop3A_700 : vector<16xf32> to vector<1x16xf32>
          tpu.vector_store %arg12[%parallel_loop3A_701, %parallel_loop3A_702], %parallel_loop3A_705 {strides = array<i32>} : memref<128x64xf32, #tpu.memory_space<vmem>>, vector<1x16xf32>,
          %parallel_loop3A_706 = arith.index_cast %parallel_loop3A_685 : i32 to index
          %parallel_loop3A_707 = arith.constant 32 : index
          %parallel_loop3A_708 = tpu.vector_load %arg12[%parallel_loop3A_706, %parallel_loop3A_707] {strides = array<i32>} : memref<128x64xf32, #tpu.memory_space<vmem>>, vector<1x16xf32>,
          %parallel_loop3A_709 = vector.shape_cast %parallel_loop3A_708 : vector<1x16xf32> to vector<16xf32>
          %parallel_loop3A_710 = arith.mulf %parallel_loop3A_709, %parallel_loop3A_681 : vector<16xf32>
          %parallel_loop3A_711 = arith.index_cast %parallel_loop3A_685 : i32 to index
          %parallel_loop3A_712 = arith.constant 32 : index
          %parallel_loop3A_713 = tpu.vector_load %arg12[%parallel_loop3A_711, %parallel_loop3A_712] {strides = array<i32>} : memref<128x64xf32, #tpu.memory_space<vmem>>, vector<1x16xf32>,
          %parallel_loop3A_714 = vector.shape_cast %parallel_loop3A_713 : vector<1x16xf32> to vector<16xf32>
          %parallel_loop3A_715 = vector.shape_cast %parallel_loop3A_710 : vector<16xf32> to vector<1x16xf32>
          tpu.vector_store %arg12[%parallel_loop3A_711, %parallel_loop3A_712], %parallel_loop3A_715 {strides = array<i32>} : memref<128x64xf32, #tpu.memory_space<vmem>>, vector<1x16xf32>,
          %parallel_loop3A_716 = arith.index_cast %parallel_loop3A_685 : i32 to index
          %parallel_loop3A_717 = arith.constant 48 : index
          %parallel_loop3A_718 = tpu.vector_load %arg12[%parallel_loop3A_716, %parallel_loop3A_717] {strides = array<i32>} : memref<128x64xf32, #tpu.memory_space<vmem>>, vector<1x16xf32>,
          %parallel_loop3A_719 = vector.shape_cast %parallel_loop3A_718 : vector<1x16xf32> to vector<16xf32>
          %parallel_loop3A_720 = arith.mulf %parallel_loop3A_719, %parallel_loop3A_681 : vector<16xf32>
          %parallel_loop3A_721 = arith.index_cast %parallel_loop3A_685 : i32 to index
          %parallel_loop3A_722 = arith.constant 48 : index
          %parallel_loop3A_723 = tpu.vector_load %arg12[%parallel_loop3A_721, %parallel_loop3A_722] {strides = array<i32>} : memref<128x64xf32, #tpu.memory_space<vmem>>, vector<1x16xf32>,
          %parallel_loop3A_724 = vector.shape_cast %parallel_loop3A_723 : vector<1x16xf32> to vector<16xf32>
          %parallel_loop3A_725 = vector.shape_cast %parallel_loop3A_720 : vector<16xf32> to vector<1x16xf32>
          tpu.vector_store %arg12[%parallel_loop3A_721, %parallel_loop3A_722], %parallel_loop3A_725 {strides = array<i32>} : memref<128x64xf32, #tpu.memory_space<vmem>>, vector<1x16xf32>,
          %parallel_loop3A_726 = vector.extract_strided_slice %parallel_loop3A_114 {offsets = [13], sizes = [1], strides = [1]} : vector<16xf32> to vector<1xf32>
          %parallel_loop3A_727 = vector.extract %parallel_loop3A_726[0] : f32 from vector<1xf32>
          %parallel_loop3A_728 = vector.broadcast %parallel_loop3A_727 : f32 to vector<16xf32>
          %parallel_loop3A_729 = arith.constant 16 : i32
          %parallel_loop3A_730 = arith.muli %parallel_loop3A_108, %parallel_loop3A_729 : i32
          %parallel_loop3A_731 = arith.constant 13 : i32
          %parallel_loop3A_732 = arith.addi %parallel_loop3A_730, %parallel_loop3A_731 : i32
          %parallel_loop3A_733 = arith.index_cast %parallel_loop3A_732 : i32 to index
          %parallel_loop3A_734 = arith.constant 0 : index
          %parallel_loop3A_735 = tpu.vector_load %arg12[%parallel_loop3A_733, %parallel_loop3A_734] {strides = array<i32>} : memref<128x64xf32, #tpu.memory_space<vmem>>, vector<1x16xf32>,
          %parallel_loop3A_736 = vector.shape_cast %parallel_loop3A_735 : vector<1x16xf32> to vector<16xf32>
          %parallel_loop3A_737 = arith.mulf %parallel_loop3A_736, %parallel_loop3A_728 : vector<16xf32>
          %parallel_loop3A_738 = arith.index_cast %parallel_loop3A_732 : i32 to index
          %parallel_loop3A_739 = arith.constant 0 : index
          %parallel_loop3A_740 = tpu.vector_load %arg12[%parallel_loop3A_738, %parallel_loop3A_739] {strides = array<i32>} : memref<128x64xf32, #tpu.memory_space<vmem>>, vector<1x16xf32>,
          %parallel_loop3A_741 = vector.shape_cast %parallel_loop3A_740 : vector<1x16xf32> to vector<16xf32>
          %parallel_loop3A_742 = vector.shape_cast %parallel_loop3A_737 : vector<16xf32> to vector<1x16xf32>
          tpu.vector_store %arg12[%parallel_loop3A_738, %parallel_loop3A_739], %parallel_loop3A_742 {strides = array<i32>} : memref<128x64xf32, #tpu.memory_space<vmem>>, vector<1x16xf32>,
          %parallel_loop3A_743 = arith.index_cast %parallel_loop3A_732 : i32 to index
          %parallel_loop3A_744 = arith.constant 16 : index
          %parallel_loop3A_745 = tpu.vector_load %arg12[%parallel_loop3A_743, %parallel_loop3A_744] {strides = array<i32>} : memref<128x64xf32, #tpu.memory_space<vmem>>, vector<1x16xf32>,
          %parallel_loop3A_746 = vector.shape_cast %parallel_loop3A_745 : vector<1x16xf32> to vector<16xf32>
          %parallel_loop3A_747 = arith.mulf %parallel_loop3A_746, %parallel_loop3A_728 : vector<16xf32>
          %parallel_loop3A_748 = arith.index_cast %parallel_loop3A_732 : i32 to index
          %parallel_loop3A_749 = arith.constant 16 : index
          %parallel_loop3A_750 = tpu.vector_load %arg12[%parallel_loop3A_748, %parallel_loop3A_749] {strides = array<i32>} : memref<128x64xf32, #tpu.memory_space<vmem>>, vector<1x16xf32>,
          %parallel_loop3A_751 = vector.shape_cast %parallel_loop3A_750 : vector<1x16xf32> to vector<16xf32>
          %parallel_loop3A_752 = vector.shape_cast %parallel_loop3A_747 : vector<16xf32> to vector<1x16xf32>
          tpu.vector_store %arg12[%parallel_loop3A_748, %parallel_loop3A_749], %parallel_loop3A_752 {strides = array<i32>} : memref<128x64xf32, #tpu.memory_space<vmem>>, vector<1x16xf32>,
          %parallel_loop3A_753 = arith.index_cast %parallel_loop3A_732 : i32 to index
          %parallel_loop3A_754 = arith.constant 32 : index
          %parallel_loop3A_755 = tpu.vector_load %arg12[%parallel_loop3A_753, %parallel_loop3A_754] {strides = array<i32>} : memref<128x64xf32, #tpu.memory_space<vmem>>, vector<1x16xf32>,
          %parallel_loop3A_756 = vector.shape_cast %parallel_loop3A_755 : vector<1x16xf32> to vector<16xf32>
          %parallel_loop3A_757 = arith.mulf %parallel_loop3A_756, %parallel_loop3A_728 : vector<16xf32>
          %parallel_loop3A_758 = arith.index_cast %parallel_loop3A_732 : i32 to index
          %parallel_loop3A_759 = arith.constant 32 : index
          %parallel_loop3A_760 = tpu.vector_load %arg12[%parallel_loop3A_758, %parallel_loop3A_759] {strides = array<i32>} : memref<128x64xf32, #tpu.memory_space<vmem>>, vector<1x16xf32>,
          %parallel_loop3A_761 = vector.shape_cast %parallel_loop3A_760 : vector<1x16xf32> to vector<16xf32>
          %parallel_loop3A_762 = vector.shape_cast %parallel_loop3A_757 : vector<16xf32> to vector<1x16xf32>
          tpu.vector_store %arg12[%parallel_loop3A_758, %parallel_loop3A_759], %parallel_loop3A_762 {strides = array<i32>} : memref<128x64xf32, #tpu.memory_space<vmem>>, vector<1x16xf32>,
          %parallel_loop3A_763 = arith.index_cast %parallel_loop3A_732 : i32 to index
          %parallel_loop3A_764 = arith.constant 48 : index
          %parallel_loop3A_765 = tpu.vector_load %arg12[%parallel_loop3A_763, %parallel_loop3A_764] {strides = array<i32>} : memref<128x64xf32, #tpu.memory_space<vmem>>, vector<1x16xf32>,
          %parallel_loop3A_766 = vector.shape_cast %parallel_loop3A_765 : vector<1x16xf32> to vector<16xf32>
          %parallel_loop3A_767 = arith.mulf %parallel_loop3A_766, %parallel_loop3A_728 : vector<16xf32>
          %parallel_loop3A_768 = arith.index_cast %parallel_loop3A_732 : i32 to index
          %parallel_loop3A_769 = arith.constant 48 : index
          %parallel_loop3A_770 = tpu.vector_load %arg12[%parallel_loop3A_768, %parallel_loop3A_769] {strides = array<i32>} : memref<128x64xf32, #tpu.memory_space<vmem>>, vector<1x16xf32>,
          %parallel_loop3A_771 = vector.shape_cast %parallel_loop3A_770 : vector<1x16xf32> to vector<16xf32>
          %parallel_loop3A_772 = vector.shape_cast %parallel_loop3A_767 : vector<16xf32> to vector<1x16xf32>
          tpu.vector_store %arg12[%parallel_loop3A_768, %parallel_loop3A_769], %parallel_loop3A_772 {strides = array<i32>} : memref<128x64xf32, #tpu.memory_space<vmem>>, vector<1x16xf32>,
          %parallel_loop3A_773 = vector.extract_strided_slice %parallel_loop3A_114 {offsets = [14], sizes = [1], strides = [1]} : vector<16xf32> to vector<1xf32>
          %parallel_loop3A_774 = vector.extract %parallel_loop3A_773[0] : f32 from vector<1xf32>
          %parallel_loop3A_775 = vector.broadcast %parallel_loop3A_774 : f32 to vector<16xf32>
          %parallel_loop3A_776 = arith.constant 16 : i32
          %parallel_loop3A_777 = arith.muli %parallel_loop3A_108, %parallel_loop3A_776 : i32
          %parallel_loop3A_778 = arith.constant 14 : i32
          %parallel_loop3A_779 = arith.addi %parallel_loop3A_777, %parallel_loop3A_778 : i32
          %parallel_loop3A_780 = arith.index_cast %parallel_loop3A_779 : i32 to index
          %parallel_loop3A_781 = arith.constant 0 : index
          %parallel_loop3A_782 = tpu.vector_load %arg12[%parallel_loop3A_780, %parallel_loop3A_781] {strides = array<i32>} : memref<128x64xf32, #tpu.memory_space<vmem>>, vector<1x16xf32>,
          %parallel_loop3A_783 = vector.shape_cast %parallel_loop3A_782 : vector<1x16xf32> to vector<16xf32>
          %parallel_loop3A_784 = arith.mulf %parallel_loop3A_783, %parallel_loop3A_775 : vector<16xf32>
          %parallel_loop3A_785 = arith.index_cast %parallel_loop3A_779 : i32 to index
          %parallel_loop3A_786 = arith.constant 0 : index
          %parallel_loop3A_787 = tpu.vector_load %arg12[%parallel_loop3A_785, %parallel_loop3A_786] {strides = array<i32>} : memref<128x64xf32, #tpu.memory_space<vmem>>, vector<1x16xf32>,
          %parallel_loop3A_788 = vector.shape_cast %parallel_loop3A_787 : vector<1x16xf32> to vector<16xf32>
          %parallel_loop3A_789 = vector.shape_cast %parallel_loop3A_784 : vector<16xf32> to vector<1x16xf32>
          tpu.vector_store %arg12[%parallel_loop3A_785, %parallel_loop3A_786], %parallel_loop3A_789 {strides = array<i32>} : memref<128x64xf32, #tpu.memory_space<vmem>>, vector<1x16xf32>,
          %parallel_loop3A_790 = arith.index_cast %parallel_loop3A_779 : i32 to index
          %parallel_loop3A_791 = arith.constant 16 : index
          %parallel_loop3A_792 = tpu.vector_load %arg12[%parallel_loop3A_790, %parallel_loop3A_791] {strides = array<i32>} : memref<128x64xf32, #tpu.memory_space<vmem>>, vector<1x16xf32>,
          %parallel_loop3A_793 = vector.shape_cast %parallel_loop3A_792 : vector<1x16xf32> to vector<16xf32>
          %parallel_loop3A_794 = arith.mulf %parallel_loop3A_793, %parallel_loop3A_775 : vector<16xf32>
          %parallel_loop3A_795 = arith.index_cast %parallel_loop3A_779 : i32 to index
          %parallel_loop3A_796 = arith.constant 16 : index
          %parallel_loop3A_797 = tpu.vector_load %arg12[%parallel_loop3A_795, %parallel_loop3A_796] {strides = array<i32>} : memref<128x64xf32, #tpu.memory_space<vmem>>, vector<1x16xf32>,
          %parallel_loop3A_798 = vector.shape_cast %parallel_loop3A_797 : vector<1x16xf32> to vector<16xf32>
          %parallel_loop3A_799 = vector.shape_cast %parallel_loop3A_794 : vector<16xf32> to vector<1x16xf32>
          tpu.vector_store %arg12[%parallel_loop3A_795, %parallel_loop3A_796], %parallel_loop3A_799 {strides = array<i32>} : memref<128x64xf32, #tpu.memory_space<vmem>>, vector<1x16xf32>,
          %parallel_loop3A_800 = arith.index_cast %parallel_loop3A_779 : i32 to index
          %parallel_loop3A_801 = arith.constant 32 : index
          %parallel_loop3A_802 = tpu.vector_load %arg12[%parallel_loop3A_800, %parallel_loop3A_801] {strides = array<i32>} : memref<128x64xf32, #tpu.memory_space<vmem>>, vector<1x16xf32>,
          %parallel_loop3A_803 = vector.shape_cast %parallel_loop3A_802 : vector<1x16xf32> to vector<16xf32>
          %parallel_loop3A_804 = arith.mulf %parallel_loop3A_803, %parallel_loop3A_775 : vector<16xf32>
          %parallel_loop3A_805 = arith.index_cast %parallel_loop3A_779 : i32 to index
          %parallel_loop3A_806 = arith.constant 32 : index
          %parallel_loop3A_807 = tpu.vector_load %arg12[%parallel_loop3A_805, %parallel_loop3A_806] {strides = array<i32>} : memref<128x64xf32, #tpu.memory_space<vmem>>, vector<1x16xf32>,
          %parallel_loop3A_808 = vector.shape_cast %parallel_loop3A_807 : vector<1x16xf32> to vector<16xf32>
          %parallel_loop3A_809 = vector.shape_cast %parallel_loop3A_804 : vector<16xf32> to vector<1x16xf32>
          tpu.vector_store %arg12[%parallel_loop3A_805, %parallel_loop3A_806], %parallel_loop3A_809 {strides = array<i32>} : memref<128x64xf32, #tpu.memory_space<vmem>>, vector<1x16xf32>,
          %parallel_loop3A_810 = arith.index_cast %parallel_loop3A_779 : i32 to index
          %parallel_loop3A_811 = arith.constant 48 : index
          %parallel_loop3A_812 = tpu.vector_load %arg12[%parallel_loop3A_810, %parallel_loop3A_811] {strides = array<i32>} : memref<128x64xf32, #tpu.memory_space<vmem>>, vector<1x16xf32>,
          %parallel_loop3A_813 = vector.shape_cast %parallel_loop3A_812 : vector<1x16xf32> to vector<16xf32>
          %parallel_loop3A_814 = arith.mulf %parallel_loop3A_813, %parallel_loop3A_775 : vector<16xf32>
          %parallel_loop3A_815 = arith.index_cast %parallel_loop3A_779 : i32 to index
          %parallel_loop3A_816 = arith.constant 48 : index
          %parallel_loop3A_817 = tpu.vector_load %arg12[%parallel_loop3A_815, %parallel_loop3A_816] {strides = array<i32>} : memref<128x64xf32, #tpu.memory_space<vmem>>, vector<1x16xf32>,
          %parallel_loop3A_818 = vector.shape_cast %parallel_loop3A_817 : vector<1x16xf32> to vector<16xf32>
          %parallel_loop3A_819 = vector.shape_cast %parallel_loop3A_814 : vector<16xf32> to vector<1x16xf32>
          tpu.vector_store %arg12[%parallel_loop3A_815, %parallel_loop3A_816], %parallel_loop3A_819 {strides = array<i32>} : memref<128x64xf32, #tpu.memory_space<vmem>>, vector<1x16xf32>,
          %parallel_loop3A_820 = vector.extract_strided_slice %parallel_loop3A_114 {offsets = [15], sizes = [1], strides = [1]} : vector<16xf32> to vector<1xf32>
          %parallel_loop3A_821 = vector.extract %parallel_loop3A_820[0] : f32 from vector<1xf32>
          %parallel_loop3A_822 = vector.broadcast %parallel_loop3A_821 : f32 to vector<16xf32>
          %parallel_loop3A_823 = arith.constant 16 : i32
          %parallel_loop3A_824 = arith.muli %parallel_loop3A_108, %parallel_loop3A_823 : i32
          %parallel_loop3A_825 = arith.constant 15 : i32
          %parallel_loop3A_826 = arith.addi %parallel_loop3A_824, %parallel_loop3A_825 : i32
          %parallel_loop3A_827 = arith.index_cast %parallel_loop3A_826 : i32 to index
          %parallel_loop3A_828 = arith.constant 0 : index
          %parallel_loop3A_829 = tpu.vector_load %arg12[%parallel_loop3A_827, %parallel_loop3A_828] {strides = array<i32>} : memref<128x64xf32, #tpu.memory_space<vmem>>, vector<1x16xf32>,
          %parallel_loop3A_830 = vector.shape_cast %parallel_loop3A_829 : vector<1x16xf32> to vector<16xf32>
          %parallel_loop3A_831 = arith.mulf %parallel_loop3A_830, %parallel_loop3A_822 : vector<16xf32>
          %parallel_loop3A_832 = arith.index_cast %parallel_loop3A_826 : i32 to index
          %parallel_loop3A_833 = arith.constant 0 : index
          %parallel_loop3A_834 = tpu.vector_load %arg12[%parallel_loop3A_832, %parallel_loop3A_833] {strides = array<i32>} : memref<128x64xf32, #tpu.memory_space<vmem>>, vector<1x16xf32>,
          %parallel_loop3A_835 = vector.shape_cast %parallel_loop3A_834 : vector<1x16xf32> to vector<16xf32>
          %parallel_loop3A_836 = vector.shape_cast %parallel_loop3A_831 : vector<16xf32> to vector<1x16xf32>
          tpu.vector_store %arg12[%parallel_loop3A_832, %parallel_loop3A_833], %parallel_loop3A_836 {strides = array<i32>} : memref<128x64xf32, #tpu.memory_space<vmem>>, vector<1x16xf32>,
          %parallel_loop3A_837 = arith.index_cast %parallel_loop3A_826 : i32 to index
          %parallel_loop3A_838 = arith.constant 16 : index
          %parallel_loop3A_839 = tpu.vector_load %arg12[%parallel_loop3A_837, %parallel_loop3A_838] {strides = array<i32>} : memref<128x64xf32, #tpu.memory_space<vmem>>, vector<1x16xf32>,
          %parallel_loop3A_840 = vector.shape_cast %parallel_loop3A_839 : vector<1x16xf32> to vector<16xf32>
          %parallel_loop3A_841 = arith.mulf %parallel_loop3A_840, %parallel_loop3A_822 : vector<16xf32>
          %parallel_loop3A_842 = arith.index_cast %parallel_loop3A_826 : i32 to index
          %parallel_loop3A_843 = arith.constant 16 : index
          %parallel_loop3A_844 = tpu.vector_load %arg12[%parallel_loop3A_842, %parallel_loop3A_843] {strides = array<i32>} : memref<128x64xf32, #tpu.memory_space<vmem>>, vector<1x16xf32>,
          %parallel_loop3A_845 = vector.shape_cast %parallel_loop3A_844 : vector<1x16xf32> to vector<16xf32>
          %parallel_loop3A_846 = vector.shape_cast %parallel_loop3A_841 : vector<16xf32> to vector<1x16xf32>
          tpu.vector_store %arg12[%parallel_loop3A_842, %parallel_loop3A_843], %parallel_loop3A_846 {strides = array<i32>} : memref<128x64xf32, #tpu.memory_space<vmem>>, vector<1x16xf32>,
          %parallel_loop3A_847 = arith.index_cast %parallel_loop3A_826 : i32 to index
          %parallel_loop3A_848 = arith.constant 32 : index
          %parallel_loop3A_849 = tpu.vector_load %arg12[%parallel_loop3A_847, %parallel_loop3A_848] {strides = array<i32>} : memref<128x64xf32, #tpu.memory_space<vmem>>, vector<1x16xf32>,
          %parallel_loop3A_850 = vector.shape_cast %parallel_loop3A_849 : vector<1x16xf32> to vector<16xf32>
          %parallel_loop3A_851 = arith.mulf %parallel_loop3A_850, %parallel_loop3A_822 : vector<16xf32>
          %parallel_loop3A_852 = arith.index_cast %parallel_loop3A_826 : i32 to index
          %parallel_loop3A_853 = arith.constant 32 : index
          %parallel_loop3A_854 = tpu.vector_load %arg12[%parallel_loop3A_852, %parallel_loop3A_853] {strides = array<i32>} : memref<128x64xf32, #tpu.memory_space<vmem>>, vector<1x16xf32>,
          %parallel_loop3A_855 = vector.shape_cast %parallel_loop3A_854 : vector<1x16xf32> to vector<16xf32>
          %parallel_loop3A_856 = vector.shape_cast %parallel_loop3A_851 : vector<16xf32> to vector<1x16xf32>
          tpu.vector_store %arg12[%parallel_loop3A_852, %parallel_loop3A_853], %parallel_loop3A_856 {strides = array<i32>} : memref<128x64xf32, #tpu.memory_space<vmem>>, vector<1x16xf32>,
          %parallel_loop3A_857 = arith.index_cast %parallel_loop3A_826 : i32 to index
          %parallel_loop3A_858 = arith.constant 48 : index
          %parallel_loop3A_859 = tpu.vector_load %arg12[%parallel_loop3A_857, %parallel_loop3A_858] {strides = array<i32>} : memref<128x64xf32, #tpu.memory_space<vmem>>, vector<1x16xf32>,
          %parallel_loop3A_860 = vector.shape_cast %parallel_loop3A_859 : vector<1x16xf32> to vector<16xf32>
          %parallel_loop3A_861 = arith.mulf %parallel_loop3A_860, %parallel_loop3A_822 : vector<16xf32>
          %parallel_loop3A_862 = arith.index_cast %parallel_loop3A_826 : i32 to index
          %parallel_loop3A_863 = arith.constant 48 : index
          %parallel_loop3A_864 = tpu.vector_load %arg12[%parallel_loop3A_862, %parallel_loop3A_863] {strides = array<i32>} : memref<128x64xf32, #tpu.memory_space<vmem>>, vector<1x16xf32>,
          %parallel_loop3A_865 = vector.shape_cast %parallel_loop3A_864 : vector<1x16xf32> to vector<16xf32>
          %parallel_loop3A_866 = vector.shape_cast %parallel_loop3A_861 : vector<16xf32> to vector<1x16xf32>
          tpu.vector_store %arg12[%parallel_loop3A_862, %parallel_loop3A_863], %parallel_loop3A_866 {strides = array<i32>} : memref<128x64xf32, #tpu.memory_space<vmem>>, vector<1x16xf32>,
        } {sc.loop_unroll_factor = 1 : i64, sc.parallel_access}
        %dma_start3A_75 = arith.constant 0 : i32
        %dma_start3A_76 = tpu.memref_slice %arg10[%mul3A_56, %dma_start3A_75] : memref<16x128xi32, #tpu.memory_space<vmem>> -> memref<1x128xi32, #tpu.memory_space<vmem>>
        %dma_start3A_77 = tpu.memref_squeeze %dma_start3A_76 : memref<1x128xi32, #tpu.memory_space<vmem>> -> memref<128xi32, #tpu.memory_space<vmem>>
        %dma_start3A_78 = arith.constant 0 : i32
        %dma_start3A_79 = arith.constant 0 : i32
        %dma_start3A_80 = tpu.memref_slice %arg7[%dma_start3A_78, %dma_start3A_79] : memref<10240x64xf32, #tpu.memory_space<vmem_shared>> -> memref<10240x64xf32, #tpu.memory_space<vmem_shared>>
        tpu.enqueue_indirect_dma source(%arg12 : memref<128x64xf32, #tpu.memory_space<vmem>>) target(%dma_start3A_80 : memref<10240x64xf32, #tpu.memory_space<vmem_shared>>) offsets(%dma_start3A_77 : memref<128xi32, #tpu.memory_space<vmem>>) semaphore(%arg16 : memref<!tpu.dma_semaphore, #tpu.memory_space<semaphore_mem>>) {add = true}
        %add3A_81 = arith.constant 1 : i32
        %add3A_82 = arith.addi %mul3A_56, %add3A_81 : i32
        %dma_wait3A_83 = arith.constant 0 : i32
        %dma_wait3A_84 = tpu.memref_slice %arg9[%add3A_82, %dma_wait3A_83] : memref<16x128xi32, #tpu.memory_space<vmem>> -> memref<1x128xi32, #tpu.memory_space<vmem>>
        %dma_wait3A_85 = tpu.memref_squeeze %dma_wait3A_84 : memref<1x128xi32, #tpu.memory_space<vmem>> -> memref<128xi32, #tpu.memory_space<vmem>>
        %dma_wait3A_86 = arith.constant 0 : i32
        %dma_wait3A_87 = arith.constant 0 : i32
        %dma_wait3A_88 = tpu.memref_slice %arg8[%dma_wait3A_86, %dma_wait3A_87] : memref<10240x64xf32, #tpu.memory_space<vmem_shared>> -> memref<10240x64xf32, #tpu.memory_space<vmem_shared>>
        tpu.wait_indirect_dma semaphore(%arg15 : memref<!tpu.dma_semaphore, #tpu.memory_space<semaphore_mem>>) src(%dma_wait3A_88 : memref<10240x64xf32, #tpu.memory_space<vmem_shared>>) dst(%arg13 : memref<128x64xf32, #tpu.memory_space<vmem>>)
        %add3A_89 = arith.constant 1 : i32
        %add3A_90 = arith.addi %mul3A_56, %add3A_89 : i32
        %parallel_loop3A_91 = arith.constant 0 : i32
        %parallel_loop3A_92 = arith.constant 8 : i32
        %parallel_loop3A_93 = arith.constant 1 : i32
        scf.for %parallel_loop3A_108 = %parallel_loop3A_91 to %parallel_loop3A_92 step %parallel_loop3A_93  : i32 {
          %parallel_loop3A_109 = arith.constant 16 : i32
          %parallel_loop3A_110 = arith.muli %parallel_loop3A_108, %parallel_loop3A_109 : i32
          %parallel_loop3A_111 = arith.index_cast %add3A_90 : i32 to index
          %parallel_loop3A_112 = arith.index_cast %parallel_loop3A_110 : i32 to index
          %parallel_loop3A_113 = tpu.vector_load %arg11[%parallel_loop3A_111, %parallel_loop3A_112] {strides = array<i32>} : memref<16x128xf32, #tpu.memory_space<vmem>>, vector<1x16xf32>,
          %parallel_loop3A_114 = vector.shape_cast %parallel_loop3A_113 : vector<1x16xf32> to vector<16xf32>
          %parallel_loop3A_115 = vector.extract_strided_slice %parallel_loop3A_114 {offsets = [0], sizes = [1], strides = [1]} : vector<16xf32> to vector<1xf32>
          %parallel_loop3A_116 = vector.extract %parallel_loop3A_115[0] : f32 from vector<1xf32>
          %parallel_loop3A_117 = vector.broadcast %parallel_loop3A_116 : f32 to vector<16xf32>
          %parallel_loop3A_118 = arith.constant 16 : i32
          %parallel_loop3A_119 = arith.muli %parallel_loop3A_108, %parallel_loop3A_118 : i32
          %parallel_loop3A_120 = arith.constant 0 : i32
          %parallel_loop3A_121 = arith.addi %parallel_loop3A_119, %parallel_loop3A_120 : i32
          %parallel_loop3A_122 = arith.index_cast %parallel_loop3A_121 : i32 to index
          %parallel_loop3A_123 = arith.constant 0 : index
          %parallel_loop3A_124 = tpu.vector_load %arg13[%parallel_loop3A_122, %parallel_loop3A_123] {strides = array<i32>} : memref<128x64xf32, #tpu.memory_space<vmem>>, vector<1x16xf32>,
          %parallel_loop3A_125 = vector.shape_cast %parallel_loop3A_124 : vector<1x16xf32> to vector<16xf32>
          %parallel_loop3A_126 = arith.mulf %parallel_loop3A_125, %parallel_loop3A_117 : vector<16xf32>
          %parallel_loop3A_127 = arith.index_cast %parallel_loop3A_121 : i32 to index
          %parallel_loop3A_128 = arith.constant 0 : index
          %parallel_loop3A_129 = tpu.vector_load %arg13[%parallel_loop3A_127, %parallel_loop3A_128] {strides = array<i32>} : memref<128x64xf32, #tpu.memory_space<vmem>>, vector<1x16xf32>,
          %parallel_loop3A_130 = vector.shape_cast %parallel_loop3A_129 : vector<1x16xf32> to vector<16xf32>
          %parallel_loop3A_131 = vector.shape_cast %parallel_loop3A_126 : vector<16xf32> to vector<1x16xf32>
          tpu.vector_store %arg13[%parallel_loop3A_127, %parallel_loop3A_128], %parallel_loop3A_131 {strides = array<i32>} : memref<128x64xf32, #tpu.memory_space<vmem>>, vector<1x16xf32>,
          %parallel_loop3A_132 = arith.index_cast %parallel_loop3A_121 : i32 to index
          %parallel_loop3A_133 = arith.constant 16 : index
          %parallel_loop3A_134 = tpu.vector_load %arg13[%parallel_loop3A_132, %parallel_loop3A_133] {strides = array<i32>} : memref<128x64xf32, #tpu.memory_space<vmem>>, vector<1x16xf32>,
          %parallel_loop3A_135 = vector.shape_cast %parallel_loop3A_134 : vector<1x16xf32> to vector<16xf32>
          %parallel_loop3A_136 = arith.mulf %parallel_loop3A_135, %parallel_loop3A_117 : vector<16xf32>
          %parallel_loop3A_137 = arith.index_cast %parallel_loop3A_121 : i32 to index
          %parallel_loop3A_138 = arith.constant 16 : index
          %parallel_loop3A_139 = tpu.vector_load %arg13[%parallel_loop3A_137, %parallel_loop3A_138] {strides = array<i32>} : memref<128x64xf32, #tpu.memory_space<vmem>>, vector<1x16xf32>,
          %parallel_loop3A_140 = vector.shape_cast %parallel_loop3A_139 : vector<1x16xf32> to vector<16xf32>
          %parallel_loop3A_141 = vector.shape_cast %parallel_loop3A_136 : vector<16xf32> to vector<1x16xf32>
          tpu.vector_store %arg13[%parallel_loop3A_137, %parallel_loop3A_138], %parallel_loop3A_141 {strides = array<i32>} : memref<128x64xf32, #tpu.memory_space<vmem>>, vector<1x16xf32>,
          %parallel_loop3A_142 = arith.index_cast %parallel_loop3A_121 : i32 to index
          %parallel_loop3A_143 = arith.constant 32 : index
          %parallel_loop3A_144 = tpu.vector_load %arg13[%parallel_loop3A_142, %parallel_loop3A_143] {strides = array<i32>} : memref<128x64xf32, #tpu.memory_space<vmem>>, vector<1x16xf32>,
          %parallel_loop3A_145 = vector.shape_cast %parallel_loop3A_144 : vector<1x16xf32> to vector<16xf32>
          %parallel_loop3A_146 = arith.mulf %parallel_loop3A_145, %parallel_loop3A_117 : vector<16xf32>
          %parallel_loop3A_147 = arith.index_cast %parallel_loop3A_121 : i32 to index
          %parallel_loop3A_148 = arith.constant 32 : index
          %parallel_loop3A_149 = tpu.vector_load %arg13[%parallel_loop3A_147, %parallel_loop3A_148] {strides = array<i32>} : memref<128x64xf32, #tpu.memory_space<vmem>>, vector<1x16xf32>,
          %parallel_loop3A_150 = vector.shape_cast %parallel_loop3A_149 : vector<1x16xf32> to vector<16xf32>
          %parallel_loop3A_151 = vector.shape_cast %parallel_loop3A_146 : vector<16xf32> to vector<1x16xf32>
          tpu.vector_store %arg13[%parallel_loop3A_147, %parallel_loop3A_148], %parallel_loop3A_151 {strides = array<i32>} : memref<128x64xf32, #tpu.memory_space<vmem>>, vector<1x16xf32>,
          %parallel_loop3A_152 = arith.index_cast %parallel_loop3A_121 : i32 to index
          %parallel_loop3A_153 = arith.constant 48 : index
          %parallel_loop3A_154 = tpu.vector_load %arg13[%parallel_loop3A_152, %parallel_loop3A_153] {strides = array<i32>} : memref<128x64xf32, #tpu.memory_space<vmem>>, vector<1x16xf32>,
          %parallel_loop3A_155 = vector.shape_cast %parallel_loop3A_154 : vector<1x16xf32> to vector<16xf32>
          %parallel_loop3A_156 = arith.mulf %parallel_loop3A_155, %parallel_loop3A_117 : vector<16xf32>
          %parallel_loop3A_157 = arith.index_cast %parallel_loop3A_121 : i32 to index
          %parallel_loop3A_158 = arith.constant 48 : index
          %parallel_loop3A_159 = tpu.vector_load %arg13[%parallel_loop3A_157, %parallel_loop3A_158] {strides = array<i32>} : memref<128x64xf32, #tpu.memory_space<vmem>>, vector<1x16xf32>,
          %parallel_loop3A_160 = vector.shape_cast %parallel_loop3A_159 : vector<1x16xf32> to vector<16xf32>
          %parallel_loop3A_161 = vector.shape_cast %parallel_loop3A_156 : vector<16xf32> to vector<1x16xf32>
          tpu.vector_store %arg13[%parallel_loop3A_157, %parallel_loop3A_158], %parallel_loop3A_161 {strides = array<i32>} : memref<128x64xf32, #tpu.memory_space<vmem>>, vector<1x16xf32>,
          %parallel_loop3A_162 = vector.extract_strided_slice %parallel_loop3A_114 {offsets = [1], sizes = [1], strides = [1]} : vector<16xf32> to vector<1xf32>
          %parallel_loop3A_163 = vector.extract %parallel_loop3A_162[0] : f32 from vector<1xf32>
          %parallel_loop3A_164 = vector.broadcast %parallel_loop3A_163 : f32 to vector<16xf32>
          %parallel_loop3A_165 = arith.constant 16 : i32
          %parallel_loop3A_166 = arith.muli %parallel_loop3A_108, %parallel_loop3A_165 : i32
          %parallel_loop3A_167 = arith.constant 1 : i32
          %parallel_loop3A_168 = arith.addi %parallel_loop3A_166, %parallel_loop3A_167 : i32
          %parallel_loop3A_169 = arith.index_cast %parallel_loop3A_168 : i32 to index
          %parallel_loop3A_170 = arith.constant 0 : index
          %parallel_loop3A_171 = tpu.vector_load %arg13[%parallel_loop3A_169, %parallel_loop3A_170] {strides = array<i32>} : memref<128x64xf32, #tpu.memory_space<vmem>>, vector<1x16xf32>,
          %parallel_loop3A_172 = vector.shape_cast %parallel_loop3A_171 : vector<1x16xf32> to vector<16xf32>
          %parallel_loop3A_173 = arith.mulf %parallel_loop3A_172, %parallel_loop3A_164 : vector<16xf32>
          %parallel_loop3A_174 = arith.index_cast %parallel_loop3A_168 : i32 to index
          %parallel_loop3A_175 = arith.constant 0 : index
          %parallel_loop3A_176 = tpu.vector_load %arg13[%parallel_loop3A_174, %parallel_loop3A_175] {strides = array<i32>} : memref<128x64xf32, #tpu.memory_space<vmem>>, vector<1x16xf32>,
          %parallel_loop3A_177 = vector.shape_cast %parallel_loop3A_176 : vector<1x16xf32> to vector<16xf32>
          %parallel_loop3A_178 = vector.shape_cast %parallel_loop3A_173 : vector<16xf32> to vector<1x16xf32>
          tpu.vector_store %arg13[%parallel_loop3A_174, %parallel_loop3A_175], %parallel_loop3A_178 {strides = array<i32>} : memref<128x64xf32, #tpu.memory_space<vmem>>, vector<1x16xf32>,
          %parallel_loop3A_179 = arith.index_cast %parallel_loop3A_168 : i32 to index
          %parallel_loop3A_180 = arith.constant 16 : index
          %parallel_loop3A_181 = tpu.vector_load %arg13[%parallel_loop3A_179, %parallel_loop3A_180] {strides = array<i32>} : memref<128x64xf32, #tpu.memory_space<vmem>>, vector<1x16xf32>,
          %parallel_loop3A_182 = vector.shape_cast %parallel_loop3A_181 : vector<1x16xf32> to vector<16xf32>
          %parallel_loop3A_183 = arith.mulf %parallel_loop3A_182, %parallel_loop3A_164 : vector<16xf32>
          %parallel_loop3A_184 = arith.index_cast %parallel_loop3A_168 : i32 to index
          %parallel_loop3A_185 = arith.constant 16 : index
          %parallel_loop3A_186 = tpu.vector_load %arg13[%parallel_loop3A_184, %parallel_loop3A_185] {strides = array<i32>} : memref<128x64xf32, #tpu.memory_space<vmem>>, vector<1x16xf32>,
          %parallel_loop3A_187 = vector.shape_cast %parallel_loop3A_186 : vector<1x16xf32> to vector<16xf32>
          %parallel_loop3A_188 = vector.shape_cast %parallel_loop3A_183 : vector<16xf32> to vector<1x16xf32>
          tpu.vector_store %arg13[%parallel_loop3A_184, %parallel_loop3A_185], %parallel_loop3A_188 {strides = array<i32>} : memref<128x64xf32, #tpu.memory_space<vmem>>, vector<1x16xf32>,
          %parallel_loop3A_189 = arith.index_cast %parallel_loop3A_168 : i32 to index
          %parallel_loop3A_190 = arith.constant 32 : index
          %parallel_loop3A_191 = tpu.vector_load %arg13[%parallel_loop3A_189, %parallel_loop3A_190] {strides = array<i32>} : memref<128x64xf32, #tpu.memory_space<vmem>>, vector<1x16xf32>,
          %parallel_loop3A_192 = vector.shape_cast %parallel_loop3A_191 : vector<1x16xf32> to vector<16xf32>
          %parallel_loop3A_193 = arith.mulf %parallel_loop3A_192, %parallel_loop3A_164 : vector<16xf32>
          %parallel_loop3A_194 = arith.index_cast %parallel_loop3A_168 : i32 to index
          %parallel_loop3A_195 = arith.constant 32 : index
          %parallel_loop3A_196 = tpu.vector_load %arg13[%parallel_loop3A_194, %parallel_loop3A_195] {strides = array<i32>} : memref<128x64xf32, #tpu.memory_space<vmem>>, vector<1x16xf32>,
          %parallel_loop3A_197 = vector.shape_cast %parallel_loop3A_196 : vector<1x16xf32> to vector<16xf32>
          %parallel_loop3A_198 = vector.shape_cast %parallel_loop3A_193 : vector<16xf32> to vector<1x16xf32>
          tpu.vector_store %arg13[%parallel_loop3A_194, %parallel_loop3A_195], %parallel_loop3A_198 {strides = array<i32>} : memref<128x64xf32, #tpu.memory_space<vmem>>, vector<1x16xf32>,
          %parallel_loop3A_199 = arith.index_cast %parallel_loop3A_168 : i32 to index
          %parallel_loop3A_200 = arith.constant 48 : index
          %parallel_loop3A_201 = tpu.vector_load %arg13[%parallel_loop3A_199, %parallel_loop3A_200] {strides = array<i32>} : memref<128x64xf32, #tpu.memory_space<vmem>>, vector<1x16xf32>,
          %parallel_loop3A_202 = vector.shape_cast %parallel_loop3A_201 : vector<1x16xf32> to vector<16xf32>
          %parallel_loop3A_203 = arith.mulf %parallel_loop3A_202, %parallel_loop3A_164 : vector<16xf32>
          %parallel_loop3A_204 = arith.index_cast %parallel_loop3A_168 : i32 to index
          %parallel_loop3A_205 = arith.constant 48 : index
          %parallel_loop3A_206 = tpu.vector_load %arg13[%parallel_loop3A_204, %parallel_loop3A_205] {strides = array<i32>} : memref<128x64xf32, #tpu.memory_space<vmem>>, vector<1x16xf32>,
          %parallel_loop3A_207 = vector.shape_cast %parallel_loop3A_206 : vector<1x16xf32> to vector<16xf32>
          %parallel_loop3A_208 = vector.shape_cast %parallel_loop3A_203 : vector<16xf32> to vector<1x16xf32>
          tpu.vector_store %arg13[%parallel_loop3A_204, %parallel_loop3A_205], %parallel_loop3A_208 {strides = array<i32>} : memref<128x64xf32, #tpu.memory_space<vmem>>, vector<1x16xf32>,
          %parallel_loop3A_209 = vector.extract_strided_slice %parallel_loop3A_114 {offsets = [2], sizes = [1], strides = [1]} : vector<16xf32> to vector<1xf32>
          %parallel_loop3A_210 = vector.extract %parallel_loop3A_209[0] : f32 from vector<1xf32>
          %parallel_loop3A_211 = vector.broadcast %parallel_loop3A_210 : f32 to vector<16xf32>
          %parallel_loop3A_212 = arith.constant 16 : i32
          %parallel_loop3A_213 = arith.muli %parallel_loop3A_108, %parallel_loop3A_212 : i32
          %parallel_loop3A_214 = arith.constant 2 : i32
          %parallel_loop3A_215 = arith.addi %parallel_loop3A_213, %parallel_loop3A_214 : i32
          %parallel_loop3A_216 = arith.index_cast %parallel_loop3A_215 : i32 to index
          %parallel_loop3A_217 = arith.constant 0 : index
          %parallel_loop3A_218 = tpu.vector_load %arg13[%parallel_loop3A_216, %parallel_loop3A_217] {strides = array<i32>} : memref<128x64xf32, #tpu.memory_space<vmem>>, vector<1x16xf32>,
          %parallel_loop3A_219 = vector.shape_cast %parallel_loop3A_218 : vector<1x16xf32> to vector<16xf32>
          %parallel_loop3A_220 = arith.mulf %parallel_loop3A_219, %parallel_loop3A_211 : vector<16xf32>
          %parallel_loop3A_221 = arith.index_cast %parallel_loop3A_215 : i32 to index
          %parallel_loop3A_222 = arith.constant 0 : index
          %parallel_loop3A_223 = tpu.vector_load %arg13[%parallel_loop3A_221, %parallel_loop3A_222] {strides = array<i32>} : memref<128x64xf32, #tpu.memory_space<vmem>>, vector<1x16xf32>,
          %parallel_loop3A_224 = vector.shape_cast %parallel_loop3A_223 : vector<1x16xf32> to vector<16xf32>
          %parallel_loop3A_225 = vector.shape_cast %parallel_loop3A_220 : vector<16xf32> to vector<1x16xf32>
          tpu.vector_store %arg13[%parallel_loop3A_221, %parallel_loop3A_222], %parallel_loop3A_225 {strides = array<i32>} : memref<128x64xf32, #tpu.memory_space<vmem>>, vector<1x16xf32>,
          %parallel_loop3A_226 = arith.index_cast %parallel_loop3A_215 : i32 to index
          %parallel_loop3A_227 = arith.constant 16 : index
          %parallel_loop3A_228 = tpu.vector_load %arg13[%parallel_loop3A_226, %parallel_loop3A_227] {strides = array<i32>} : memref<128x64xf32, #tpu.memory_space<vmem>>, vector<1x16xf32>,
          %parallel_loop3A_229 = vector.shape_cast %parallel_loop3A_228 : vector<1x16xf32> to vector<16xf32>
          %parallel_loop3A_230 = arith.mulf %parallel_loop3A_229, %parallel_loop3A_211 : vector<16xf32>
          %parallel_loop3A_231 = arith.index_cast %parallel_loop3A_215 : i32 to index
          %parallel_loop3A_232 = arith.constant 16 : index
          %parallel_loop3A_233 = tpu.vector_load %arg13[%parallel_loop3A_231, %parallel_loop3A_232] {strides = array<i32>} : memref<128x64xf32, #tpu.memory_space<vmem>>, vector<1x16xf32>,
          %parallel_loop3A_234 = vector.shape_cast %parallel_loop3A_233 : vector<1x16xf32> to vector<16xf32>
          %parallel_loop3A_235 = vector.shape_cast %parallel_loop3A_230 : vector<16xf32> to vector<1x16xf32>
          tpu.vector_store %arg13[%parallel_loop3A_231, %parallel_loop3A_232], %parallel_loop3A_235 {strides = array<i32>} : memref<128x64xf32, #tpu.memory_space<vmem>>, vector<1x16xf32>,
          %parallel_loop3A_236 = arith.index_cast %parallel_loop3A_215 : i32 to index
          %parallel_loop3A_237 = arith.constant 32 : index
          %parallel_loop3A_238 = tpu.vector_load %arg13[%parallel_loop3A_236, %parallel_loop3A_237] {strides = array<i32>} : memref<128x64xf32, #tpu.memory_space<vmem>>, vector<1x16xf32>,
          %parallel_loop3A_239 = vector.shape_cast %parallel_loop3A_238 : vector<1x16xf32> to vector<16xf32>
          %parallel_loop3A_240 = arith.mulf %parallel_loop3A_239, %parallel_loop3A_211 : vector<16xf32>
          %parallel_loop3A_241 = arith.index_cast %parallel_loop3A_215 : i32 to index
          %parallel_loop3A_242 = arith.constant 32 : index
          %parallel_loop3A_243 = tpu.vector_load %arg13[%parallel_loop3A_241, %parallel_loop3A_242] {strides = array<i32>} : memref<128x64xf32, #tpu.memory_space<vmem>>, vector<1x16xf32>,
          %parallel_loop3A_244 = vector.shape_cast %parallel_loop3A_243 : vector<1x16xf32> to vector<16xf32>
          %parallel_loop3A_245 = vector.shape_cast %parallel_loop3A_240 : vector<16xf32> to vector<1x16xf32>
          tpu.vector_store %arg13[%parallel_loop3A_241, %parallel_loop3A_242], %parallel_loop3A_245 {strides = array<i32>} : memref<128x64xf32, #tpu.memory_space<vmem>>, vector<1x16xf32>,
          %parallel_loop3A_246 = arith.index_cast %parallel_loop3A_215 : i32 to index
          %parallel_loop3A_247 = arith.constant 48 : index
          %parallel_loop3A_248 = tpu.vector_load %arg13[%parallel_loop3A_246, %parallel_loop3A_247] {strides = array<i32>} : memref<128x64xf32, #tpu.memory_space<vmem>>, vector<1x16xf32>,
          %parallel_loop3A_249 = vector.shape_cast %parallel_loop3A_248 : vector<1x16xf32> to vector<16xf32>
          %parallel_loop3A_250 = arith.mulf %parallel_loop3A_249, %parallel_loop3A_211 : vector<16xf32>
          %parallel_loop3A_251 = arith.index_cast %parallel_loop3A_215 : i32 to index
          %parallel_loop3A_252 = arith.constant 48 : index
          %parallel_loop3A_253 = tpu.vector_load %arg13[%parallel_loop3A_251, %parallel_loop3A_252] {strides = array<i32>} : memref<128x64xf32, #tpu.memory_space<vmem>>, vector<1x16xf32>,
          %parallel_loop3A_254 = vector.shape_cast %parallel_loop3A_253 : vector<1x16xf32> to vector<16xf32>
          %parallel_loop3A_255 = vector.shape_cast %parallel_loop3A_250 : vector<16xf32> to vector<1x16xf32>
          tpu.vector_store %arg13[%parallel_loop3A_251, %parallel_loop3A_252], %parallel_loop3A_255 {strides = array<i32>} : memref<128x64xf32, #tpu.memory_space<vmem>>, vector<1x16xf32>,
          %parallel_loop3A_256 = vector.extract_strided_slice %parallel_loop3A_114 {offsets = [3], sizes = [1], strides = [1]} : vector<16xf32> to vector<1xf32>
          %parallel_loop3A_257 = vector.extract %parallel_loop3A_256[0] : f32 from vector<1xf32>
          %parallel_loop3A_258 = vector.broadcast %parallel_loop3A_257 : f32 to vector<16xf32>
          %parallel_loop3A_259 = arith.constant 16 : i32
          %parallel_loop3A_260 = arith.muli %parallel_loop3A_108, %parallel_loop3A_259 : i32
          %parallel_loop3A_261 = arith.constant 3 : i32
          %parallel_loop3A_262 = arith.addi %parallel_loop3A_260, %parallel_loop3A_261 : i32
          %parallel_loop3A_263 = arith.index_cast %parallel_loop3A_262 : i32 to index
          %parallel_loop3A_264 = arith.constant 0 : index
          %parallel_loop3A_265 = tpu.vector_load %arg13[%parallel_loop3A_263, %parallel_loop3A_264] {strides = array<i32>} : memref<128x64xf32, #tpu.memory_space<vmem>>, vector<1x16xf32>,
          %parallel_loop3A_266 = vector.shape_cast %parallel_loop3A_265 : vector<1x16xf32> to vector<16xf32>
          %parallel_loop3A_267 = arith.mulf %parallel_loop3A_266, %parallel_loop3A_258 : vector<16xf32>
          %parallel_loop3A_268 = arith.index_cast %parallel_loop3A_262 : i32 to index
          %parallel_loop3A_269 = arith.constant 0 : index
          %parallel_loop3A_270 = tpu.vector_load %arg13[%parallel_loop3A_268, %parallel_loop3A_269] {strides = array<i32>} : memref<128x64xf32, #tpu.memory_space<vmem>>, vector<1x16xf32>,
          %parallel_loop3A_271 = vector.shape_cast %parallel_loop3A_270 : vector<1x16xf32> to vector<16xf32>
          %parallel_loop3A_272 = vector.shape_cast %parallel_loop3A_267 : vector<16xf32> to vector<1x16xf32>
          tpu.vector_store %arg13[%parallel_loop3A_268, %parallel_loop3A_269], %parallel_loop3A_272 {strides = array<i32>} : memref<128x64xf32, #tpu.memory_space<vmem>>, vector<1x16xf32>,
          %parallel_loop3A_273 = arith.index_cast %parallel_loop3A_262 : i32 to index
          %parallel_loop3A_274 = arith.constant 16 : index
          %parallel_loop3A_275 = tpu.vector_load %arg13[%parallel_loop3A_273, %parallel_loop3A_274] {strides = array<i32>} : memref<128x64xf32, #tpu.memory_space<vmem>>, vector<1x16xf32>,
          %parallel_loop3A_276 = vector.shape_cast %parallel_loop3A_275 : vector<1x16xf32> to vector<16xf32>
          %parallel_loop3A_277 = arith.mulf %parallel_loop3A_276, %parallel_loop3A_258 : vector<16xf32>
          %parallel_loop3A_278 = arith.index_cast %parallel_loop3A_262 : i32 to index
          %parallel_loop3A_279 = arith.constant 16 : index
          %parallel_loop3A_280 = tpu.vector_load %arg13[%parallel_loop3A_278, %parallel_loop3A_279] {strides = array<i32>} : memref<128x64xf32, #tpu.memory_space<vmem>>, vector<1x16xf32>,
          %parallel_loop3A_281 = vector.shape_cast %parallel_loop3A_280 : vector<1x16xf32> to vector<16xf32>
          %parallel_loop3A_282 = vector.shape_cast %parallel_loop3A_277 : vector<16xf32> to vector<1x16xf32>
          tpu.vector_store %arg13[%parallel_loop3A_278, %parallel_loop3A_279], %parallel_loop3A_282 {strides = array<i32>} : memref<128x64xf32, #tpu.memory_space<vmem>>, vector<1x16xf32>,
          %parallel_loop3A_283 = arith.index_cast %parallel_loop3A_262 : i32 to index
          %parallel_loop3A_284 = arith.constant 32 : index
          %parallel_loop3A_285 = tpu.vector_load %arg13[%parallel_loop3A_283, %parallel_loop3A_284] {strides = array<i32>} : memref<128x64xf32, #tpu.memory_space<vmem>>, vector<1x16xf32>,
          %parallel_loop3A_286 = vector.shape_cast %parallel_loop3A_285 : vector<1x16xf32> to vector<16xf32>
          %parallel_loop3A_287 = arith.mulf %parallel_loop3A_286, %parallel_loop3A_258 : vector<16xf32>
          %parallel_loop3A_288 = arith.index_cast %parallel_loop3A_262 : i32 to index
          %parallel_loop3A_289 = arith.constant 32 : index
          %parallel_loop3A_290 = tpu.vector_load %arg13[%parallel_loop3A_288, %parallel_loop3A_289] {strides = array<i32>} : memref<128x64xf32, #tpu.memory_space<vmem>>, vector<1x16xf32>,
          %parallel_loop3A_291 = vector.shape_cast %parallel_loop3A_290 : vector<1x16xf32> to vector<16xf32>
          %parallel_loop3A_292 = vector.shape_cast %parallel_loop3A_287 : vector<16xf32> to vector<1x16xf32>
          tpu.vector_store %arg13[%parallel_loop3A_288, %parallel_loop3A_289], %parallel_loop3A_292 {strides = array<i32>} : memref<128x64xf32, #tpu.memory_space<vmem>>, vector<1x16xf32>,
          %parallel_loop3A_293 = arith.index_cast %parallel_loop3A_262 : i32 to index
          %parallel_loop3A_294 = arith.constant 48 : index
          %parallel_loop3A_295 = tpu.vector_load %arg13[%parallel_loop3A_293, %parallel_loop3A_294] {strides = array<i32>} : memref<128x64xf32, #tpu.memory_space<vmem>>, vector<1x16xf32>,
          %parallel_loop3A_296 = vector.shape_cast %parallel_loop3A_295 : vector<1x16xf32> to vector<16xf32>
          %parallel_loop3A_297 = arith.mulf %parallel_loop3A_296, %parallel_loop3A_258 : vector<16xf32>
          %parallel_loop3A_298 = arith.index_cast %parallel_loop3A_262 : i32 to index
          %parallel_loop3A_299 = arith.constant 48 : index
          %parallel_loop3A_300 = tpu.vector_load %arg13[%parallel_loop3A_298, %parallel_loop3A_299] {strides = array<i32>} : memref<128x64xf32, #tpu.memory_space<vmem>>, vector<1x16xf32>,
          %parallel_loop3A_301 = vector.shape_cast %parallel_loop3A_300 : vector<1x16xf32> to vector<16xf32>
          %parallel_loop3A_302 = vector.shape_cast %parallel_loop3A_297 : vector<16xf32> to vector<1x16xf32>
          tpu.vector_store %arg13[%parallel_loop3A_298, %parallel_loop3A_299], %parallel_loop3A_302 {strides = array<i32>} : memref<128x64xf32, #tpu.memory_space<vmem>>, vector<1x16xf32>,
          %parallel_loop3A_303 = vector.extract_strided_slice %parallel_loop3A_114 {offsets = [4], sizes = [1], strides = [1]} : vector<16xf32> to vector<1xf32>
          %parallel_loop3A_304 = vector.extract %parallel_loop3A_303[0] : f32 from vector<1xf32>
          %parallel_loop3A_305 = vector.broadcast %parallel_loop3A_304 : f32 to vector<16xf32>
          %parallel_loop3A_306 = arith.constant 16 : i32
          %parallel_loop3A_307 = arith.muli %parallel_loop3A_108, %parallel_loop3A_306 : i32
          %parallel_loop3A_308 = arith.constant 4 : i32
          %parallel_loop3A_309 = arith.addi %parallel_loop3A_307, %parallel_loop3A_308 : i32
          %parallel_loop3A_310 = arith.index_cast %parallel_loop3A_309 : i32 to index
          %parallel_loop3A_311 = arith.constant 0 : index
          %parallel_loop3A_312 = tpu.vector_load %arg13[%parallel_loop3A_310, %parallel_loop3A_311] {strides = array<i32>} : memref<128x64xf32, #tpu.memory_space<vmem>>, vector<1x16xf32>,
          %parallel_loop3A_313 = vector.shape_cast %parallel_loop3A_312 : vector<1x16xf32> to vector<16xf32>
          %parallel_loop3A_314 = arith.mulf %parallel_loop3A_313, %parallel_loop3A_305 : vector<16xf32>
          %parallel_loop3A_315 = arith.index_cast %parallel_loop3A_309 : i32 to index
          %parallel_loop3A_316 = arith.constant 0 : index
          %parallel_loop3A_317 = tpu.vector_load %arg13[%parallel_loop3A_315, %parallel_loop3A_316] {strides = array<i32>} : memref<128x64xf32, #tpu.memory_space<vmem>>, vector<1x16xf32>,
          %parallel_loop3A_318 = vector.shape_cast %parallel_loop3A_317 : vector<1x16xf32> to vector<16xf32>
          %parallel_loop3A_319 = vector.shape_cast %parallel_loop3A_314 : vector<16xf32> to vector<1x16xf32>
          tpu.vector_store %arg13[%parallel_loop3A_315, %parallel_loop3A_316], %parallel_loop3A_319 {strides = array<i32>} : memref<128x64xf32, #tpu.memory_space<vmem>>, vector<1x16xf32>,
          %parallel_loop3A_320 = arith.index_cast %parallel_loop3A_309 : i32 to index
          %parallel_loop3A_321 = arith.constant 16 : index
          %parallel_loop3A_322 = tpu.vector_load %arg13[%parallel_loop3A_320, %parallel_loop3A_321] {strides = array<i32>} : memref<128x64xf32, #tpu.memory_space<vmem>>, vector<1x16xf32>,
          %parallel_loop3A_323 = vector.shape_cast %parallel_loop3A_322 : vector<1x16xf32> to vector<16xf32>
          %parallel_loop3A_324 = arith.mulf %parallel_loop3A_323, %parallel_loop3A_305 : vector<16xf32>
          %parallel_loop3A_325 = arith.index_cast %parallel_loop3A_309 : i32 to index
          %parallel_loop3A_326 = arith.constant 16 : index
          %parallel_loop3A_327 = tpu.vector_load %arg13[%parallel_loop3A_325, %parallel_loop3A_326] {strides = array<i32>} : memref<128x64xf32, #tpu.memory_space<vmem>>, vector<1x16xf32>,
          %parallel_loop3A_328 = vector.shape_cast %parallel_loop3A_327 : vector<1x16xf32> to vector<16xf32>
          %parallel_loop3A_329 = vector.shape_cast %parallel_loop3A_324 : vector<16xf32> to vector<1x16xf32>
          tpu.vector_store %arg13[%parallel_loop3A_325, %parallel_loop3A_326], %parallel_loop3A_329 {strides = array<i32>} : memref<128x64xf32, #tpu.memory_space<vmem>>, vector<1x16xf32>,
          %parallel_loop3A_330 = arith.index_cast %parallel_loop3A_309 : i32 to index
          %parallel_loop3A_331 = arith.constant 32 : index
          %parallel_loop3A_332 = tpu.vector_load %arg13[%parallel_loop3A_330, %parallel_loop3A_331] {strides = array<i32>} : memref<128x64xf32, #tpu.memory_space<vmem>>, vector<1x16xf32>,
          %parallel_loop3A_333 = vector.shape_cast %parallel_loop3A_332 : vector<1x16xf32> to vector<16xf32>
          %parallel_loop3A_334 = arith.mulf %parallel_loop3A_333, %parallel_loop3A_305 : vector<16xf32>
          %parallel_loop3A_335 = arith.index_cast %parallel_loop3A_309 : i32 to index
          %parallel_loop3A_336 = arith.constant 32 : index
          %parallel_loop3A_337 = tpu.vector_load %arg13[%parallel_loop3A_335, %parallel_loop3A_336] {strides = array<i32>} : memref<128x64xf32, #tpu.memory_space<vmem>>, vector<1x16xf32>,
          %parallel_loop3A_338 = vector.shape_cast %parallel_loop3A_337 : vector<1x16xf32> to vector<16xf32>
          %parallel_loop3A_339 = vector.shape_cast %parallel_loop3A_334 : vector<16xf32> to vector<1x16xf32>
          tpu.vector_store %arg13[%parallel_loop3A_335, %parallel_loop3A_336], %parallel_loop3A_339 {strides = array<i32>} : memref<128x64xf32, #tpu.memory_space<vmem>>, vector<1x16xf32>,
          %parallel_loop3A_340 = arith.index_cast %parallel_loop3A_309 : i32 to index
          %parallel_loop3A_341 = arith.constant 48 : index
          %parallel_loop3A_342 = tpu.vector_load %arg13[%parallel_loop3A_340, %parallel_loop3A_341] {strides = array<i32>} : memref<128x64xf32, #tpu.memory_space<vmem>>, vector<1x16xf32>,
          %parallel_loop3A_343 = vector.shape_cast %parallel_loop3A_342 : vector<1x16xf32> to vector<16xf32>
          %parallel_loop3A_344 = arith.mulf %parallel_loop3A_343, %parallel_loop3A_305 : vector<16xf32>
          %parallel_loop3A_345 = arith.index_cast %parallel_loop3A_309 : i32 to index
          %parallel_loop3A_346 = arith.constant 48 : index
          %parallel_loop3A_347 = tpu.vector_load %arg13[%parallel_loop3A_345, %parallel_loop3A_346] {strides = array<i32>} : memref<128x64xf32, #tpu.memory_space<vmem>>, vector<1x16xf32>,
          %parallel_loop3A_348 = vector.shape_cast %parallel_loop3A_347 : vector<1x16xf32> to vector<16xf32>
          %parallel_loop3A_349 = vector.shape_cast %parallel_loop3A_344 : vector<16xf32> to vector<1x16xf32>
          tpu.vector_store %arg13[%parallel_loop3A_345, %parallel_loop3A_346], %parallel_loop3A_349 {strides = array<i32>} : memref<128x64xf32, #tpu.memory_space<vmem>>, vector<1x16xf32>,
          %parallel_loop3A_350 = vector.extract_strided_slice %parallel_loop3A_114 {offsets = [5], sizes = [1], strides = [1]} : vector<16xf32> to vector<1xf32>
          %parallel_loop3A_351 = vector.extract %parallel_loop3A_350[0] : f32 from vector<1xf32>
          %parallel_loop3A_352 = vector.broadcast %parallel_loop3A_351 : f32 to vector<16xf32>
          %parallel_loop3A_353 = arith.constant 16 : i32
          %parallel_loop3A_354 = arith.muli %parallel_loop3A_108, %parallel_loop3A_353 : i32
          %parallel_loop3A_355 = arith.constant 5 : i32
          %parallel_loop3A_356 = arith.addi %parallel_loop3A_354, %parallel_loop3A_355 : i32
          %parallel_loop3A_357 = arith.index_cast %parallel_loop3A_356 : i32 to index
          %parallel_loop3A_358 = arith.constant 0 : index
          %parallel_loop3A_359 = tpu.vector_load %arg13[%parallel_loop3A_357, %parallel_loop3A_358] {strides = array<i32>} : memref<128x64xf32, #tpu.memory_space<vmem>>, vector<1x16xf32>,
          %parallel_loop3A_360 = vector.shape_cast %parallel_loop3A_359 : vector<1x16xf32> to vector<16xf32>
          %parallel_loop3A_361 = arith.mulf %parallel_loop3A_360, %parallel_loop3A_352 : vector<16xf32>
          %parallel_loop3A_362 = arith.index_cast %parallel_loop3A_356 : i32 to index
          %parallel_loop3A_363 = arith.constant 0 : index
          %parallel_loop3A_364 = tpu.vector_load %arg13[%parallel_loop3A_362, %parallel_loop3A_363] {strides = array<i32>} : memref<128x64xf32, #tpu.memory_space<vmem>>, vector<1x16xf32>,
          %parallel_loop3A_365 = vector.shape_cast %parallel_loop3A_364 : vector<1x16xf32> to vector<16xf32>
          %parallel_loop3A_366 = vector.shape_cast %parallel_loop3A_361 : vector<16xf32> to vector<1x16xf32>
          tpu.vector_store %arg13[%parallel_loop3A_362, %parallel_loop3A_363], %parallel_loop3A_366 {strides = array<i32>} : memref<128x64xf32, #tpu.memory_space<vmem>>, vector<1x16xf32>,
          %parallel_loop3A_367 = arith.index_cast %parallel_loop3A_356 : i32 to index
          %parallel_loop3A_368 = arith.constant 16 : index
          %parallel_loop3A_369 = tpu.vector_load %arg13[%parallel_loop3A_367, %parallel_loop3A_368] {strides = array<i32>} : memref<128x64xf32, #tpu.memory_space<vmem>>, vector<1x16xf32>,
          %parallel_loop3A_370 = vector.shape_cast %parallel_loop3A_369 : vector<1x16xf32> to vector<16xf32>
          %parallel_loop3A_371 = arith.mulf %parallel_loop3A_370, %parallel_loop3A_352 : vector<16xf32>
          %parallel_loop3A_372 = arith.index_cast %parallel_loop3A_356 : i32 to index
          %parallel_loop3A_373 = arith.constant 16 : index
          %parallel_loop3A_374 = tpu.vector_load %arg13[%parallel_loop3A_372, %parallel_loop3A_373] {strides = array<i32>} : memref<128x64xf32, #tpu.memory_space<vmem>>, vector<1x16xf32>,
          %parallel_loop3A_375 = vector.shape_cast %parallel_loop3A_374 : vector<1x16xf32> to vector<16xf32>
          %parallel_loop3A_376 = vector.shape_cast %parallel_loop3A_371 : vector<16xf32> to vector<1x16xf32>
          tpu.vector_store %arg13[%parallel_loop3A_372, %parallel_loop3A_373], %parallel_loop3A_376 {strides = array<i32>} : memref<128x64xf32, #tpu.memory_space<vmem>>, vector<1x16xf32>,
          %parallel_loop3A_377 = arith.index_cast %parallel_loop3A_356 : i32 to index
          %parallel_loop3A_378 = arith.constant 32 : index
          %parallel_loop3A_379 = tpu.vector_load %arg13[%parallel_loop3A_377, %parallel_loop3A_378] {strides = array<i32>} : memref<128x64xf32, #tpu.memory_space<vmem>>, vector<1x16xf32>,
          %parallel_loop3A_380 = vector.shape_cast %parallel_loop3A_379 : vector<1x16xf32> to vector<16xf32>
          %parallel_loop3A_381 = arith.mulf %parallel_loop3A_380, %parallel_loop3A_352 : vector<16xf32>
          %parallel_loop3A_382 = arith.index_cast %parallel_loop3A_356 : i32 to index
          %parallel_loop3A_383 = arith.constant 32 : index
          %parallel_loop3A_384 = tpu.vector_load %arg13[%parallel_loop3A_382, %parallel_loop3A_383] {strides = array<i32>} : memref<128x64xf32, #tpu.memory_space<vmem>>, vector<1x16xf32>,
          %parallel_loop3A_385 = vector.shape_cast %parallel_loop3A_384 : vector<1x16xf32> to vector<16xf32>
          %parallel_loop3A_386 = vector.shape_cast %parallel_loop3A_381 : vector<16xf32> to vector<1x16xf32>
          tpu.vector_store %arg13[%parallel_loop3A_382, %parallel_loop3A_383], %parallel_loop3A_386 {strides = array<i32>} : memref<128x64xf32, #tpu.memory_space<vmem>>, vector<1x16xf32>,
          %parallel_loop3A_387 = arith.index_cast %parallel_loop3A_356 : i32 to index
          %parallel_loop3A_388 = arith.constant 48 : index
          %parallel_loop3A_389 = tpu.vector_load %arg13[%parallel_loop3A_387, %parallel_loop3A_388] {strides = array<i32>} : memref<128x64xf32, #tpu.memory_space<vmem>>, vector<1x16xf32>,
          %parallel_loop3A_390 = vector.shape_cast %parallel_loop3A_389 : vector<1x16xf32> to vector<16xf32>
          %parallel_loop3A_391 = arith.mulf %parallel_loop3A_390, %parallel_loop3A_352 : vector<16xf32>
          %parallel_loop3A_392 = arith.index_cast %parallel_loop3A_356 : i32 to index
          %parallel_loop3A_393 = arith.constant 48 : index
          %parallel_loop3A_394 = tpu.vector_load %arg13[%parallel_loop3A_392, %parallel_loop3A_393] {strides = array<i32>} : memref<128x64xf32, #tpu.memory_space<vmem>>, vector<1x16xf32>,
          %parallel_loop3A_395 = vector.shape_cast %parallel_loop3A_394 : vector<1x16xf32> to vector<16xf32>
          %parallel_loop3A_396 = vector.shape_cast %parallel_loop3A_391 : vector<16xf32> to vector<1x16xf32>
          tpu.vector_store %arg13[%parallel_loop3A_392, %parallel_loop3A_393], %parallel_loop3A_396 {strides = array<i32>} : memref<128x64xf32, #tpu.memory_space<vmem>>, vector<1x16xf32>,
          %parallel_loop3A_397 = vector.extract_strided_slice %parallel_loop3A_114 {offsets = [6], sizes = [1], strides = [1]} : vector<16xf32> to vector<1xf32>
          %parallel_loop3A_398 = vector.extract %parallel_loop3A_397[0] : f32 from vector<1xf32>
          %parallel_loop3A_399 = vector.broadcast %parallel_loop3A_398 : f32 to vector<16xf32>
          %parallel_loop3A_400 = arith.constant 16 : i32
          %parallel_loop3A_401 = arith.muli %parallel_loop3A_108, %parallel_loop3A_400 : i32
          %parallel_loop3A_402 = arith.constant 6 : i32
          %parallel_loop3A_403 = arith.addi %parallel_loop3A_401, %parallel_loop3A_402 : i32
          %parallel_loop3A_404 = arith.index_cast %parallel_loop3A_403 : i32 to index
          %parallel_loop3A_405 = arith.constant 0 : index
          %parallel_loop3A_406 = tpu.vector_load %arg13[%parallel_loop3A_404, %parallel_loop3A_405] {strides = array<i32>} : memref<128x64xf32, #tpu.memory_space<vmem>>, vector<1x16xf32>,
          %parallel_loop3A_407 = vector.shape_cast %parallel_loop3A_406 : vector<1x16xf32> to vector<16xf32>
          %parallel_loop3A_408 = arith.mulf %parallel_loop3A_407, %parallel_loop3A_399 : vector<16xf32>
          %parallel_loop3A_409 = arith.index_cast %parallel_loop3A_403 : i32 to index
          %parallel_loop3A_410 = arith.constant 0 : index
          %parallel_loop3A_411 = tpu.vector_load %arg13[%parallel_loop3A_409, %parallel_loop3A_410] {strides = array<i32>} : memref<128x64xf32, #tpu.memory_space<vmem>>, vector<1x16xf32>,
          %parallel_loop3A_412 = vector.shape_cast %parallel_loop3A_411 : vector<1x16xf32> to vector<16xf32>
          %parallel_loop3A_413 = vector.shape_cast %parallel_loop3A_408 : vector<16xf32> to vector<1x16xf32>
          tpu.vector_store %arg13[%parallel_loop3A_409, %parallel_loop3A_410], %parallel_loop3A_413 {strides = array<i32>} : memref<128x64xf32, #tpu.memory_space<vmem>>, vector<1x16xf32>,
          %parallel_loop3A_414 = arith.index_cast %parallel_loop3A_403 : i32 to index
          %parallel_loop3A_415 = arith.constant 16 : index
          %parallel_loop3A_416 = tpu.vector_load %arg13[%parallel_loop3A_414, %parallel_loop3A_415] {strides = array<i32>} : memref<128x64xf32, #tpu.memory_space<vmem>>, vector<1x16xf32>,
          %parallel_loop3A_417 = vector.shape_cast %parallel_loop3A_416 : vector<1x16xf32> to vector<16xf32>
          %parallel_loop3A_418 = arith.mulf %parallel_loop3A_417, %parallel_loop3A_399 : vector<16xf32>
          %parallel_loop3A_419 = arith.index_cast %parallel_loop3A_403 : i32 to index
          %parallel_loop3A_420 = arith.constant 16 : index
          %parallel_loop3A_421 = tpu.vector_load %arg13[%parallel_loop3A_419, %parallel_loop3A_420] {strides = array<i32>} : memref<128x64xf32, #tpu.memory_space<vmem>>, vector<1x16xf32>,
          %parallel_loop3A_422 = vector.shape_cast %parallel_loop3A_421 : vector<1x16xf32> to vector<16xf32>
          %parallel_loop3A_423 = vector.shape_cast %parallel_loop3A_418 : vector<16xf32> to vector<1x16xf32>
          tpu.vector_store %arg13[%parallel_loop3A_419, %parallel_loop3A_420], %parallel_loop3A_423 {strides = array<i32>} : memref<128x64xf32, #tpu.memory_space<vmem>>, vector<1x16xf32>,
          %parallel_loop3A_424 = arith.index_cast %parallel_loop3A_403 : i32 to index
          %parallel_loop3A_425 = arith.constant 32 : index
          %parallel_loop3A_426 = tpu.vector_load %arg13[%parallel_loop3A_424, %parallel_loop3A_425] {strides = array<i32>} : memref<128x64xf32, #tpu.memory_space<vmem>>, vector<1x16xf32>,
          %parallel_loop3A_427 = vector.shape_cast %parallel_loop3A_426 : vector<1x16xf32> to vector<16xf32>
          %parallel_loop3A_428 = arith.mulf %parallel_loop3A_427, %parallel_loop3A_399 : vector<16xf32>
          %parallel_loop3A_429 = arith.index_cast %parallel_loop3A_403 : i32 to index
          %parallel_loop3A_430 = arith.constant 32 : index
          %parallel_loop3A_431 = tpu.vector_load %arg13[%parallel_loop3A_429, %parallel_loop3A_430] {strides = array<i32>} : memref<128x64xf32, #tpu.memory_space<vmem>>, vector<1x16xf32>,
          %parallel_loop3A_432 = vector.shape_cast %parallel_loop3A_431 : vector<1x16xf32> to vector<16xf32>
          %parallel_loop3A_433 = vector.shape_cast %parallel_loop3A_428 : vector<16xf32> to vector<1x16xf32>
          tpu.vector_store %arg13[%parallel_loop3A_429, %parallel_loop3A_430], %parallel_loop3A_433 {strides = array<i32>} : memref<128x64xf32, #tpu.memory_space<vmem>>, vector<1x16xf32>,
          %parallel_loop3A_434 = arith.index_cast %parallel_loop3A_403 : i32 to index
          %parallel_loop3A_435 = arith.constant 48 : index
          %parallel_loop3A_436 = tpu.vector_load %arg13[%parallel_loop3A_434, %parallel_loop3A_435] {strides = array<i32>} : memref<128x64xf32, #tpu.memory_space<vmem>>, vector<1x16xf32>,
          %parallel_loop3A_437 = vector.shape_cast %parallel_loop3A_436 : vector<1x16xf32> to vector<16xf32>
          %parallel_loop3A_438 = arith.mulf %parallel_loop3A_437, %parallel_loop3A_399 : vector<16xf32>
          %parallel_loop3A_439 = arith.index_cast %parallel_loop3A_403 : i32 to index
          %parallel_loop3A_440 = arith.constant 48 : index
          %parallel_loop3A_441 = tpu.vector_load %arg13[%parallel_loop3A_439, %parallel_loop3A_440] {strides = array<i32>} : memref<128x64xf32, #tpu.memory_space<vmem>>, vector<1x16xf32>,
          %parallel_loop3A_442 = vector.shape_cast %parallel_loop3A_441 : vector<1x16xf32> to vector<16xf32>
          %parallel_loop3A_443 = vector.shape_cast %parallel_loop3A_438 : vector<16xf32> to vector<1x16xf32>
          tpu.vector_store %arg13[%parallel_loop3A_439, %parallel_loop3A_440], %parallel_loop3A_443 {strides = array<i32>} : memref<128x64xf32, #tpu.memory_space<vmem>>, vector<1x16xf32>,
          %parallel_loop3A_444 = vector.extract_strided_slice %parallel_loop3A_114 {offsets = [7], sizes = [1], strides = [1]} : vector<16xf32> to vector<1xf32>
          %parallel_loop3A_445 = vector.extract %parallel_loop3A_444[0] : f32 from vector<1xf32>
          %parallel_loop3A_446 = vector.broadcast %parallel_loop3A_445 : f32 to vector<16xf32>
          %parallel_loop3A_447 = arith.constant 16 : i32
          %parallel_loop3A_448 = arith.muli %parallel_loop3A_108, %parallel_loop3A_447 : i32
          %parallel_loop3A_449 = arith.constant 7 : i32
          %parallel_loop3A_450 = arith.addi %parallel_loop3A_448, %parallel_loop3A_449 : i32
          %parallel_loop3A_451 = arith.index_cast %parallel_loop3A_450 : i32 to index
          %parallel_loop3A_452 = arith.constant 0 : index
          %parallel_loop3A_453 = tpu.vector_load %arg13[%parallel_loop3A_451, %parallel_loop3A_452] {strides = array<i32>} : memref<128x64xf32, #tpu.memory_space<vmem>>, vector<1x16xf32>,
          %parallel_loop3A_454 = vector.shape_cast %parallel_loop3A_453 : vector<1x16xf32> to vector<16xf32>
          %parallel_loop3A_455 = arith.mulf %parallel_loop3A_454, %parallel_loop3A_446 : vector<16xf32>
          %parallel_loop3A_456 = arith.index_cast %parallel_loop3A_450 : i32 to index
          %parallel_loop3A_457 = arith.constant 0 : index
          %parallel_loop3A_458 = tpu.vector_load %arg13[%parallel_loop3A_456, %parallel_loop3A_457] {strides = array<i32>} : memref<128x64xf32, #tpu.memory_space<vmem>>, vector<1x16xf32>,
          %parallel_loop3A_459 = vector.shape_cast %parallel_loop3A_458 : vector<1x16xf32> to vector<16xf32>
          %parallel_loop3A_460 = vector.shape_cast %parallel_loop3A_455 : vector<16xf32> to vector<1x16xf32>
          tpu.vector_store %arg13[%parallel_loop3A_456, %parallel_loop3A_457], %parallel_loop3A_460 {strides = array<i32>} : memref<128x64xf32, #tpu.memory_space<vmem>>, vector<1x16xf32>,
          %parallel_loop3A_461 = arith.index_cast %parallel_loop3A_450 : i32 to index
          %parallel_loop3A_462 = arith.constant 16 : index
          %parallel_loop3A_463 = tpu.vector_load %arg13[%parallel_loop3A_461, %parallel_loop3A_462] {strides = array<i32>} : memref<128x64xf32, #tpu.memory_space<vmem>>, vector<1x16xf32>,
          %parallel_loop3A_464 = vector.shape_cast %parallel_loop3A_463 : vector<1x16xf32> to vector<16xf32>
          %parallel_loop3A_465 = arith.mulf %parallel_loop3A_464, %parallel_loop3A_446 : vector<16xf32>
          %parallel_loop3A_466 = arith.index_cast %parallel_loop3A_450 : i32 to index
          %parallel_loop3A_467 = arith.constant 16 : index
          %parallel_loop3A_468 = tpu.vector_load %arg13[%parallel_loop3A_466, %parallel_loop3A_467] {strides = array<i32>} : memref<128x64xf32, #tpu.memory_space<vmem>>, vector<1x16xf32>,
          %parallel_loop3A_469 = vector.shape_cast %parallel_loop3A_468 : vector<1x16xf32> to vector<16xf32>
          %parallel_loop3A_470 = vector.shape_cast %parallel_loop3A_465 : vector<16xf32> to vector<1x16xf32>
          tpu.vector_store %arg13[%parallel_loop3A_466, %parallel_loop3A_467], %parallel_loop3A_470 {strides = array<i32>} : memref<128x64xf32, #tpu.memory_space<vmem>>, vector<1x16xf32>,
          %parallel_loop3A_471 = arith.index_cast %parallel_loop3A_450 : i32 to index
          %parallel_loop3A_472 = arith.constant 32 : index
          %parallel_loop3A_473 = tpu.vector_load %arg13[%parallel_loop3A_471, %parallel_loop3A_472] {strides = array<i32>} : memref<128x64xf32, #tpu.memory_space<vmem>>, vector<1x16xf32>,
          %parallel_loop3A_474 = vector.shape_cast %parallel_loop3A_473 : vector<1x16xf32> to vector<16xf32>
          %parallel_loop3A_475 = arith.mulf %parallel_loop3A_474, %parallel_loop3A_446 : vector<16xf32>
          %parallel_loop3A_476 = arith.index_cast %parallel_loop3A_450 : i32 to index
          %parallel_loop3A_477 = arith.constant 32 : index
          %parallel_loop3A_478 = tpu.vector_load %arg13[%parallel_loop3A_476, %parallel_loop3A_477] {strides = array<i32>} : memref<128x64xf32, #tpu.memory_space<vmem>>, vector<1x16xf32>,
          %parallel_loop3A_479 = vector.shape_cast %parallel_loop3A_478 : vector<1x16xf32> to vector<16xf32>
          %parallel_loop3A_480 = vector.shape_cast %parallel_loop3A_475 : vector<16xf32> to vector<1x16xf32>
          tpu.vector_store %arg13[%parallel_loop3A_476, %parallel_loop3A_477], %parallel_loop3A_480 {strides = array<i32>} : memref<128x64xf32, #tpu.memory_space<vmem>>, vector<1x16xf32>,
          %parallel_loop3A_481 = arith.index_cast %parallel_loop3A_450 : i32 to index
          %parallel_loop3A_482 = arith.constant 48 : index
          %parallel_loop3A_483 = tpu.vector_load %arg13[%parallel_loop3A_481, %parallel_loop3A_482] {strides = array<i32>} : memref<128x64xf32, #tpu.memory_space<vmem>>, vector<1x16xf32>,
          %parallel_loop3A_484 = vector.shape_cast %parallel_loop3A_483 : vector<1x16xf32> to vector<16xf32>
          %parallel_loop3A_485 = arith.mulf %parallel_loop3A_484, %parallel_loop3A_446 : vector<16xf32>
          %parallel_loop3A_486 = arith.index_cast %parallel_loop3A_450 : i32 to index
          %parallel_loop3A_487 = arith.constant 48 : index
          %parallel_loop3A_488 = tpu.vector_load %arg13[%parallel_loop3A_486, %parallel_loop3A_487] {strides = array<i32>} : memref<128x64xf32, #tpu.memory_space<vmem>>, vector<1x16xf32>,
          %parallel_loop3A_489 = vector.shape_cast %parallel_loop3A_488 : vector<1x16xf32> to vector<16xf32>
          %parallel_loop3A_490 = vector.shape_cast %parallel_loop3A_485 : vector<16xf32> to vector<1x16xf32>
          tpu.vector_store %arg13[%parallel_loop3A_486, %parallel_loop3A_487], %parallel_loop3A_490 {strides = array<i32>} : memref<128x64xf32, #tpu.memory_space<vmem>>, vector<1x16xf32>,
          %parallel_loop3A_491 = vector.extract_strided_slice %parallel_loop3A_114 {offsets = [8], sizes = [1], strides = [1]} : vector<16xf32> to vector<1xf32>
          %parallel_loop3A_492 = vector.extract %parallel_loop3A_491[0] : f32 from vector<1xf32>
          %parallel_loop3A_493 = vector.broadcast %parallel_loop3A_492 : f32 to vector<16xf32>
          %parallel_loop3A_494 = arith.constant 16 : i32
          %parallel_loop3A_495 = arith.muli %parallel_loop3A_108, %parallel_loop3A_494 : i32
          %parallel_loop3A_496 = arith.constant 8 : i32
          %parallel_loop3A_497 = arith.addi %parallel_loop3A_495, %parallel_loop3A_496 : i32
          %parallel_loop3A_498 = arith.index_cast %parallel_loop3A_497 : i32 to index
          %parallel_loop3A_499 = arith.constant 0 : index
          %parallel_loop3A_500 = tpu.vector_load %arg13[%parallel_loop3A_498, %parallel_loop3A_499] {strides = array<i32>} : memref<128x64xf32, #tpu.memory_space<vmem>>, vector<1x16xf32>,
          %parallel_loop3A_501 = vector.shape_cast %parallel_loop3A_500 : vector<1x16xf32> to vector<16xf32>
          %parallel_loop3A_502 = arith.mulf %parallel_loop3A_501, %parallel_loop3A_493 : vector<16xf32>
          %parallel_loop3A_503 = arith.index_cast %parallel_loop3A_497 : i32 to index
          %parallel_loop3A_504 = arith.constant 0 : index
          %parallel_loop3A_505 = tpu.vector_load %arg13[%parallel_loop3A_503, %parallel_loop3A_504] {strides = array<i32>} : memref<128x64xf32, #tpu.memory_space<vmem>>, vector<1x16xf32>,
          %parallel_loop3A_506 = vector.shape_cast %parallel_loop3A_505 : vector<1x16xf32> to vector<16xf32>
          %parallel_loop3A_507 = vector.shape_cast %parallel_loop3A_502 : vector<16xf32> to vector<1x16xf32>
          tpu.vector_store %arg13[%parallel_loop3A_503, %parallel_loop3A_504], %parallel_loop3A_507 {strides = array<i32>} : memref<128x64xf32, #tpu.memory_space<vmem>>, vector<1x16xf32>,
          %parallel_loop3A_508 = arith.index_cast %parallel_loop3A_497 : i32 to index
          %parallel_loop3A_509 = arith.constant 16 : index
          %parallel_loop3A_510 = tpu.vector_load %arg13[%parallel_loop3A_508, %parallel_loop3A_509] {strides = array<i32>} : memref<128x64xf32, #tpu.memory_space<vmem>>, vector<1x16xf32>,
          %parallel_loop3A_511 = vector.shape_cast %parallel_loop3A_510 : vector<1x16xf32> to vector<16xf32>
          %parallel_loop3A_512 = arith.mulf %parallel_loop3A_511, %parallel_loop3A_493 : vector<16xf32>
          %parallel_loop3A_513 = arith.index_cast %parallel_loop3A_497 : i32 to index
          %parallel_loop3A_514 = arith.constant 16 : index
          %parallel_loop3A_515 = tpu.vector_load %arg13[%parallel_loop3A_513, %parallel_loop3A_514] {strides = array<i32>} : memref<128x64xf32, #tpu.memory_space<vmem>>, vector<1x16xf32>,
          %parallel_loop3A_516 = vector.shape_cast %parallel_loop3A_515 : vector<1x16xf32> to vector<16xf32>
          %parallel_loop3A_517 = vector.shape_cast %parallel_loop3A_512 : vector<16xf32> to vector<1x16xf32>
          tpu.vector_store %arg13[%parallel_loop3A_513, %parallel_loop3A_514], %parallel_loop3A_517 {strides = array<i32>} : memref<128x64xf32, #tpu.memory_space<vmem>>, vector<1x16xf32>,
          %parallel_loop3A_518 = arith.index_cast %parallel_loop3A_497 : i32 to index
          %parallel_loop3A_519 = arith.constant 32 : index
          %parallel_loop3A_520 = tpu.vector_load %arg13[%parallel_loop3A_518, %parallel_loop3A_519] {strides = array<i32>} : memref<128x64xf32, #tpu.memory_space<vmem>>, vector<1x16xf32>,
          %parallel_loop3A_521 = vector.shape_cast %parallel_loop3A_520 : vector<1x16xf32> to vector<16xf32>
          %parallel_loop3A_522 = arith.mulf %parallel_loop3A_521, %parallel_loop3A_493 : vector<16xf32>
          %parallel_loop3A_523 = arith.index_cast %parallel_loop3A_497 : i32 to index
          %parallel_loop3A_524 = arith.constant 32 : index
          %parallel_loop3A_525 = tpu.vector_load %arg13[%parallel_loop3A_523, %parallel_loop3A_524] {strides = array<i32>} : memref<128x64xf32, #tpu.memory_space<vmem>>, vector<1x16xf32>,
          %parallel_loop3A_526 = vector.shape_cast %parallel_loop3A_525 : vector<1x16xf32> to vector<16xf32>
          %parallel_loop3A_527 = vector.shape_cast %parallel_loop3A_522 : vector<16xf32> to vector<1x16xf32>
          tpu.vector_store %arg13[%parallel_loop3A_523, %parallel_loop3A_524], %parallel_loop3A_527 {strides = array<i32>} : memref<128x64xf32, #tpu.memory_space<vmem>>, vector<1x16xf32>,
          %parallel_loop3A_528 = arith.index_cast %parallel_loop3A_497 : i32 to index
          %parallel_loop3A_529 = arith.constant 48 : index
          %parallel_loop3A_530 = tpu.vector_load %arg13[%parallel_loop3A_528, %parallel_loop3A_529] {strides = array<i32>} : memref<128x64xf32, #tpu.memory_space<vmem>>, vector<1x16xf32>,
          %parallel_loop3A_531 = vector.shape_cast %parallel_loop3A_530 : vector<1x16xf32> to vector<16xf32>
          %parallel_loop3A_532 = arith.mulf %parallel_loop3A_531, %parallel_loop3A_493 : vector<16xf32>
          %parallel_loop3A_533 = arith.index_cast %parallel_loop3A_497 : i32 to index
          %parallel_loop3A_534 = arith.constant 48 : index
          %parallel_loop3A_535 = tpu.vector_load %arg13[%parallel_loop3A_533, %parallel_loop3A_534] {strides = array<i32>} : memref<128x64xf32, #tpu.memory_space<vmem>>, vector<1x16xf32>,
          %parallel_loop3A_536 = vector.shape_cast %parallel_loop3A_535 : vector<1x16xf32> to vector<16xf32>
          %parallel_loop3A_537 = vector.shape_cast %parallel_loop3A_532 : vector<16xf32> to vector<1x16xf32>
          tpu.vector_store %arg13[%parallel_loop3A_533, %parallel_loop3A_534], %parallel_loop3A_537 {strides = array<i32>} : memref<128x64xf32, #tpu.memory_space<vmem>>, vector<1x16xf32>,
          %parallel_loop3A_538 = vector.extract_strided_slice %parallel_loop3A_114 {offsets = [9], sizes = [1], strides = [1]} : vector<16xf32> to vector<1xf32>
          %parallel_loop3A_539 = vector.extract %parallel_loop3A_538[0] : f32 from vector<1xf32>
          %parallel_loop3A_540 = vector.broadcast %parallel_loop3A_539 : f32 to vector<16xf32>
          %parallel_loop3A_541 = arith.constant 16 : i32
          %parallel_loop3A_542 = arith.muli %parallel_loop3A_108, %parallel_loop3A_541 : i32
          %parallel_loop3A_543 = arith.constant 9 : i32
          %parallel_loop3A_544 = arith.addi %parallel_loop3A_542, %parallel_loop3A_543 : i32
          %parallel_loop3A_545 = arith.index_cast %parallel_loop3A_544 : i32 to index
          %parallel_loop3A_546 = arith.constant 0 : index
          %parallel_loop3A_547 = tpu.vector_load %arg13[%parallel_loop3A_545, %parallel_loop3A_546] {strides = array<i32>} : memref<128x64xf32, #tpu.memory_space<vmem>>, vector<1x16xf32>,
          %parallel_loop3A_548 = vector.shape_cast %parallel_loop3A_547 : vector<1x16xf32> to vector<16xf32>
          %parallel_loop3A_549 = arith.mulf %parallel_loop3A_548, %parallel_loop3A_540 : vector<16xf32>
          %parallel_loop3A_550 = arith.index_cast %parallel_loop3A_544 : i32 to index
          %parallel_loop3A_551 = arith.constant 0 : index
          %parallel_loop3A_552 = tpu.vector_load %arg13[%parallel_loop3A_550, %parallel_loop3A_551] {strides = array<i32>} : memref<128x64xf32, #tpu.memory_space<vmem>>, vector<1x16xf32>,
          %parallel_loop3A_553 = vector.shape_cast %parallel_loop3A_552 : vector<1x16xf32> to vector<16xf32>
          %parallel_loop3A_554 = vector.shape_cast %parallel_loop3A_549 : vector<16xf32> to vector<1x16xf32>
          tpu.vector_store %arg13[%parallel_loop3A_550, %parallel_loop3A_551], %parallel_loop3A_554 {strides = array<i32>} : memref<128x64xf32, #tpu.memory_space<vmem>>, vector<1x16xf32>,
          %parallel_loop3A_555 = arith.index_cast %parallel_loop3A_544 : i32 to index
          %parallel_loop3A_556 = arith.constant 16 : index
          %parallel_loop3A_557 = tpu.vector_load %arg13[%parallel_loop3A_555, %parallel_loop3A_556] {strides = array<i32>} : memref<128x64xf32, #tpu.memory_space<vmem>>, vector<1x16xf32>,
          %parallel_loop3A_558 = vector.shape_cast %parallel_loop3A_557 : vector<1x16xf32> to vector<16xf32>
          %parallel_loop3A_559 = arith.mulf %parallel_loop3A_558, %parallel_loop3A_540 : vector<16xf32>
          %parallel_loop3A_560 = arith.index_cast %parallel_loop3A_544 : i32 to index
          %parallel_loop3A_561 = arith.constant 16 : index
          %parallel_loop3A_562 = tpu.vector_load %arg13[%parallel_loop3A_560, %parallel_loop3A_561] {strides = array<i32>} : memref<128x64xf32, #tpu.memory_space<vmem>>, vector<1x16xf32>,
          %parallel_loop3A_563 = vector.shape_cast %parallel_loop3A_562 : vector<1x16xf32> to vector<16xf32>
          %parallel_loop3A_564 = vector.shape_cast %parallel_loop3A_559 : vector<16xf32> to vector<1x16xf32>
          tpu.vector_store %arg13[%parallel_loop3A_560, %parallel_loop3A_561], %parallel_loop3A_564 {strides = array<i32>} : memref<128x64xf32, #tpu.memory_space<vmem>>, vector<1x16xf32>,
          %parallel_loop3A_565 = arith.index_cast %parallel_loop3A_544 : i32 to index
          %parallel_loop3A_566 = arith.constant 32 : index
          %parallel_loop3A_567 = tpu.vector_load %arg13[%parallel_loop3A_565, %parallel_loop3A_566] {strides = array<i32>} : memref<128x64xf32, #tpu.memory_space<vmem>>, vector<1x16xf32>,
          %parallel_loop3A_568 = vector.shape_cast %parallel_loop3A_567 : vector<1x16xf32> to vector<16xf32>
          %parallel_loop3A_569 = arith.mulf %parallel_loop3A_568, %parallel_loop3A_540 : vector<16xf32>
          %parallel_loop3A_570 = arith.index_cast %parallel_loop3A_544 : i32 to index
          %parallel_loop3A_571 = arith.constant 32 : index
          %parallel_loop3A_572 = tpu.vector_load %arg13[%parallel_loop3A_570, %parallel_loop3A_571] {strides = array<i32>} : memref<128x64xf32, #tpu.memory_space<vmem>>, vector<1x16xf32>,
          %parallel_loop3A_573 = vector.shape_cast %parallel_loop3A_572 : vector<1x16xf32> to vector<16xf32>
          %parallel_loop3A_574 = vector.shape_cast %parallel_loop3A_569 : vector<16xf32> to vector<1x16xf32>
          tpu.vector_store %arg13[%parallel_loop3A_570, %parallel_loop3A_571], %parallel_loop3A_574 {strides = array<i32>} : memref<128x64xf32, #tpu.memory_space<vmem>>, vector<1x16xf32>,
          %parallel_loop3A_575 = arith.index_cast %parallel_loop3A_544 : i32 to index
          %parallel_loop3A_576 = arith.constant 48 : index
          %parallel_loop3A_577 = tpu.vector_load %arg13[%parallel_loop3A_575, %parallel_loop3A_576] {strides = array<i32>} : memref<128x64xf32, #tpu.memory_space<vmem>>, vector<1x16xf32>,
          %parallel_loop3A_578 = vector.shape_cast %parallel_loop3A_577 : vector<1x16xf32> to vector<16xf32>
          %parallel_loop3A_579 = arith.mulf %parallel_loop3A_578, %parallel_loop3A_540 : vector<16xf32>
          %parallel_loop3A_580 = arith.index_cast %parallel_loop3A_544 : i32 to index
          %parallel_loop3A_581 = arith.constant 48 : index
          %parallel_loop3A_582 = tpu.vector_load %arg13[%parallel_loop3A_580, %parallel_loop3A_581] {strides = array<i32>} : memref<128x64xf32, #tpu.memory_space<vmem>>, vector<1x16xf32>,
          %parallel_loop3A_583 = vector.shape_cast %parallel_loop3A_582 : vector<1x16xf32> to vector<16xf32>
          %parallel_loop3A_584 = vector.shape_cast %parallel_loop3A_579 : vector<16xf32> to vector<1x16xf32>
          tpu.vector_store %arg13[%parallel_loop3A_580, %parallel_loop3A_581], %parallel_loop3A_584 {strides = array<i32>} : memref<128x64xf32, #tpu.memory_space<vmem>>, vector<1x16xf32>,
          %parallel_loop3A_585 = vector.extract_strided_slice %parallel_loop3A_114 {offsets = [10], sizes = [1], strides = [1]} : vector<16xf32> to vector<1xf32>
          %parallel_loop3A_586 = vector.extract %parallel_loop3A_585[0] : f32 from vector<1xf32>
          %parallel_loop3A_587 = vector.broadcast %parallel_loop3A_586 : f32 to vector<16xf32>
          %parallel_loop3A_588 = arith.constant 16 : i32
          %parallel_loop3A_589 = arith.muli %parallel_loop3A_108, %parallel_loop3A_588 : i32
          %parallel_loop3A_590 = arith.constant 10 : i32
          %parallel_loop3A_591 = arith.addi %parallel_loop3A_589, %parallel_loop3A_590 : i32
          %parallel_loop3A_592 = arith.index_cast %parallel_loop3A_591 : i32 to index
          %parallel_loop3A_593 = arith.constant 0 : index
          %parallel_loop3A_594 = tpu.vector_load %arg13[%parallel_loop3A_592, %parallel_loop3A_593] {strides = array<i32>} : memref<128x64xf32, #tpu.memory_space<vmem>>, vector<1x16xf32>,
          %parallel_loop3A_595 = vector.shape_cast %parallel_loop3A_594 : vector<1x16xf32> to vector<16xf32>
          %parallel_loop3A_596 = arith.mulf %parallel_loop3A_595, %parallel_loop3A_587 : vector<16xf32>
          %parallel_loop3A_597 = arith.index_cast %parallel_loop3A_591 : i32 to index
          %parallel_loop3A_598 = arith.constant 0 : index
          %parallel_loop3A_599 = tpu.vector_load %arg13[%parallel_loop3A_597, %parallel_loop3A_598] {strides = array<i32>} : memref<128x64xf32, #tpu.memory_space<vmem>>, vector<1x16xf32>,
          %parallel_loop3A_600 = vector.shape_cast %parallel_loop3A_599 : vector<1x16xf32> to vector<16xf32>
          %parallel_loop3A_601 = vector.shape_cast %parallel_loop3A_596 : vector<16xf32> to vector<1x16xf32>
          tpu.vector_store %arg13[%parallel_loop3A_597, %parallel_loop3A_598], %parallel_loop3A_601 {strides = array<i32>} : memref<128x64xf32, #tpu.memory_space<vmem>>, vector<1x16xf32>,
          %parallel_loop3A_602 = arith.index_cast %parallel_loop3A_591 : i32 to index
          %parallel_loop3A_603 = arith.constant 16 : index
          %parallel_loop3A_604 = tpu.vector_load %arg13[%parallel_loop3A_602, %parallel_loop3A_603] {strides = array<i32>} : memref<128x64xf32, #tpu.memory_space<vmem>>, vector<1x16xf32>,
          %parallel_loop3A_605 = vector.shape_cast %parallel_loop3A_604 : vector<1x16xf32> to vector<16xf32>
          %parallel_loop3A_606 = arith.mulf %parallel_loop3A_605, %parallel_loop3A_587 : vector<16xf32>
          %parallel_loop3A_607 = arith.index_cast %parallel_loop3A_591 : i32 to index
          %parallel_loop3A_608 = arith.constant 16 : index
          %parallel_loop3A_609 = tpu.vector_load %arg13[%parallel_loop3A_607, %parallel_loop3A_608] {strides = array<i32>} : memref<128x64xf32, #tpu.memory_space<vmem>>, vector<1x16xf32>,
          %parallel_loop3A_610 = vector.shape_cast %parallel_loop3A_609 : vector<1x16xf32> to vector<16xf32>
          %parallel_loop3A_611 = vector.shape_cast %parallel_loop3A_606 : vector<16xf32> to vector<1x16xf32>
          tpu.vector_store %arg13[%parallel_loop3A_607, %parallel_loop3A_608], %parallel_loop3A_611 {strides = array<i32>} : memref<128x64xf32, #tpu.memory_space<vmem>>, vector<1x16xf32>,
          %parallel_loop3A_612 = arith.index_cast %parallel_loop3A_591 : i32 to index
          %parallel_loop3A_613 = arith.constant 32 : index
          %parallel_loop3A_614 = tpu.vector_load %arg13[%parallel_loop3A_612, %parallel_loop3A_613] {strides = array<i32>} : memref<128x64xf32, #tpu.memory_space<vmem>>, vector<1x16xf32>,
          %parallel_loop3A_615 = vector.shape_cast %parallel_loop3A_614 : vector<1x16xf32> to vector<16xf32>
          %parallel_loop3A_616 = arith.mulf %parallel_loop3A_615, %parallel_loop3A_587 : vector<16xf32>
          %parallel_loop3A_617 = arith.index_cast %parallel_loop3A_591 : i32 to index
          %parallel_loop3A_618 = arith.constant 32 : index
          %parallel_loop3A_619 = tpu.vector_load %arg13[%parallel_loop3A_617, %parallel_loop3A_618] {strides = array<i32>} : memref<128x64xf32, #tpu.memory_space<vmem>>, vector<1x16xf32>,
          %parallel_loop3A_620 = vector.shape_cast %parallel_loop3A_619 : vector<1x16xf32> to vector<16xf32>
          %parallel_loop3A_621 = vector.shape_cast %parallel_loop3A_616 : vector<16xf32> to vector<1x16xf32>
          tpu.vector_store %arg13[%parallel_loop3A_617, %parallel_loop3A_618], %parallel_loop3A_621 {strides = array<i32>} : memref<128x64xf32, #tpu.memory_space<vmem>>, vector<1x16xf32>,
          %parallel_loop3A_622 = arith.index_cast %parallel_loop3A_591 : i32 to index
          %parallel_loop3A_623 = arith.constant 48 : index
          %parallel_loop3A_624 = tpu.vector_load %arg13[%parallel_loop3A_622, %parallel_loop3A_623] {strides = array<i32>} : memref<128x64xf32, #tpu.memory_space<vmem>>, vector<1x16xf32>,
          %parallel_loop3A_625 = vector.shape_cast %parallel_loop3A_624 : vector<1x16xf32> to vector<16xf32>
          %parallel_loop3A_626 = arith.mulf %parallel_loop3A_625, %parallel_loop3A_587 : vector<16xf32>
          %parallel_loop3A_627 = arith.index_cast %parallel_loop3A_591 : i32 to index
          %parallel_loop3A_628 = arith.constant 48 : index
          %parallel_loop3A_629 = tpu.vector_load %arg13[%parallel_loop3A_627, %parallel_loop3A_628] {strides = array<i32>} : memref<128x64xf32, #tpu.memory_space<vmem>>, vector<1x16xf32>,
          %parallel_loop3A_630 = vector.shape_cast %parallel_loop3A_629 : vector<1x16xf32> to vector<16xf32>
          %parallel_loop3A_631 = vector.shape_cast %parallel_loop3A_626 : vector<16xf32> to vector<1x16xf32>
          tpu.vector_store %arg13[%parallel_loop3A_627, %parallel_loop3A_628], %parallel_loop3A_631 {strides = array<i32>} : memref<128x64xf32, #tpu.memory_space<vmem>>, vector<1x16xf32>,
          %parallel_loop3A_632 = vector.extract_strided_slice %parallel_loop3A_114 {offsets = [11], sizes = [1], strides = [1]} : vector<16xf32> to vector<1xf32>
          %parallel_loop3A_633 = vector.extract %parallel_loop3A_632[0] : f32 from vector<1xf32>
          %parallel_loop3A_634 = vector.broadcast %parallel_loop3A_633 : f32 to vector<16xf32>
          %parallel_loop3A_635 = arith.constant 16 : i32
          %parallel_loop3A_636 = arith.muli %parallel_loop3A_108, %parallel_loop3A_635 : i32
          %parallel_loop3A_637 = arith.constant 11 : i32
          %parallel_loop3A_638 = arith.addi %parallel_loop3A_636, %parallel_loop3A_637 : i32
          %parallel_loop3A_639 = arith.index_cast %parallel_loop3A_638 : i32 to index
          %parallel_loop3A_640 = arith.constant 0 : index
          %parallel_loop3A_641 = tpu.vector_load %arg13[%parallel_loop3A_639, %parallel_loop3A_640] {strides = array<i32>} : memref<128x64xf32, #tpu.memory_space<vmem>>, vector<1x16xf32>,
          %parallel_loop3A_642 = vector.shape_cast %parallel_loop3A_641 : vector<1x16xf32> to vector<16xf32>
          %parallel_loop3A_643 = arith.mulf %parallel_loop3A_642, %parallel_loop3A_634 : vector<16xf32>
          %parallel_loop3A_644 = arith.index_cast %parallel_loop3A_638 : i32 to index
          %parallel_loop3A_645 = arith.constant 0 : index
          %parallel_loop3A_646 = tpu.vector_load %arg13[%parallel_loop3A_644, %parallel_loop3A_645] {strides = array<i32>} : memref<128x64xf32, #tpu.memory_space<vmem>>, vector<1x16xf32>,
          %parallel_loop3A_647 = vector.shape_cast %parallel_loop3A_646 : vector<1x16xf32> to vector<16xf32>
          %parallel_loop3A_648 = vector.shape_cast %parallel_loop3A_643 : vector<16xf32> to vector<1x16xf32>
          tpu.vector_store %arg13[%parallel_loop3A_644, %parallel_loop3A_645], %parallel_loop3A_648 {strides = array<i32>} : memref<128x64xf32, #tpu.memory_space<vmem>>, vector<1x16xf32>,
          %parallel_loop3A_649 = arith.index_cast %parallel_loop3A_638 : i32 to index
          %parallel_loop3A_650 = arith.constant 16 : index
          %parallel_loop3A_651 = tpu.vector_load %arg13[%parallel_loop3A_649, %parallel_loop3A_650] {strides = array<i32>} : memref<128x64xf32, #tpu.memory_space<vmem>>, vector<1x16xf32>,
          %parallel_loop3A_652 = vector.shape_cast %parallel_loop3A_651 : vector<1x16xf32> to vector<16xf32>
          %parallel_loop3A_653 = arith.mulf %parallel_loop3A_652, %parallel_loop3A_634 : vector<16xf32>
          %parallel_loop3A_654 = arith.index_cast %parallel_loop3A_638 : i32 to index
          %parallel_loop3A_655 = arith.constant 16 : index
          %parallel_loop3A_656 = tpu.vector_load %arg13[%parallel_loop3A_654, %parallel_loop3A_655] {strides = array<i32>} : memref<128x64xf32, #tpu.memory_space<vmem>>, vector<1x16xf32>,
          %parallel_loop3A_657 = vector.shape_cast %parallel_loop3A_656 : vector<1x16xf32> to vector<16xf32>
          %parallel_loop3A_658 = vector.shape_cast %parallel_loop3A_653 : vector<16xf32> to vector<1x16xf32>
          tpu.vector_store %arg13[%parallel_loop3A_654, %parallel_loop3A_655], %parallel_loop3A_658 {strides = array<i32>} : memref<128x64xf32, #tpu.memory_space<vmem>>, vector<1x16xf32>,
          %parallel_loop3A_659 = arith.index_cast %parallel_loop3A_638 : i32 to index
          %parallel_loop3A_660 = arith.constant 32 : index
          %parallel_loop3A_661 = tpu.vector_load %arg13[%parallel_loop3A_659, %parallel_loop3A_660] {strides = array<i32>} : memref<128x64xf32, #tpu.memory_space<vmem>>, vector<1x16xf32>,
          %parallel_loop3A_662 = vector.shape_cast %parallel_loop3A_661 : vector<1x16xf32> to vector<16xf32>
          %parallel_loop3A_663 = arith.mulf %parallel_loop3A_662, %parallel_loop3A_634 : vector<16xf32>
          %parallel_loop3A_664 = arith.index_cast %parallel_loop3A_638 : i32 to index
          %parallel_loop3A_665 = arith.constant 32 : index
          %parallel_loop3A_666 = tpu.vector_load %arg13[%parallel_loop3A_664, %parallel_loop3A_665] {strides = array<i32>} : memref<128x64xf32, #tpu.memory_space<vmem>>, vector<1x16xf32>,
          %parallel_loop3A_667 = vector.shape_cast %parallel_loop3A_666 : vector<1x16xf32> to vector<16xf32>
          %parallel_loop3A_668 = vector.shape_cast %parallel_loop3A_663 : vector<16xf32> to vector<1x16xf32>
          tpu.vector_store %arg13[%parallel_loop3A_664, %parallel_loop3A_665], %parallel_loop3A_668 {strides = array<i32>} : memref<128x64xf32, #tpu.memory_space<vmem>>, vector<1x16xf32>,
          %parallel_loop3A_669 = arith.index_cast %parallel_loop3A_638 : i32 to index
          %parallel_loop3A_670 = arith.constant 48 : index
          %parallel_loop3A_671 = tpu.vector_load %arg13[%parallel_loop3A_669, %parallel_loop3A_670] {strides = array<i32>} : memref<128x64xf32, #tpu.memory_space<vmem>>, vector<1x16xf32>,
          %parallel_loop3A_672 = vector.shape_cast %parallel_loop3A_671 : vector<1x16xf32> to vector<16xf32>
          %parallel_loop3A_673 = arith.mulf %parallel_loop3A_672, %parallel_loop3A_634 : vector<16xf32>
          %parallel_loop3A_674 = arith.index_cast %parallel_loop3A_638 : i32 to index
          %parallel_loop3A_675 = arith.constant 48 : index
          %parallel_loop3A_676 = tpu.vector_load %arg13[%parallel_loop3A_674, %parallel_loop3A_675] {strides = array<i32>} : memref<128x64xf32, #tpu.memory_space<vmem>>, vector<1x16xf32>,
          %parallel_loop3A_677 = vector.shape_cast %parallel_loop3A_676 : vector<1x16xf32> to vector<16xf32>
          %parallel_loop3A_678 = vector.shape_cast %parallel_loop3A_673 : vector<16xf32> to vector<1x16xf32>
          tpu.vector_store %arg13[%parallel_loop3A_674, %parallel_loop3A_675], %parallel_loop3A_678 {strides = array<i32>} : memref<128x64xf32, #tpu.memory_space<vmem>>, vector<1x16xf32>,
          %parallel_loop3A_679 = vector.extract_strided_slice %parallel_loop3A_114 {offsets = [12], sizes = [1], strides = [1]} : vector<16xf32> to vector<1xf32>
          %parallel_loop3A_680 = vector.extract %parallel_loop3A_679[0] : f32 from vector<1xf32>
          %parallel_loop3A_681 = vector.broadcast %parallel_loop3A_680 : f32 to vector<16xf32>
          %parallel_loop3A_682 = arith.constant 16 : i32
          %parallel_loop3A_683 = arith.muli %parallel_loop3A_108, %parallel_loop3A_682 : i32
          %parallel_loop3A_684 = arith.constant 12 : i32
          %parallel_loop3A_685 = arith.addi %parallel_loop3A_683, %parallel_loop3A_684 : i32
          %parallel_loop3A_686 = arith.index_cast %parallel_loop3A_685 : i32 to index
          %parallel_loop3A_687 = arith.constant 0 : index
          %parallel_loop3A_688 = tpu.vector_load %arg13[%parallel_loop3A_686, %parallel_loop3A_687] {strides = array<i32>} : memref<128x64xf32, #tpu.memory_space<vmem>>, vector<1x16xf32>,
          %parallel_loop3A_689 = vector.shape_cast %parallel_loop3A_688 : vector<1x16xf32> to vector<16xf32>
          %parallel_loop3A_690 = arith.mulf %parallel_loop3A_689, %parallel_loop3A_681 : vector<16xf32>
          %parallel_loop3A_691 = arith.index_cast %parallel_loop3A_685 : i32 to index
          %parallel_loop3A_692 = arith.constant 0 : index
          %parallel_loop3A_693 = tpu.vector_load %arg13[%parallel_loop3A_691, %parallel_loop3A_692] {strides = array<i32>} : memref<128x64xf32, #tpu.memory_space<vmem>>, vector<1x16xf32>,
          %parallel_loop3A_694 = vector.shape_cast %parallel_loop3A_693 : vector<1x16xf32> to vector<16xf32>
          %parallel_loop3A_695 = vector.shape_cast %parallel_loop3A_690 : vector<16xf32> to vector<1x16xf32>
          tpu.vector_store %arg13[%parallel_loop3A_691, %parallel_loop3A_692], %parallel_loop3A_695 {strides = array<i32>} : memref<128x64xf32, #tpu.memory_space<vmem>>, vector<1x16xf32>,
          %parallel_loop3A_696 = arith.index_cast %parallel_loop3A_685 : i32 to index
          %parallel_loop3A_697 = arith.constant 16 : index
          %parallel_loop3A_698 = tpu.vector_load %arg13[%parallel_loop3A_696, %parallel_loop3A_697] {strides = array<i32>} : memref<128x64xf32, #tpu.memory_space<vmem>>, vector<1x16xf32>,
          %parallel_loop3A_699 = vector.shape_cast %parallel_loop3A_698 : vector<1x16xf32> to vector<16xf32>
          %parallel_loop3A_700 = arith.mulf %parallel_loop3A_699, %parallel_loop3A_681 : vector<16xf32>
          %parallel_loop3A_701 = arith.index_cast %parallel_loop3A_685 : i32 to index
          %parallel_loop3A_702 = arith.constant 16 : index
          %parallel_loop3A_703 = tpu.vector_load %arg13[%parallel_loop3A_701, %parallel_loop3A_702] {strides = array<i32>} : memref<128x64xf32, #tpu.memory_space<vmem>>, vector<1x16xf32>,
          %parallel_loop3A_704 = vector.shape_cast %parallel_loop3A_703 : vector<1x16xf32> to vector<16xf32>
          %parallel_loop3A_705 = vector.shape_cast %parallel_loop3A_700 : vector<16xf32> to vector<1x16xf32>
          tpu.vector_store %arg13[%parallel_loop3A_701, %parallel_loop3A_702], %parallel_loop3A_705 {strides = array<i32>} : memref<128x64xf32, #tpu.memory_space<vmem>>, vector<1x16xf32>,
          %parallel_loop3A_706 = arith.index_cast %parallel_loop3A_685 : i32 to index
          %parallel_loop3A_707 = arith.constant 32 : index
          %parallel_loop3A_708 = tpu.vector_load %arg13[%parallel_loop3A_706, %parallel_loop3A_707] {strides = array<i32>} : memref<128x64xf32, #tpu.memory_space<vmem>>, vector<1x16xf32>,
          %parallel_loop3A_709 = vector.shape_cast %parallel_loop3A_708 : vector<1x16xf32> to vector<16xf32>
          %parallel_loop3A_710 = arith.mulf %parallel_loop3A_709, %parallel_loop3A_681 : vector<16xf32>
          %parallel_loop3A_711 = arith.index_cast %parallel_loop3A_685 : i32 to index
          %parallel_loop3A_712 = arith.constant 32 : index
          %parallel_loop3A_713 = tpu.vector_load %arg13[%parallel_loop3A_711, %parallel_loop3A_712] {strides = array<i32>} : memref<128x64xf32, #tpu.memory_space<vmem>>, vector<1x16xf32>,
          %parallel_loop3A_714 = vector.shape_cast %parallel_loop3A_713 : vector<1x16xf32> to vector<16xf32>
          %parallel_loop3A_715 = vector.shape_cast %parallel_loop3A_710 : vector<16xf32> to vector<1x16xf32>
          tpu.vector_store %arg13[%parallel_loop3A_711, %parallel_loop3A_712], %parallel_loop3A_715 {strides = array<i32>} : memref<128x64xf32, #tpu.memory_space<vmem>>, vector<1x16xf32>,
          %parallel_loop3A_716 = arith.index_cast %parallel_loop3A_685 : i32 to index
          %parallel_loop3A_717 = arith.constant 48 : index
          %parallel_loop3A_718 = tpu.vector_load %arg13[%parallel_loop3A_716, %parallel_loop3A_717] {strides = array<i32>} : memref<128x64xf32, #tpu.memory_space<vmem>>, vector<1x16xf32>,
          %parallel_loop3A_719 = vector.shape_cast %parallel_loop3A_718 : vector<1x16xf32> to vector<16xf32>
          %parallel_loop3A_720 = arith.mulf %parallel_loop3A_719, %parallel_loop3A_681 : vector<16xf32>
          %parallel_loop3A_721 = arith.index_cast %parallel_loop3A_685 : i32 to index
          %parallel_loop3A_722 = arith.constant 48 : index
          %parallel_loop3A_723 = tpu.vector_load %arg13[%parallel_loop3A_721, %parallel_loop3A_722] {strides = array<i32>} : memref<128x64xf32, #tpu.memory_space<vmem>>, vector<1x16xf32>,
          %parallel_loop3A_724 = vector.shape_cast %parallel_loop3A_723 : vector<1x16xf32> to vector<16xf32>
          %parallel_loop3A_725 = vector.shape_cast %parallel_loop3A_720 : vector<16xf32> to vector<1x16xf32>
          tpu.vector_store %arg13[%parallel_loop3A_721, %parallel_loop3A_722], %parallel_loop3A_725 {strides = array<i32>} : memref<128x64xf32, #tpu.memory_space<vmem>>, vector<1x16xf32>,
          %parallel_loop3A_726 = vector.extract_strided_slice %parallel_loop3A_114 {offsets = [13], sizes = [1], strides = [1]} : vector<16xf32> to vector<1xf32>
          %parallel_loop3A_727 = vector.extract %parallel_loop3A_726[0] : f32 from vector<1xf32>
          %parallel_loop3A_728 = vector.broadcast %parallel_loop3A_727 : f32 to vector<16xf32>
          %parallel_loop3A_729 = arith.constant 16 : i32
          %parallel_loop3A_730 = arith.muli %parallel_loop3A_108, %parallel_loop3A_729 : i32
          %parallel_loop3A_731 = arith.constant 13 : i32
          %parallel_loop3A_732 = arith.addi %parallel_loop3A_730, %parallel_loop3A_731 : i32
          %parallel_loop3A_733 = arith.index_cast %parallel_loop3A_732 : i32 to index
          %parallel_loop3A_734 = arith.constant 0 : index
          %parallel_loop3A_735 = tpu.vector_load %arg13[%parallel_loop3A_733, %parallel_loop3A_734] {strides = array<i32>} : memref<128x64xf32, #tpu.memory_space<vmem>>, vector<1x16xf32>,
          %parallel_loop3A_736 = vector.shape_cast %parallel_loop3A_735 : vector<1x16xf32> to vector<16xf32>
          %parallel_loop3A_737 = arith.mulf %parallel_loop3A_736, %parallel_loop3A_728 : vector<16xf32>
          %parallel_loop3A_738 = arith.index_cast %parallel_loop3A_732 : i32 to index
          %parallel_loop3A_739 = arith.constant 0 : index
          %parallel_loop3A_740 = tpu.vector_load %arg13[%parallel_loop3A_738, %parallel_loop3A_739] {strides = array<i32>} : memref<128x64xf32, #tpu.memory_space<vmem>>, vector<1x16xf32>,
          %parallel_loop3A_741 = vector.shape_cast %parallel_loop3A_740 : vector<1x16xf32> to vector<16xf32>
          %parallel_loop3A_742 = vector.shape_cast %parallel_loop3A_737 : vector<16xf32> to vector<1x16xf32>
          tpu.vector_store %arg13[%parallel_loop3A_738, %parallel_loop3A_739], %parallel_loop3A_742 {strides = array<i32>} : memref<128x64xf32, #tpu.memory_space<vmem>>, vector<1x16xf32>,
          %parallel_loop3A_743 = arith.index_cast %parallel_loop3A_732 : i32 to index
          %parallel_loop3A_744 = arith.constant 16 : index
          %parallel_loop3A_745 = tpu.vector_load %arg13[%parallel_loop3A_743, %parallel_loop3A_744] {strides = array<i32>} : memref<128x64xf32, #tpu.memory_space<vmem>>, vector<1x16xf32>,
          %parallel_loop3A_746 = vector.shape_cast %parallel_loop3A_745 : vector<1x16xf32> to vector<16xf32>
          %parallel_loop3A_747 = arith.mulf %parallel_loop3A_746, %parallel_loop3A_728 : vector<16xf32>
          %parallel_loop3A_748 = arith.index_cast %parallel_loop3A_732 : i32 to index
          %parallel_loop3A_749 = arith.constant 16 : index
          %parallel_loop3A_750 = tpu.vector_load %arg13[%parallel_loop3A_748, %parallel_loop3A_749] {strides = array<i32>} : memref<128x64xf32, #tpu.memory_space<vmem>>, vector<1x16xf32>,
          %parallel_loop3A_751 = vector.shape_cast %parallel_loop3A_750 : vector<1x16xf32> to vector<16xf32>
          %parallel_loop3A_752 = vector.shape_cast %parallel_loop3A_747 : vector<16xf32> to vector<1x16xf32>
          tpu.vector_store %arg13[%parallel_loop3A_748, %parallel_loop3A_749], %parallel_loop3A_752 {strides = array<i32>} : memref<128x64xf32, #tpu.memory_space<vmem>>, vector<1x16xf32>,
          %parallel_loop3A_753 = arith.index_cast %parallel_loop3A_732 : i32 to index
          %parallel_loop3A_754 = arith.constant 32 : index
          %parallel_loop3A_755 = tpu.vector_load %arg13[%parallel_loop3A_753, %parallel_loop3A_754] {strides = array<i32>} : memref<128x64xf32, #tpu.memory_space<vmem>>, vector<1x16xf32>,
          %parallel_loop3A_756 = vector.shape_cast %parallel_loop3A_755 : vector<1x16xf32> to vector<16xf32>
          %parallel_loop3A_757 = arith.mulf %parallel_loop3A_756, %parallel_loop3A_728 : vector<16xf32>
          %parallel_loop3A_758 = arith.index_cast %parallel_loop3A_732 : i32 to index
          %parallel_loop3A_759 = arith.constant 32 : index
          %parallel_loop3A_760 = tpu.vector_load %arg13[%parallel_loop3A_758, %parallel_loop3A_759] {strides = array<i32>} : memref<128x64xf32, #tpu.memory_space<vmem>>, vector<1x16xf32>,
          %parallel_loop3A_761 = vector.shape_cast %parallel_loop3A_760 : vector<1x16xf32> to vector<16xf32>
          %parallel_loop3A_762 = vector.shape_cast %parallel_loop3A_757 : vector<16xf32> to vector<1x16xf32>
          tpu.vector_store %arg13[%parallel_loop3A_758, %parallel_loop3A_759], %parallel_loop3A_762 {strides = array<i32>} : memref<128x64xf32, #tpu.memory_space<vmem>>, vector<1x16xf32>,
          %parallel_loop3A_763 = arith.index_cast %parallel_loop3A_732 : i32 to index
          %parallel_loop3A_764 = arith.constant 48 : index
          %parallel_loop3A_765 = tpu.vector_load %arg13[%parallel_loop3A_763, %parallel_loop3A_764] {strides = array<i32>} : memref<128x64xf32, #tpu.memory_space<vmem>>, vector<1x16xf32>,
          %parallel_loop3A_766 = vector.shape_cast %parallel_loop3A_765 : vector<1x16xf32> to vector<16xf32>
          %parallel_loop3A_767 = arith.mulf %parallel_loop3A_766, %parallel_loop3A_728 : vector<16xf32>
          %parallel_loop3A_768 = arith.index_cast %parallel_loop3A_732 : i32 to index
          %parallel_loop3A_769 = arith.constant 48 : index
          %parallel_loop3A_770 = tpu.vector_load %arg13[%parallel_loop3A_768, %parallel_loop3A_769] {strides = array<i32>} : memref<128x64xf32, #tpu.memory_space<vmem>>, vector<1x16xf32>,
          %parallel_loop3A_771 = vector.shape_cast %parallel_loop3A_770 : vector<1x16xf32> to vector<16xf32>
          %parallel_loop3A_772 = vector.shape_cast %parallel_loop3A_767 : vector<16xf32> to vector<1x16xf32>
          tpu.vector_store %arg13[%parallel_loop3A_768, %parallel_loop3A_769], %parallel_loop3A_772 {strides = array<i32>} : memref<128x64xf32, #tpu.memory_space<vmem>>, vector<1x16xf32>,
          %parallel_loop3A_773 = vector.extract_strided_slice %parallel_loop3A_114 {offsets = [14], sizes = [1], strides = [1]} : vector<16xf32> to vector<1xf32>
          %parallel_loop3A_774 = vector.extract %parallel_loop3A_773[0] : f32 from vector<1xf32>
          %parallel_loop3A_775 = vector.broadcast %parallel_loop3A_774 : f32 to vector<16xf32>
          %parallel_loop3A_776 = arith.constant 16 : i32
          %parallel_loop3A_777 = arith.muli %parallel_loop3A_108, %parallel_loop3A_776 : i32
          %parallel_loop3A_778 = arith.constant 14 : i32
          %parallel_loop3A_779 = arith.addi %parallel_loop3A_777, %parallel_loop3A_778 : i32
          %parallel_loop3A_780 = arith.index_cast %parallel_loop3A_779 : i32 to index
          %parallel_loop3A_781 = arith.constant 0 : index
          %parallel_loop3A_782 = tpu.vector_load %arg13[%parallel_loop3A_780, %parallel_loop3A_781] {strides = array<i32>} : memref<128x64xf32, #tpu.memory_space<vmem>>, vector<1x16xf32>,
          %parallel_loop3A_783 = vector.shape_cast %parallel_loop3A_782 : vector<1x16xf32> to vector<16xf32>
          %parallel_loop3A_784 = arith.mulf %parallel_loop3A_783, %parallel_loop3A_775 : vector<16xf32>
          %parallel_loop3A_785 = arith.index_cast %parallel_loop3A_779 : i32 to index
          %parallel_loop3A_786 = arith.constant 0 : index
          %parallel_loop3A_787 = tpu.vector_load %arg13[%parallel_loop3A_785, %parallel_loop3A_786] {strides = array<i32>} : memref<128x64xf32, #tpu.memory_space<vmem>>, vector<1x16xf32>,
          %parallel_loop3A_788 = vector.shape_cast %parallel_loop3A_787 : vector<1x16xf32> to vector<16xf32>
          %parallel_loop3A_789 = vector.shape_cast %parallel_loop3A_784 : vector<16xf32> to vector<1x16xf32>
          tpu.vector_store %arg13[%parallel_loop3A_785, %parallel_loop3A_786], %parallel_loop3A_789 {strides = array<i32>} : memref<128x64xf32, #tpu.memory_space<vmem>>, vector<1x16xf32>,
          %parallel_loop3A_790 = arith.index_cast %parallel_loop3A_779 : i32 to index
          %parallel_loop3A_791 = arith.constant 16 : index
          %parallel_loop3A_792 = tpu.vector_load %arg13[%parallel_loop3A_790, %parallel_loop3A_791] {strides = array<i32>} : memref<128x64xf32, #tpu.memory_space<vmem>>, vector<1x16xf32>,
          %parallel_loop3A_793 = vector.shape_cast %parallel_loop3A_792 : vector<1x16xf32> to vector<16xf32>
          %parallel_loop3A_794 = arith.mulf %parallel_loop3A_793, %parallel_loop3A_775 : vector<16xf32>
          %parallel_loop3A_795 = arith.index_cast %parallel_loop3A_779 : i32 to index
          %parallel_loop3A_796 = arith.constant 16 : index
          %parallel_loop3A_797 = tpu.vector_load %arg13[%parallel_loop3A_795, %parallel_loop3A_796] {strides = array<i32>} : memref<128x64xf32, #tpu.memory_space<vmem>>, vector<1x16xf32>,
          %parallel_loop3A_798 = vector.shape_cast %parallel_loop3A_797 : vector<1x16xf32> to vector<16xf32>
          %parallel_loop3A_799 = vector.shape_cast %parallel_loop3A_794 : vector<16xf32> to vector<1x16xf32>
          tpu.vector_store %arg13[%parallel_loop3A_795, %parallel_loop3A_796], %parallel_loop3A_799 {strides = array<i32>} : memref<128x64xf32, #tpu.memory_space<vmem>>, vector<1x16xf32>,
          %parallel_loop3A_800 = arith.index_cast %parallel_loop3A_779 : i32 to index
          %parallel_loop3A_801 = arith.constant 32 : index
          %parallel_loop3A_802 = tpu.vector_load %arg13[%parallel_loop3A_800, %parallel_loop3A_801] {strides = array<i32>} : memref<128x64xf32, #tpu.memory_space<vmem>>, vector<1x16xf32>,
          %parallel_loop3A_803 = vector.shape_cast %parallel_loop3A_802 : vector<1x16xf32> to vector<16xf32>
          %parallel_loop3A_804 = arith.mulf %parallel_loop3A_803, %parallel_loop3A_775 : vector<16xf32>
          %parallel_loop3A_805 = arith.index_cast %parallel_loop3A_779 : i32 to index
          %parallel_loop3A_806 = arith.constant 32 : index
          %parallel_loop3A_807 = tpu.vector_load %arg13[%parallel_loop3A_805, %parallel_loop3A_806] {strides = array<i32>} : memref<128x64xf32, #tpu.memory_space<vmem>>, vector<1x16xf32>,
          %parallel_loop3A_808 = vector.shape_cast %parallel_loop3A_807 : vector<1x16xf32> to vector<16xf32>
          %parallel_loop3A_809 = vector.shape_cast %parallel_loop3A_804 : vector<16xf32> to vector<1x16xf32>
          tpu.vector_store %arg13[%parallel_loop3A_805, %parallel_loop3A_806], %parallel_loop3A_809 {strides = array<i32>} : memref<128x64xf32, #tpu.memory_space<vmem>>, vector<1x16xf32>,
          %parallel_loop3A_810 = arith.index_cast %parallel_loop3A_779 : i32 to index
          %parallel_loop3A_811 = arith.constant 48 : index
          %parallel_loop3A_812 = tpu.vector_load %arg13[%parallel_loop3A_810, %parallel_loop3A_811] {strides = array<i32>} : memref<128x64xf32, #tpu.memory_space<vmem>>, vector<1x16xf32>,
          %parallel_loop3A_813 = vector.shape_cast %parallel_loop3A_812 : vector<1x16xf32> to vector<16xf32>
          %parallel_loop3A_814 = arith.mulf %parallel_loop3A_813, %parallel_loop3A_775 : vector<16xf32>
          %parallel_loop3A_815 = arith.index_cast %parallel_loop3A_779 : i32 to index
          %parallel_loop3A_816 = arith.constant 48 : index
          %parallel_loop3A_817 = tpu.vector_load %arg13[%parallel_loop3A_815, %parallel_loop3A_816] {strides = array<i32>} : memref<128x64xf32, #tpu.memory_space<vmem>>, vector<1x16xf32>,
          %parallel_loop3A_818 = vector.shape_cast %parallel_loop3A_817 : vector<1x16xf32> to vector<16xf32>
          %parallel_loop3A_819 = vector.shape_cast %parallel_loop3A_814 : vector<16xf32> to vector<1x16xf32>
          tpu.vector_store %arg13[%parallel_loop3A_815, %parallel_loop3A_816], %parallel_loop3A_819 {strides = array<i32>} : memref<128x64xf32, #tpu.memory_space<vmem>>, vector<1x16xf32>,
          %parallel_loop3A_820 = vector.extract_strided_slice %parallel_loop3A_114 {offsets = [15], sizes = [1], strides = [1]} : vector<16xf32> to vector<1xf32>
          %parallel_loop3A_821 = vector.extract %parallel_loop3A_820[0] : f32 from vector<1xf32>
          %parallel_loop3A_822 = vector.broadcast %parallel_loop3A_821 : f32 to vector<16xf32>
          %parallel_loop3A_823 = arith.constant 16 : i32
          %parallel_loop3A_824 = arith.muli %parallel_loop3A_108, %parallel_loop3A_823 : i32
          %parallel_loop3A_825 = arith.constant 15 : i32
          %parallel_loop3A_826 = arith.addi %parallel_loop3A_824, %parallel_loop3A_825 : i32
          %parallel_loop3A_827 = arith.index_cast %parallel_loop3A_826 : i32 to index
          %parallel_loop3A_828 = arith.constant 0 : index
          %parallel_loop3A_829 = tpu.vector_load %arg13[%parallel_loop3A_827, %parallel_loop3A_828] {strides = array<i32>} : memref<128x64xf32, #tpu.memory_space<vmem>>, vector<1x16xf32>,
          %parallel_loop3A_830 = vector.shape_cast %parallel_loop3A_829 : vector<1x16xf32> to vector<16xf32>
          %parallel_loop3A_831 = arith.mulf %parallel_loop3A_830, %parallel_loop3A_822 : vector<16xf32>
          %parallel_loop3A_832 = arith.index_cast %parallel_loop3A_826 : i32 to index
          %parallel_loop3A_833 = arith.constant 0 : index
          %parallel_loop3A_834 = tpu.vector_load %arg13[%parallel_loop3A_832, %parallel_loop3A_833] {strides = array<i32>} : memref<128x64xf32, #tpu.memory_space<vmem>>, vector<1x16xf32>,
          %parallel_loop3A_835 = vector.shape_cast %parallel_loop3A_834 : vector<1x16xf32> to vector<16xf32>
          %parallel_loop3A_836 = vector.shape_cast %parallel_loop3A_831 : vector<16xf32> to vector<1x16xf32>
          tpu.vector_store %arg13[%parallel_loop3A_832, %parallel_loop3A_833], %parallel_loop3A_836 {strides = array<i32>} : memref<128x64xf32, #tpu.memory_space<vmem>>, vector<1x16xf32>,
          %parallel_loop3A_837 = arith.index_cast %parallel_loop3A_826 : i32 to index
          %parallel_loop3A_838 = arith.constant 16 : index
          %parallel_loop3A_839 = tpu.vector_load %arg13[%parallel_loop3A_837, %parallel_loop3A_838] {strides = array<i32>} : memref<128x64xf32, #tpu.memory_space<vmem>>, vector<1x16xf32>,
          %parallel_loop3A_840 = vector.shape_cast %parallel_loop3A_839 : vector<1x16xf32> to vector<16xf32>
          %parallel_loop3A_841 = arith.mulf %parallel_loop3A_840, %parallel_loop3A_822 : vector<16xf32>
          %parallel_loop3A_842 = arith.index_cast %parallel_loop3A_826 : i32 to index
          %parallel_loop3A_843 = arith.constant 16 : index
          %parallel_loop3A_844 = tpu.vector_load %arg13[%parallel_loop3A_842, %parallel_loop3A_843] {strides = array<i32>} : memref<128x64xf32, #tpu.memory_space<vmem>>, vector<1x16xf32>,
          %parallel_loop3A_845 = vector.shape_cast %parallel_loop3A_844 : vector<1x16xf32> to vector<16xf32>
          %parallel_loop3A_846 = vector.shape_cast %parallel_loop3A_841 : vector<16xf32> to vector<1x16xf32>
          tpu.vector_store %arg13[%parallel_loop3A_842, %parallel_loop3A_843], %parallel_loop3A_846 {strides = array<i32>} : memref<128x64xf32, #tpu.memory_space<vmem>>, vector<1x16xf32>,
          %parallel_loop3A_847 = arith.index_cast %parallel_loop3A_826 : i32 to index
          %parallel_loop3A_848 = arith.constant 32 : index
          %parallel_loop3A_849 = tpu.vector_load %arg13[%parallel_loop3A_847, %parallel_loop3A_848] {strides = array<i32>} : memref<128x64xf32, #tpu.memory_space<vmem>>, vector<1x16xf32>,
          %parallel_loop3A_850 = vector.shape_cast %parallel_loop3A_849 : vector<1x16xf32> to vector<16xf32>
          %parallel_loop3A_851 = arith.mulf %parallel_loop3A_850, %parallel_loop3A_822 : vector<16xf32>
          %parallel_loop3A_852 = arith.index_cast %parallel_loop3A_826 : i32 to index
          %parallel_loop3A_853 = arith.constant 32 : index
          %parallel_loop3A_854 = tpu.vector_load %arg13[%parallel_loop3A_852, %parallel_loop3A_853] {strides = array<i32>} : memref<128x64xf32, #tpu.memory_space<vmem>>, vector<1x16xf32>,
          %parallel_loop3A_855 = vector.shape_cast %parallel_loop3A_854 : vector<1x16xf32> to vector<16xf32>
          %parallel_loop3A_856 = vector.shape_cast %parallel_loop3A_851 : vector<16xf32> to vector<1x16xf32>
          tpu.vector_store %arg13[%parallel_loop3A_852, %parallel_loop3A_853], %parallel_loop3A_856 {strides = array<i32>} : memref<128x64xf32, #tpu.memory_space<vmem>>, vector<1x16xf32>,
          %parallel_loop3A_857 = arith.index_cast %parallel_loop3A_826 : i32 to index
          %parallel_loop3A_858 = arith.constant 48 : index
          %parallel_loop3A_859 = tpu.vector_load %arg13[%parallel_loop3A_857, %parallel_loop3A_858] {strides = array<i32>} : memref<128x64xf32, #tpu.memory_space<vmem>>, vector<1x16xf32>,
          %parallel_loop3A_860 = vector.shape_cast %parallel_loop3A_859 : vector<1x16xf32> to vector<16xf32>
          %parallel_loop3A_861 = arith.mulf %parallel_loop3A_860, %parallel_loop3A_822 : vector<16xf32>
          %parallel_loop3A_862 = arith.index_cast %parallel_loop3A_826 : i32 to index
          %parallel_loop3A_863 = arith.constant 48 : index
          %parallel_loop3A_864 = tpu.vector_load %arg13[%parallel_loop3A_862, %parallel_loop3A_863] {strides = array<i32>} : memref<128x64xf32, #tpu.memory_space<vmem>>, vector<1x16xf32>,
          %parallel_loop3A_865 = vector.shape_cast %parallel_loop3A_864 : vector<1x16xf32> to vector<16xf32>
          %parallel_loop3A_866 = vector.shape_cast %parallel_loop3A_861 : vector<16xf32> to vector<1x16xf32>
          tpu.vector_store %arg13[%parallel_loop3A_862, %parallel_loop3A_863], %parallel_loop3A_866 {strides = array<i32>} : memref<128x64xf32, #tpu.memory_space<vmem>>, vector<1x16xf32>,
        } {sc.loop_unroll_factor = 1 : i64, sc.parallel_access}
        %add3A_94 = arith.constant 2 : i32
        %add3A_95 = arith.addi %mul3A_56, %add3A_94 : i32
        %lt3A = arith.constant 16 : i32
        %lt3A_96 = arith.cmpi slt, %add3A_95, %lt3A : i32
        %convert_element_type3A_97 = arith.extui %lt3A_96 : i1 to i32
        %cond3A_98 = arith.constant 0 : i32
        %cond3A_99 = arith.cmpi ne, %convert_element_type3A_97, %cond3A_98 : i32
        scf.if %cond3A_99 {
          %dma_wait3A_108 = arith.constant 0 : i32
          %dma_wait3A_109 = tpu.memref_slice %arg10[%mul3A_56, %dma_wait3A_108] : memref<16x128xi32, #tpu.memory_space<vmem>> -> memref<1x128xi32, #tpu.memory_space<vmem>>
          %dma_wait3A_110 = tpu.memref_squeeze %dma_wait3A_109 : memref<1x128xi32, #tpu.memory_space<vmem>> -> memref<128xi32, #tpu.memory_space<vmem>>
          %dma_wait3A_111 = arith.constant 0 : i32
          %dma_wait3A_112 = arith.constant 0 : i32
          %dma_wait3A_113 = tpu.memref_slice %arg7[%dma_wait3A_111, %dma_wait3A_112] : memref<10240x64xf32, #tpu.memory_space<vmem_shared>> -> memref<10240x64xf32, #tpu.memory_space<vmem_shared>>
          tpu.wait_indirect_dma semaphore(%arg16 : memref<!tpu.dma_semaphore, #tpu.memory_space<semaphore_mem>>) src(%arg12 : memref<128x64xf32, #tpu.memory_space<vmem>>) dst(%dma_wait3A_113 : memref<10240x64xf32, #tpu.memory_space<vmem_shared>>)
          %add3A_114 = arith.constant 2 : i32
          %add3A_115 = arith.addi %mul3A_56, %add3A_114 : i32
          %dma_start3A_116 = arith.constant 0 : i32
          %dma_start3A_117 = tpu.memref_slice %arg9[%add3A_115, %dma_start3A_116] : memref<16x128xi32, #tpu.memory_space<vmem>> -> memref<1x128xi32, #tpu.memory_space<vmem>>
          %dma_start3A_118 = tpu.memref_squeeze %dma_start3A_117 : memref<1x128xi32, #tpu.memory_space<vmem>> -> memref<128xi32, #tpu.memory_space<vmem>>
          %dma_start3A_119 = arith.constant 0 : i32
          %dma_start3A_120 = arith.constant 0 : i32
          %dma_start3A_121 = tpu.memref_slice %arg8[%dma_start3A_119, %dma_start3A_120] : memref<10240x64xf32, #tpu.memory_space<vmem_shared>> -> memref<10240x64xf32, #tpu.memory_space<vmem_shared>>
          tpu.enqueue_indirect_dma source(%dma_start3A_121 : memref<10240x64xf32, #tpu.memory_space<vmem_shared>>) target(%arg12 : memref<128x64xf32, #tpu.memory_space<vmem>>) offsets(%dma_start3A_118 : memref<128xi32, #tpu.memory_space<vmem>>) semaphore(%arg14 : memref<!tpu.dma_semaphore, #tpu.memory_space<semaphore_mem>>)
        } else {
        }
        %add3A_100 = arith.constant 1 : i32
        %add3A_101 = arith.addi %mul3A_56, %add3A_100 : i32
        %dma_start3A_102 = arith.constant 0 : i32
        %dma_start3A_103 = tpu.memref_slice %arg10[%add3A_101, %dma_start3A_102] : memref<16x128xi32, #tpu.memory_space<vmem>> -> memref<1x128xi32, #tpu.memory_space<vmem>>
        %dma_start3A_104 = tpu.memref_squeeze %dma_start3A_103 : memref<1x128xi32, #tpu.memory_space<vmem>> -> memref<128xi32, #tpu.memory_space<vmem>>
        %dma_start3A_105 = arith.constant 0 : i32
        %dma_start3A_106 = arith.constant 0 : i32
        %dma_start3A_107 = tpu.memref_slice %arg7[%dma_start3A_105, %dma_start3A_106] : memref<10240x64xf32, #tpu.memory_space<vmem_shared>> -> memref<10240x64xf32, #tpu.memory_space<vmem_shared>>
        tpu.enqueue_indirect_dma source(%arg13 : memref<128x64xf32, #tpu.memory_space<vmem>>) target(%dma_start3A_107 : memref<10240x64xf32, #tpu.memory_space<vmem_shared>>) offsets(%dma_start3A_104 : memref<128xi32, #tpu.memory_space<vmem>>) semaphore(%arg17 : memref<!tpu.dma_semaphore, #tpu.memory_space<semaphore_mem>>) {add = true}
      }
      %scan3A_36 = arith.constant 8 : i32
      %dma_wait3A = arith.constant 14 : i32
      %dma_wait3A_37 = arith.constant 0 : i32
      %dma_wait3A_38 = tpu.memref_slice %arg10[%dma_wait3A, %dma_wait3A_37] : memref<16x128xi32, #tpu.memory_space<vmem>> -> memref<1x128xi32, #tpu.memory_space<vmem>>
      %dma_wait3A_39 = tpu.memref_squeeze %dma_wait3A_38 : memref<1x128xi32, #tpu.memory_space<vmem>> -> memref<128xi32, #tpu.memory_space<vmem>>
      %dma_wait3A_40 = arith.constant 0 : i32
      %dma_wait3A_41 = arith.constant 0 : i32
      %dma_wait3A_42 = tpu.memref_slice %arg7[%dma_wait3A_40, %dma_wait3A_41] : memref<10240x64xf32, #tpu.memory_space<vmem_shared>> -> memref<10240x64xf32, #tpu.memory_space<vmem_shared>>
      tpu.wait_indirect_dma semaphore(%arg16 : memref<!tpu.dma_semaphore, #tpu.memory_space<semaphore_mem>>) src(%arg12 : memref<128x64xf32, #tpu.memory_space<vmem>>) dst(%dma_wait3A_42 : memref<10240x64xf32, #tpu.memory_space<vmem_shared>>)
      %dma_wait3A_43 = arith.constant 15 : i32
      %dma_wait3A_44 = arith.constant 0 : i32
      %dma_wait3A_45 = tpu.memref_slice %arg10[%dma_wait3A_43, %dma_wait3A_44] : memref<16x128xi32, #tpu.memory_space<vmem>> -> memref<1x128xi32, #tpu.memory_space<vmem>>
      %dma_wait3A_46 = tpu.memref_squeeze %dma_wait3A_45 : memref<1x128xi32, #tpu.memory_space<vmem>> -> memref<128xi32, #tpu.memory_space<vmem>>
      %dma_wait3A_47 = arith.constant 0 : i32
      %dma_wait3A_48 = arith.constant 0 : i32
      %dma_wait3A_49 = tpu.memref_slice %arg7[%dma_wait3A_47, %dma_wait3A_48] : memref<10240x64xf32, #tpu.memory_space<vmem_shared>> -> memref<10240x64xf32, #tpu.memory_space<vmem_shared>>
      tpu.wait_indirect_dma semaphore(%arg17 : memref<!tpu.dma_semaphore, #tpu.memory_space<semaphore_mem>>) src(%arg13 : memref<128x64xf32, #tpu.memory_space<vmem>>) dst(%dma_wait3A_49 : memref<10240x64xf32, #tpu.memory_space<vmem_shared>>)
    }
    %scan3A_15 = arith.constant 30 : i32
    %barrier3A_16 = arith.constant 0 : index
    tpu.barrier barrier_id(%barrier3A_16)
    "tpu.region"() ({
      %run_scoped3A = tpu.sem_alloc : memref<!tpu.dma_semaphore, #tpu.memory_space<semaphore_mem>>
      %dma_start3A = arith.constant 0 : i32
      %dma_start3A_17 = arith.constant 0 : i32
      %dma_start3A_18 = tpu.memref_slice %arg6[%arg0, %dma_start3A, %dma_start3A_17] : memref<2x10240x64xf32, #tpu.memory_space<hbm>> -> memref<1x10240x64xf32, #tpu.memory_space<hbm>>
      %dma_start3A_19 = tpu.memref_squeeze %dma_start3A_18 : memref<1x10240x64xf32, #tpu.memory_space<hbm>> -> memref<10240x64xf32, #tpu.memory_space<hbm>>
      %dma_start3A_20 = arith.constant 0 : i32
      %dma_start3A_21 = tpu.memref_slice %dma_start3A_19[%mul3A_0, %dma_start3A_20] : memref<10240x64xf32, #tpu.memory_space<hbm>> -> memref<640x64xf32, #tpu.memory_space<hbm>>
      %dma_start3A_22 = arith.constant 0 : i32
      %dma_start3A_23 = tpu.memref_slice %arg7[%mul3A_0, %dma_start3A_22] : memref<10240x64xf32, #tpu.memory_space<vmem_shared>> -> memref<640x64xf32, #tpu.memory_space<vmem_shared>>
      tpu.enqueue_dma source(%dma_start3A_23 : memref<640x64xf32, #tpu.memory_space<vmem_shared>>) target(%dma_start3A_21 : memref<640x64xf32, #tpu.memory_space<hbm>>) target_semaphore(%run_scoped3A : memref<!tpu.dma_semaphore, #tpu.memory_space<semaphore_mem>>)
      %dma_wait3A = arith.constant 0 : i32
      %dma_wait3A_24 = arith.constant 0 : i32
      %dma_wait3A_25 = tpu.memref_slice %arg6[%arg0, %dma_wait3A, %dma_wait3A_24] : memref<2x10240x64xf32, #tpu.memory_space<hbm>> -> memref<1x10240x64xf32, #tpu.memory_space<hbm>>
      %dma_wait3A_26 = tpu.memref_squeeze %dma_wait3A_25 : memref<1x10240x64xf32, #tpu.memory_space<hbm>> -> memref<10240x64xf32, #tpu.memory_space<hbm>>
      %dma_wait3A_27 = arith.constant 0 : i32
      %dma_wait3A_28 = tpu.memref_slice %dma_wait3A_26[%mul3A_0, %dma_wait3A_27] : memref<10240x64xf32, #tpu.memory_space<hbm>> -> memref<640x64xf32, #tpu.memory_space<hbm>>
      %dma_wait3A_29 = arith.constant 0 : i32
      %dma_wait3A_30 = tpu.memref_slice %arg7[%mul3A_0, %dma_wait3A_29] : memref<10240x64xf32, #tpu.memory_space<vmem_shared>> -> memref<640x64xf32, #tpu.memory_space<vmem_shared>>
      tpu.wait_dma2 semaphore(%run_scoped3A : memref<!tpu.dma_semaphore, #tpu.memory_space<semaphore_mem>>) src(%dma_wait3A_30 : memref<640x64xf32, #tpu.memory_space<vmem_shared>>) dst(%dma_wait3A_28 : memref<640x64xf32, #tpu.memory_space<hbm>>)
      tpu.yield
    }) : () -> ()
    return
  }
}

module attributes {stable_mosaic.version = 14 : i64} {
  func.func @_proj_body(%arg0: i32, %arg1: memref<1000x128xf32, #tpu.memory_space<vmem>>, %arg2: memref<128x128xf32, #tpu.memory_space<vmem>>, %arg3: memref<3x32000xf32, #tpu.memory_space<vmem>>, %arg4: memref<3x1xf32, #tpu.memory_space<vmem>>, %arg5: memref<2x1000x64xf32, #tpu.memory_space<vmem>>, %arg6: memref<3x32000xf32, #tpu.memory_space<vmem>>) attributes {dimension_semantics = [#tpu.dimension_semantics<arbitrary>], iteration_bounds = array<i64: 10>, scalar_prefetch = 0 : i64, scratch_operands = 0 : i64, tpu.core_type = #tpu.core_type<tc>, window_params = [{transform_indices = @transform_0, window_bounds = array<i64: 1000, 128>}, {pipeline_mode = #tpu.pipeline_mode<synchronous>, transform_indices = @transform_1, window_bounds = array<i64: 128, 128>}, {transform_indices = @transform_2, window_bounds = array<i64: 3, 32000>}, {pipeline_mode = #tpu.pipeline_mode<synchronous>, transform_indices = @transform_3, window_bounds = array<i64: 3, 1>}, {transform_indices = @transform_4, window_bounds = array<i64: 2, 1000, 64>}, {transform_indices = @transform_5, window_bounds = array<i64: 3, 32000>}]} {
    %get3A = arith.constant 0 : index
    %get3A_0 = arith.constant 0 : index
    %get3A_1 = vector.load %arg1[%get3A, %get3A_0] : memref<1000x128xf32, #tpu.memory_space<vmem>>, vector<1000x128xf32>
    %get3A_2 = arith.constant 0 : index
    %get3A_3 = arith.constant 0 : index
    %get3A_4 = vector.load %arg2[%get3A_2, %get3A_3] : memref<128x128xf32, #tpu.memory_space<vmem>>, vector<128x128xf32>
    %dot_general3A = arith.constant dense<0.000000e+00> : vector<1000x128xf32>
    %dot_general3A_5 = tpu.matmul %get3A_1, %get3A_4, %dot_general3A {dimension_numbers = #tpu.dot_dimension_numbers<[1], [1], [0], [0], [0, 0, 1, 0], [], []>, transpose_lhs_hint = false} : vector<1000x128xf32>, vector<128x128xf32>, vector<1000x128xf32> -> vector<1000x128xf32>
    %slice3A = vector.extract_strided_slice %dot_general3A_5 {offsets = [0, 0], sizes = [1000, 64], strides = [1, 1]} : vector<1000x128xf32> to vector<1000x64xf32>
    %swap3A = arith.constant 0 : index
    %swap3A_6 = arith.constant 0 : index
    %swap3A_7 = arith.constant 0 : index
    %swap3A_8 = vector.load %arg5[%swap3A, %swap3A_6, %swap3A_7] : memref<2x1000x64xf32, #tpu.memory_space<vmem>>, vector<1x1000x64xf32>
    %swap3A_9 = vector.shape_cast %swap3A_8 : vector<1x1000x64xf32> to vector<1000x64xf32>
    %swap3A_10 = vector.shape_cast %slice3A : vector<1000x64xf32> to vector<1x1000x64xf32>
    tpu.vector_store %arg5[%swap3A, %swap3A_6, %swap3A_7], %swap3A_10 {strides = array<i32>} : memref<2x1000x64xf32, #tpu.memory_space<vmem>>, vector<1x1000x64xf32>,
    %slice3A_11 = vector.extract_strided_slice %dot_general3A_5 {offsets = [0, 64], sizes = [1000, 64], strides = [1, 1]} : vector<1000x128xf32> to vector<1000x64xf32>
    %swap3A_12 = arith.constant 1 : index
    %swap3A_13 = arith.constant 0 : index
    %swap3A_14 = arith.constant 0 : index
    %swap3A_15 = vector.load %arg5[%swap3A_12, %swap3A_13, %swap3A_14] : memref<2x1000x64xf32, #tpu.memory_space<vmem>>, vector<1x1000x64xf32>
    %swap3A_16 = vector.shape_cast %swap3A_15 : vector<1x1000x64xf32> to vector<1000x64xf32>
    %swap3A_17 = vector.shape_cast %slice3A_11 : vector<1000x64xf32> to vector<1x1000x64xf32>
    tpu.vector_store %arg5[%swap3A_12, %swap3A_13, %swap3A_14], %swap3A_17 {strides = array<i32>} : memref<2x1000x64xf32, #tpu.memory_space<vmem>>, vector<1x1000x64xf32>,
    %get3A_18 = arith.constant 0 : index
    %get3A_19 = arith.constant 0 : index
    %get3A_20 = vector.load %arg4[%get3A_18, %get3A_19] : memref<3x1xf32, #tpu.memory_space<vmem>>, vector<3x1xf32>
    %logistic3A = arith.negf %get3A_20 : vector<3x1xf32>
    %logistic3A_21 = math.exp %logistic3A : vector<3x1xf32>
    %logistic3A_22 = arith.constant 1.000000e+00 : f32
    %logistic3A_23 = vector.broadcast %logistic3A_22 : f32 to vector<3x1xf32>
    %logistic3A_24 = arith.addf %logistic3A_23, %logistic3A_21 : vector<3x1xf32>
    %logistic3A_25 = arith.divf %logistic3A_23, %logistic3A_24 : vector<3x1xf32>
    %get3A_26 = arith.constant 0 : index
    %get3A_27 = arith.constant 0 : index
    %get3A_28 = vector.load %arg3[%get3A_26, %get3A_27] : memref<3x32000xf32, #tpu.memory_space<vmem>>, vector<3x32000xf32>
    %mul3A = vector.broadcast %logistic3A_25 : vector<3x1xf32> to vector<3x32000xf32>
    %mul3A_29 = arith.mulf %get3A_28, %mul3A : vector<3x32000xf32>
    %swap3A_30 = arith.constant 0 : index
    %swap3A_31 = arith.constant 0 : index
    %swap3A_32 = vector.load %arg6[%swap3A_30, %swap3A_31] : memref<3x32000xf32, #tpu.memory_space<vmem>>, vector<3x32000xf32>
    tpu.vector_store %arg6[%swap3A_30, %swap3A_31], %mul3A_29 {strides = array<i32>} : memref<3x32000xf32, #tpu.memory_space<vmem>>, vector<3x32000xf32>,
    return
  }
  func.func @transform_0(%arg0: i32) -> (i32, i32) {
    %c0_i32 = arith.constant 0 : i32
    %c0_i32_0 = arith.constant 0 : i32
    return %arg0, %c0_i32 : i32, i32
  }
  func.func @transform_1(%arg0: i32) -> (i32, i32) {
    %c0_i32 = arith.constant 0 : i32
    %c0_i32_0 = arith.constant 0 : i32
    %c0_i32_1 = arith.constant 0 : i32
    return %c0_i32, %c0_i32_0 : i32, i32
  }
  func.func @transform_2(%arg0: i32) -> (i32, i32) {
    %c0_i32 = arith.constant 0 : i32
    %c0_i32_0 = arith.constant 0 : i32
    return %c0_i32, %arg0 : i32, i32
  }
  func.func @transform_3(%arg0: i32) -> (i32, i32) {
    %c0_i32 = arith.constant 0 : i32
    %c0_i32_0 = arith.constant 0 : i32
    %c0_i32_1 = arith.constant 0 : i32
    return %c0_i32, %c0_i32_0 : i32, i32
  }
  func.func @transform_4(%arg0: i32) -> (i32, i32, i32) {
    %c0_i32 = arith.constant 0 : i32
    %c0_i32_0 = arith.constant 0 : i32
    %c0_i32_1 = arith.constant 0 : i32
    return %c0_i32, %arg0, %c0_i32_0 : i32, i32, i32
  }
  func.func @transform_5(%arg0: i32) -> (i32, i32) {
    %c0_i32 = arith.constant 0 : i32
    %c0_i32_0 = arith.constant 0 : i32
    return %c0_i32, %arg0 : i32, i32
  }
}

module attributes {stable_mosaic.version = 14 : i64} {
  func.func @_combine_body(%arg0: i32, %arg1: memref<2x1000x64xf32, #tpu.memory_space<vmem>>, %arg2: memref<1000x128xf32, #tpu.memory_space<vmem>>) attributes {dimension_semantics = [#tpu.dimension_semantics<arbitrary>], iteration_bounds = array<i64: 10>, scalar_prefetch = 0 : i64, scratch_operands = 0 : i64, tpu.core_type = #tpu.core_type<tc>, window_params = [{transform_indices = @transform_0, window_bounds = array<i64: 2, 1000, 64>}, {transform_indices = @transform_1, window_bounds = array<i64: 1000, 128>}]} {
    %get3A = arith.constant 0 : index
    %get3A_0 = arith.constant 0 : index
    %get3A_1 = arith.constant 0 : index
    %get3A_2 = vector.load %arg1[%get3A, %get3A_0, %get3A_1] : memref<2x1000x64xf32, #tpu.memory_space<vmem>>, vector<1x1000x64xf32>
    %get3A_3 = vector.shape_cast %get3A_2 : vector<1x1000x64xf32> to vector<1000x64xf32>
    %swap3A = arith.constant 0 : index
    %swap3A_4 = arith.constant 0 : index
    %swap3A_5 = vector.load %arg2[%swap3A, %swap3A_4] : memref<1000x128xf32, #tpu.memory_space<vmem>>, vector<1000x64xf32>
    tpu.vector_store %arg2[%swap3A, %swap3A_4], %get3A_3 {strides = array<i32>} : memref<1000x128xf32, #tpu.memory_space<vmem>>, vector<1000x64xf32>,
    %get3A_6 = arith.constant 1 : index
    %get3A_7 = arith.constant 0 : index
    %get3A_8 = arith.constant 0 : index
    %get3A_9 = vector.load %arg1[%get3A_6, %get3A_7, %get3A_8] : memref<2x1000x64xf32, #tpu.memory_space<vmem>>, vector<1x1000x64xf32>
    %get3A_10 = vector.shape_cast %get3A_9 : vector<1x1000x64xf32> to vector<1000x64xf32>
    %swap3A_11 = arith.constant 0 : index
    %swap3A_12 = arith.constant 64 : index
    %swap3A_13 = vector.load %arg2[%swap3A_11, %swap3A_12] : memref<1000x128xf32, #tpu.memory_space<vmem>>, vector<1000x64xf32>
    tpu.vector_store %arg2[%swap3A_11, %swap3A_12], %get3A_10 {strides = array<i32>} : memref<1000x128xf32, #tpu.memory_space<vmem>>, vector<1000x64xf32>,
    return
  }
  func.func @transform_0(%arg0: i32) -> (i32, i32, i32) {
    %c0_i32 = arith.constant 0 : i32
    %c0_i32_0 = arith.constant 0 : i32
    %c0_i32_1 = arith.constant 0 : i32
    return %c0_i32, %arg0, %c0_i32_0 : i32, i32, i32
  }
  func.func @transform_1(%arg0: i32) -> (i32, i32) {
    %c0_i32 = arith.constant 0 : i32
    %c0_i32_0 = arith.constant 0 : i32
    return %arg0, %c0_i32 : i32, i32
  }
}

</mosaic_0001>

<sc_bundles>
// kernel: kernel.5.cloned.1.call-start
scs
__scs_entry_jumppad:
0x0: {  	(pc) =	sbr.rel $0x88, $3  }
0x1: {  	(tag) =	ssettag $0x0;
	lr =	simm.s32 $0x1  }
0x2: {  	[smem:$0x3F98] =	sst lr;
	_ =	strace $0xD0000000  }
0x3: {  	_ = 	snop  }
0x4: {  	_ = 	snop  }
0x5: {  	_ = 	snop  }
0x6: {  	_ = 	snop  }
0x7: {  	_ = 	snop  }
__scs_overlays_trampoline_lowered:
0x8: {  	[smem:$0x3FA7] =	sst s0  }
0x9: {  	[smem:$0x3FA8] =	sst s1  }
0xa: {  	[smem:$0x3FA9] =	sst s2  }
0xb: {  	[smem:$0x3FAA] =	sst s3  }
0xc: {  	[smem:$0x3FAB] =	sst s4  }
0xd: {  	[smem:$0x3FAC] =	sst s5  }
0xe: {  	[smem:$0x3FAD] =	sst s6  }
0xf: {  	[smem:$0x3FAE] =	sst s7  }
0x10: {  	[smem:$0x3FAF] =	sst s8  }
0x11: {  	[smem:$0x3FB0] =	sst s9;
	s0 =	simm.s32 @!p0 $0x0  }
0x12: {  	s1 =	sld [smem:$0x3F96];
	s0 =	simm.s32 @p0 $0x1  }
0x13: {  	[smem:$0x3FB1] =	sst s0;
	s0 =	simm.s32 @!p1 $0x0  }
0x14: {  	s2 =	sld [smem:$0x3F95];
	s0 =	simm.s32 @p1 $0x1  }
0x15: {  	[smem:$0x3FB2] =	sst s0;
	s0 =	simm.s32 @!p2 $0x0  }
0x16: {  	s3 =	sld [smem:$0x3FDB];
	s0 =	simm.s32 @p2 $0x1  }
0x17: {  	s4 =	simm.s32 $0x1BF5;
	[smem:$0x3FB4] =	sst s0  }
0x18: {  	s0 =	sld [smem:$0x3F97];
	_ =	swait.ge [sflag:s4], $0x0  }
0x19: {  	s7 =	sld [smem:$0x3F98]  }
0x1a: {  	s8 =	sadd.s32 $0xFFFFE003, lr  }
0x1b: {  	s9 =	sadd.s32 $0xFFFFFEF7, lr;
	s5 =	simm.s32 $0xFFFFFFFF;
	p2 =	slt.u32 s8, $0xFFFFF086  }
0x1c: {  	p1 =	slt.u32 s9, $0xF7A;
	s5 =	simm.s32 @!p2 $0x0  }
0x1d: {  	s5 =	simm.s32 @p1 $0x1;
	p0 =	seq.s32 s7, s2  }
0x1e: {  	s7 =	smul.u32 @!p0 $0xF7A, s2;
	p2 =	seq.s32 @!p0 s5, $0x0  }
0x1f: {  	s9 =	smul.u32 $0xF7A, s1;
	s8 =	simm.s32 @!p0 $0x1BF5;
	p2 =	por !p2, p0  }
0x20: {  	[sflag:s8] =	ssyncset.s32 @!p0 $0xFFFFF086;
	s6 =	sadd.s32 @!p0 s3, s7;
	s7 =	simm.s32 @!p0 $0x108  }
0x21: {  	s3 =	sadd.s32 s3, s9;
	s6 =	sadd.s32 @!p0 $0x88, s6;
	s7 =	simm.s32 @p2 $0x1082  }
0x22: {  	[simem:s7], [sflag:s8] =	dma.local @!p0 [hbm:s6], $0xF7A  }
0x23: {  	s9 =	sor.u32 $0xD0000000, s2;
	s6 =	simm.s32 $0x108;
	_ =	swait.ge @!p0 [sflag:s8], $0x0  }
0x24: {  	s3 =	sadd.s32 $0x88, s3;
	s6 =	simm.s32 @!p1 $0x1082;
	[sflag:s4] =	ssyncset.s32 $0xFFFFF086  }
0x25: {  	[simem:s6], [sflag:s4] =	dma.local [hbm:s3], $0xF7A  }
0x26: {  	[smem:$0x3F98] =	sst s1;
	(tag) =	ssettag s2;
	_ =	strace s9  }
0x27: {  	s1 =	sld [smem:$0x3FA8]  }
0x28: {  	s2 =	sld [smem:$0x3FA9]  }
0x29: {  	s4 =	sld [smem:$0x3FAB]  }
0x2a: {  	p0 =	seq.s32 s5, $0x0;
	s5 =	sld [smem:$0x3FAC]  }
0x2b: {  	s6 =	sld [smem:$0x3FAD]  }
0x2c: {  	s7 =	sld [smem:$0x3FAE]  }
0x2d: {  	s3 =	simm.s32 $0x108;
	s8 =	sld [smem:$0x3FAF]  }
0x2e: {  	s3 =	simm.s32 @!p0 $0x1082;
	s9 =	sld [smem:$0x3FB0]  }
0x2f: {  	lr =	sadd.s32 s0, s3;
	s0 =	sld [smem:$0x3FA7]  }
0x30: {  	s3 =	sld [smem:$0x3FAA]  }
0x31: {  	[smem:$0x3FB3] =	sst s10  }
0x32: {  	s10 =	sld [smem:$0x3FB1];
	_ =	sdelay $0x3  }
0x33: {  	p0 =	seq.s32 s10, $0x1;
	s10 =	sld [smem:$0x3FB3];
	_ =	sdelay $0x3  }
0x34: {  	[smem:$0x3FB3] =	sst s10  }
0x35: {  	s10 =	sld [smem:$0x3FB2];
	_ =	sdelay $0x3  }
0x36: {  	p1 =	seq.s32 s10, $0x1;
	s10 =	sld [smem:$0x3FB3];
	_ =	sdelay $0x3  }
0x37: {  	[smem:$0x3FB3] =	sst s10  }
0x38: {  	s10 =	sld [smem:$0x3FB4]  }
0x39: {  	_ = 	snop;
	(pc) =	sbr.ind lr, $3  }
0x3a: {  	_ = 	snop  }
0x3b: {  	_ = 	snop  }
0x3c: {  	p2 =	seq.s32 s10, $0x1;
	s10 =	sld [smem:$0x3FB3]  }
0x3d: {  	_ =	shalt  }
0x3e: {  	_ =	shalt  }
0x3f: {  	_ =	shalt  }
0x40: {  	_ =	shalt  }
0x41: {  	_ =	shalt  }
0x42: {  	_ =	shalt  }
0x43: {  	_ =	shalt  }
0x44: {  	_ =	shalt  }
0x45: {  	_ =	shalt  }
0x46: {  	_ =	shalt  }
0x47: {  	_ =	shalt  }
0x48: {  	_ =	shalt  }
0x49: {  	_ =	shalt  }
0x4a: {  	_ =	shalt  }
0x4b: {  	_ =	shalt  }
0x4c: {  	_ =	shalt  }
0x4d: {  	_ =	shalt  }
0x4e: {  	_ =	shalt  }
0x4f: {  	_ =	shalt  }
0x50: {  	_ =	shalt  }
0x51: {  	_ =	shalt  }
0x52: {  	_ =	shalt  }
0x53: {  	_ =	shalt  }
0x54: {  	_ =	shalt  }
0x55: {  	_ =	shalt  }
0x56: {  	_ =	shalt  }
0x57: {  	_ =	shalt  }
0x58: {  	_ =	shalt  }
0x59: {  	_ =	shalt  }
0x5a: {  	_ =	shalt  }
0x5b: {  	_ =	shalt  }
0x5c: {  	_ =	shalt  }
0x5d: {  	_ =	shalt  }
0x5e: {  	_ =	shalt  }
0x5f: {  	_ =	shalt  }
0x60: {  	_ =	shalt  }
0x61: {  	_ =	shalt  }
0x62: {  	_ =	shalt  }
0x63: {  	_ =	shalt  }
0x64: {  	_ =	shalt  }
0x65: {  	_ =	shalt  }
0x66: {  	_ =	shalt  }
0x67: {  	_ =	shalt  }
0x68: {  	_ =	shalt  }
0x69: {  	_ =	shalt  }
0x6a: {  	_ =	shalt  }
0x6b: {  	_ =	shalt  }
0x6c: {  	_ =	shalt  }
0x6d: {  	_ =	shalt  }
0x6e: {  	_ =	shalt  }
0x6f: {  	_ =	shalt  }
0x70: {  	_ =	shalt  }
0x71: {  	_ =	shalt  }
0x72: {  	_ =	shalt  }
0x73: {  	_ =	shalt  }
0x74: {  	_ =	shalt  }
0x75: {  	_ =	shalt  }
0x76: {  	_ =	shalt  }
0x77: {  	_ =	shalt  }
0x78: {  	_ =	shalt  }
0x79: {  	_ =	shalt  }
0x7a: {  	_ =	shalt  }
0x7b: {  	_ =	shalt  }
0x7c: {  	_ =	shalt  }
0x7d: {  	_ =	shalt  }
0x7e: {  	_ =	shalt  }
0x7f: {  	_ =	shalt  }
0x80: {  	_ =	shalt  }
0x81: {  	_ =	shalt  }
0x82: {  	_ =	shalt  }
0x83: {  	_ =	shalt  }
0x84: {  	_ =	shalt  }
0x85: {  	_ =	shalt  }
0x86: {  	_ =	shalt  }
0x87: {  	_ =	shalt  }
.Lfunc_end0:
.L_simem_size_0:
called_computation_lowered:
.L_overlay_start_0:
0x88: {  	s2 =	sld [smem:$0x3FD9]  }
0x89: {  	s3 =	sld [smem:$0x3FFE];
	_ =	sdelay $0x1  }
0x8a: {  	s1 =	srdreg.scid  }
0x8b: {  	s0 =	sand.u32 $0x1, s1  }
0x8c: {  	s17 =	sshll.u32 s0, $0xA;
	s2 =	sadd.s32 s3, s2  }
0x8d: {  	s2 =	sadd.s32 s2, s17  }
0x8e: {  	[smem:$0x3FBF] =	sst s2  }
0x8f: {  	_ = 	snop  }
0x90: {  	s2 =	sld [smem:$0x3FD0];
	(tm) =	ssettm $0x1  }
0x91: {  	s18 =	sld [smem:$0x3FFB];
	_ =	sdelay $0x3  }
0x92: {  	_ =	strace s18  }
0x93: {  	s3 =	sld [smem:$0x3FFC];
	_ =	sdelay $0x3  }
0x94: {  	_ =	strace s3  }
0x95: {  	s3 =	sld [smem:$0x3FFD];
	_ =	sdelay $0x3  }
0x96: {  	_ =	strace s3  }
0x97: {  	_ =	strace $0x8FFFFFFF  }
0x98: {  	s19 =	sld [smem:$0x3FDB];
	_ =	sdelay $0x1  }
0x99: {  	s4 =	simm.s32 $_scs_section_size  }
0x9a: {  	s5 =	simm.s32 $_size__tile_overlayer_lowered;
	s6 =	simm.s32 $_tile_overlayer_lowered  }
0x9b: {  	s22 =	simm.s32 $0x1BFF;
	s21 =	sshll.u32 s6, $0x1;
	s3 =	sadd.s32 s4, s19  }
0x9c: {  	s7 =	simm.s32 $0x0;
	s20 =	sshll.u32 s5, $0x1;
	s5 =	sadd.s32 s21, s3  }
0x9d: {  	[timem:s7], [sflag:s22] =	dma.local [hbm:s5], s20  }
0x9e: {  	_ =	swait.ge [sflag:s22], s20  }
0x9f: {  	s4 =	ssub.s32 $0x0, s20;
	[sflag:s22] =	ssyncset.done $0x0  }
0xa0: {  	[sflag:s22] =	ssyncadd.s32 s4;
	_ =	sdelay $0x1  }
0xa1: {  	s23 =	simm.s32 $0x1B8B  }
0xa2: {  	_ =	swait.ge [sflag:s23], $0x1  }
0xa3: {  	[sflag:s23] =	ssyncset.done $0x0  }
0xa4: {  	s25 =	simm.s32 $0x1B8E;
	s24 =	sld [smem:$0x3FFE];
	[sflag:s23] =	ssyncadd.s32 $0xFFFFFFFF  }
0xa5: {  	s26 =	simm.s32 $execute0_lowered;
	[smem:$0x3FD2] =	sst s25  }
0xa6: {  	s5 =	sshll.u32 s26, $0x1;
	_ =	strace $0x80000046;
	[dreg:$0x1] =	wrdreg $0xFFFFFFFF  }
0xa7: {  	s28 =	simm.s32 $_size_execute0_lowered;
	s3 =	sadd.s32 s3, s5;
	[dreg:$0x0] =	wrdreg $0x0  }
0xa8: {  	s5 =	sshll.u32 s28, $0x1;
	[dreg:$0x2] =	wrdreg s3  }
0xa9: {  	[dreg:$0x3] =	wrdreg s5  }
0xaa: {  	[dreg:$0x4] =	wrdreg $0xC0  }
0xab: {  	_ =	task [dreg:s7], $0x5FFFF  }
0xac: {  	[dreg:$0x1] =	wrdreg $0xFFFFFFFF  }
0xad: {  	[dreg:$0x0] =	wrdreg $0x60  }
0xae: {  	[dreg:$0x2] =	wrdreg s24  }
0xaf: {  	[dreg:$0x3] =	wrdreg s2  }
0xb0: {  	[dreg:$0x4] =	wrdreg $0x0  }
0xb1: {  	[dreg:$0x5] =	wrdreg $0xA0000  }
0xb2: {  	[dreg:$0x6] =	wrdreg $0x9  }
0xb3: {  	_ =	task.clear_ibuf [dreg:s7], $0x7FFFF;
	_ =	strace $0x90000046  }
0xb4: {  	s29 =	simm.s32 $0x9;
	_ =	strace $0x80000048  }
0xb5: {  	_ =	swait.ge [sflag:s29], $0x1  }
0xb6: {  	[sflag:s29] =	ssyncadd.s32 $0xFFFFFFFF  }
0xb7: {  	_ =	strace $0x90000048  }
0xb8: {  	_ =	sfence  }
0xb9: {  	s30 =	sld [smem:$0x0];
	_ =	sdelay $0x2  }
0xba: {  	s31 =	sshll.u32 s1, $0xD;
	s1 =	sshrl.u32 s1, $0x2  }
0xbb: {  	s3 =	sand.u32 $0x4000, s31;
	s1 =	sadd.s32 s1, s30  }
0xbc: {  	s0 =	sor.u32 s3, s0;
	s1 =	sshll.u32 s1, $0x11  }
0xbd: {  	s0 =	sor.u32 s1, s0  }
0xbe: {  	s0 =	sadd.s32 $0x8F2B, s0  }
0xbf: {  	[sflag:s0] =	ssyncadd.remote.s32 $0x1  }
0xc0: {  	_ =	sfence.sel $0xFFFF  }
0xc1: {  	[dreg:$0x0] =	wrdreg $0xFFFFFFFF;
	(pc) =	sbr.abs _section_cstart, $3  }
0xc2: {  	[dreg:$0x1] =	wrdreg $0xFFFFFFFF  }
0xc3: {  	_ =	task.clear_ibuf [dreg:s7], $0x2FFFF;
	_ =	strace $0x9FFFFFFF  }
0xc4: {  	(tm) =	ssettm $0x7FFFFFFF  }
0xc5: {  	_ =	shalt  }
tec
execute0_lowered:
.L_overlay_start_1:
0x0: {  	(tag) =	ssettag $0x1  }
0x1: {  	s0 =	rddreg [dreg:$0x0]  }
0x2: {  	s1 =	rddreg [dreg:$0x1]  }
0x3: {  	s2 =	rddreg [dreg:$0x2]  }
0x4: {  	s3 =	rddreg [dreg:$0x3];
	s4 =	simm.s32 $0x0  }
0x5: {  	s5 =	srdreg.scid;
	s14 =	stileid.u32;
	s18 =	simm.s32 $0x5  }
0x6: {  	s28 =	simm.s32 $0x2;
	s29 =	simm.s32 $0x3;
	s30 =	simm.s32 $0x4  }
0x7: {  	s31 =	simm.s32 $0x0;
	[smem:$0x7FF] =	sst s4;
	s12 =	smul.u32 $0x14000, s14  }
0x8: {  	s5 =	sand.u32 $0x1, s5;
	s6 =	sadd.s32 $0x6E200, s0;
	s13 =	smul.u32 $0x2800, s14  }
0x9: {  	s7 =	sadd.s32 $0x50200, s0;
	s10 =	smul.u32 $0x50000, s14;
	s11 =	sshll.u32 s14, $0x6  }
0xa: {  	s8 =	smul.u32 $0x28000, s5;
	_ =	strace $0x80000047;
	s5 =	ssub.s32 $0x2, s5  }
0xb: {  	s9 =	sshrl.u32 s5, $0x1;
	s19 =	sadd.s32 s12, s3;
	s10 =	sshrl.u32 s10, $0x2  }
0xc: {  	s12 =	sadd.s32 s12, s2;
	s0 =	sadd.s32 s8, s0;
	s25 =	sshrl.u32 s19, $0x3  }
0xd: {  	s5 =	ssub.s32 s5, s9;
	s26 =	sshrl.u32 s12, $0x3;
	[dreg:$0xb] =	wrdreg s25  }
0xe: {  	s10 =	sadd.s32 s10, s2;
	s5 =	smax.u32 s5, $0x1;
	[dreg:$0xd] =	wrdreg s26  }
0xf: {  	s19 =	simm.s32 $0x15800;
	s21 =	sadd.s32 $0x4000, s10;
	[dreg:$0x6] =	wrdreg s5  }
0x10: {  	s20 =	sadd.s32 s13, s0;
	s22 =	sadd.s32 $0x8000, s10;
	[dreg:$0x7] =	wrdreg s21  }
0x11: {  	s0 =	sadd.s32 $0x8C200, s0;
	s23 =	sadd.s32 $0xC000, s10;
	[dreg:$0x8] =	wrdreg s22  }
.Ltmp0:
0x12: {  	s24 =	sadd.s32 $0x10000, s10;
	[dreg:$0x9] =	wrdreg s23;
	(pc) =	sbr.rel .LBB2_1-.Ltmp0, $4  }
0x13: {  	s26 =	simm.s32 $0x1;
	s9 =	sadd.s32 $0x200, s20;
	[dreg:$0xa] =	wrdreg s24  }
0x14: {  	s20 =	simm.s32 $0x14000;
	s21 =	simm.s32 $0x14800;
	s22 =	simm.s32 $0x80  }
0x15: {  	s0 =	sadd.s32 s13, s0;
	s24 =	simm.s32 $0x19800;
	[dreg:$0x5] =	wrdreg s9  }
0x16: {  	v0 =	vimm.f32 $0.0e+00;
	s9 =	sor.u32 $0x1C05, s11;
	s11 =	smul.u32 $0xF000, s14;
	[dreg:$0xc] =	wrdreg s0  }
.LBB2_12:
0x17: {  	[bflag:$0x0] =	sbarrier.arrive $0xFFFF  }
0x18: {  	s0 =	rddreg [dreg:$0xc]  }
0x19: {  	s5 =	rddreg [dreg:$0xd]  }
0x1a: {  	[hbm:s0], [sflag:s9] =	dma.local [spmem:s5], $0x2800  }
0x1b: {  	_ =	swait.ge [sflag:s18], $0x2800  }
0x1c: {  	s4 =	sadd.s32 $0x1, s4;
	s25 =	rddreg [dreg:$0x6]  }
0x1d: {  	p0 =	sne.s32 s4, s25  }
.Ltmp1:
0x1e: {  	_ = 	snop;
	(pc) =	sbr.rel @!p0 .LBB2_13-.Ltmp1, $3  }
0x1f: {  	_ =	sdelay $0x1  }
0x20: {  	[sflag:s18] =	ssyncset.done $0x0  }
0x21: {  	[sflag:s18] =	ssyncadd.s32 $0xFFFFD800  }
.LBB2_1:
0x22: {  	s0 =	rddreg [dreg:$0x5]  }
0x23: {  	s5 =	rddreg [dreg:$0xb]  }
0x24: {  	[spmem:s5], [sflag:s9] =	dma.local [hbm:s0], $0x2800  }
0x25: {  	_ =	swait.ge [sflag:s18], $0x2800  }
0x26: {  	[sflag:s18] =	ssyncset.done $0x0  }
0x27: {  	s5 =	simm.s32 $0x200;
	s0 =	simm.s32 $0x0;
	[sflag:s18] =	ssyncadd.s32 $0xFFFFD800  }
.LBB2_2:
0x28: {  	p0 =	sne.s32 s5, $0xFE00;
	[tilespmem:s0+$0x15830] =	vst v0;
	s8 =	smov.u32 s5;
	s5 =	sadd.s32 $0x200, s5  }
.Ltmp2:
0x29: {  	[tilespmem:s0+$0x15820] =	vst v0;
	(pc) =	sbr.rel @p0 .LBB2_2-.Ltmp2, $3  }
0x2a: {  	[tilespmem:s0+$0x15800] =	vst v0  }
0x2b: {  	[tilespmem:s0+$0x15810] =	vst v0;
	_ =	sdelay $0x1  }
0x2c: {  	s0 =	sshra.s32 s8, $0x2  }
0x2d: {  	[tilespmem:s0+$0x15830] =	vst v0  }
0x2e: {  	[tilespmem:s0+$0x15820] =	vst v0  }
0x2f: {  	[tilespmem:s0+$0x15800] =	vst v0  }
0x30: {  	[tilespmem:s0+$0x15810] =	vst v0  }
0x31: {  	[spmem:s10] =	stream.linear.scatter [tilespmem:s19], [sflag:$0x5], $0x4000, $0x38;
	[tilespmem:$0x1D800] =	vst v63  }
0x32: {  	_ =	swait.ge [sflag:s18], $0x4000  }
0x33: {  	[sflag:s18] =	ssyncset.done $0x0  }
0x34: {  	s16 =	rddreg [dreg:$0x7];
	[sflag:s18] =	ssyncadd.s32 $0xFFFFC000  }
0x35: {  	[spmem:s16] =	stream.linear.scatter [tilespmem:s19], [sflag:$0x5], $0x4000, $0x38;
	[tilespmem:$0x1D800] =	vst v63  }
0x36: {  	_ =	swait.ge [sflag:s18], $0x4000  }
0x37: {  	[sflag:s18] =	ssyncset.done $0x0  }
0x38: {  	s17 =	rddreg [dreg:$0x8];
	[sflag:s18] =	ssyncadd.s32 $0xFFFFC000  }
0x39: {  	[spmem:s17] =	stream.linear.scatter [tilespmem:s19], [sflag:$0x5], $0x4000, $0x38;
	[tilespmem:$0x1D800] =	vst v63  }
0x3a: {  	_ =	swait.ge [sflag:s18], $0x4000  }
0x3b: {  	[sflag:s18] =	ssyncset.done $0x0  }
0x3c: {  	s23 =	rddreg [dreg:$0x9];
	[sflag:s18] =	ssyncadd.s32 $0xFFFFC000  }
0x3d: {  	[spmem:s23] =	stream.linear.scatter [tilespmem:s19], [sflag:$0x5], $0x4000, $0x38;
	[tilespmem:$0x1D800] =	vst v63  }
0x3e: {  	_ =	swait.ge [sflag:s18], $0x4000  }
0x3f: {  	[sflag:s18] =	ssyncset.done $0x0  }
0x40: {  	s25 =	rddreg [dreg:$0xa];
	[sflag:s18] =	ssyncadd.s32 $0xFFFFC000  }
0x41: {  	[spmem:s25] =	stream.linear.scatter [tilespmem:s19], [sflag:$0x5], $0x4000, $0x38;
	[tilespmem:$0x1D800] =	vst v63  }
.Ltmp3:
0x42: {  	_ =	swait.ge [sflag:s18], $0x4000;
	(pc) =	sbr.rel .LBB2_4-.Ltmp3, $4  }
0x43: {  	[sflag:s18] =	ssyncset.done $0x0  }
0x44: {  	[sflag:s18] =	ssyncadd.s32 $0xFFFFC000  }
0x45: {  	[bflag:$0x0] =	sbarrier.arrive $0xFFFF  }
0x46: {  	s0 =	simm.s32 $0x0  }
.LBB2_11:
0x47: {  	[spmem:s2] =	stream.indirect.scatter.add.f32 [tilespmem:s24], [sflag:$0x4], $0x40, s13, s22, $0xb8;
	[tilespmem:$0x1D800] =	vst v63  }
0x48: {  	s0 =	sadd.s32 $0x1, s0  }
0x49: {  	_ =	swait.ge [sflag:s29], $0x2000;
	p0 =	sne.s32 s0, $0x1E  }
.Ltmp4:
0x4a: {  	[sflag:s29] =	ssyncset.done $0x0;
	(pc) =	sbr.rel @!p0 .LBB2_12-.Ltmp4, $4  }
0x4b: {  	[sflag:s29] =	ssyncadd.s32 $0xFFFFE000  }
0x4c: {  	_ =	swait.ge [sflag:s30], $0x2000  }
0x4d: {  	[sflag:s30] =	ssyncset.done $0x0  }
0x4e: {  	[sflag:s30] =	ssyncadd.s32 $0xFFFFE000  }
.LBB2_4:
0x4f: {  	s5 =	sshll.u32 s0, $0xB  }
0x50: {  	s5 =	sadd.s32 s11, s5  }
0x51: {  	s5 =	sshrl.u32 s5, $0x3  }
0x52: {  	s8 =	sadd.s32 s1, s5  }
0x53: {  	[tilespmem:s20], [sflag:$0x5] =	stream.linear.gather [hbm4b:s8+s31], $0x800, $0x38;
	[tilespmem:$0x1D800] =	vst v63  }
0x54: {  	_ =	swait.ge [sflag:s18], $0x800  }
0x55: {  	[sflag:s18] =	ssyncset.done $0x0  }
0x56: {  	s23 =	sadd.s32 s6, s5;
	[sflag:s18] =	ssyncadd.s32 $0xFFFFF800  }
0x57: {  	[tilespmem:s21], [sflag:$0x5] =	stream.linear.gather [hbm4b:s23+s31], $0x800, $0x38;
	[tilespmem:$0x1D800] =	vst v63  }
0x58: {  	_ =	swait.ge [sflag:s18], $0x800  }
0x59: {  	[sflag:s18] =	ssyncset.done $0x0  }
0x5a: {  	s25 =	sadd.s32 s7, s5;
	s5 =	simm.s32 $0x15000;
	[sflag:s18] =	ssyncadd.s32 $0xFFFFF800  }
0x5b: {  	[tilespmem:s5], [sflag:$0x5] =	stream.linear.gather [hbm4b:s25+s31], $0x800, $0x38;
	[tilespmem:$0x1D800] =	vst v63  }
0x5c: {  	_ =	swait.ge [sflag:s18], $0x800  }
0x5d: {  	[sflag:s18] =	ssyncset.done $0x0  }
0x5e: {  	s12 =	simm.s32 $0x0;
	s8 =	simm.s32 $0x15080;
	[sflag:s18] =	ssyncadd.s32 $0xFFFFF800  }
0x5f: {  	[tilespmem:s19], [sflag:$0x1] =	stream.indirect.gather [spmem:s3], $0x40, s20, s22, $0xb8;
	[tilespmem:$0x1D800] =	vst v63  }
.LBB2_5:
0x60: {  	p0 =	seq.s32 s12, $0x0  }
0x61: {  	s14 =	simm.s32 @!p0 $0x4  }
0x62: {  	_ =	swait.ge @!p0 [sflag:s14], $0x2000  }
0x63: {  	s13 =	sshll.u32 s12, $0x8;
	[sflag:s14] =	ssyncset.done @!p0 $0x0  }
0x64: {  	v2 =	vmov s5;
	s23 =	sadd.s32 $0x14080, s13;
	[sflag:s14] =	ssyncadd.s32 @!p0 $0xFFFFE000  }
0x65: {  	[tilespmem:s24], [sflag:$0x2] =	stream.indirect.gather [spmem:s3], $0x40, s23, s22, $0xb8;
	[tilespmem:$0x1D800] =	vst v63  }
0x66: {  	_ =	swait.ge [sflag:s26], $0x2000  }
0x67: {  	[sflag:s26] =	ssyncset.done $0x0  }
0x68: {  	s15 =	simm.s32 $0x0;
	[sflag:s26] =	ssyncadd.s32 $0xFFFFE000  }
0x69: {  	s14 =	simm.s32 $0x15C00;
	v4 =	vld.idx.msk [tilespmem:v2+s15+$0x0 ss:$0x1], $0xffff  }
0x6a: {  	v1 =	vld [tilespmem:s14+$0x3B0]  }
0x6b: {  	v5 =	vld [tilespmem:s14+$0xFFFFFC00]  }
0x6c: {  	v6 =	vld [tilespmem:s14+$0xFFFFFC10]  }
0x6d: {  	v7 =	vld [tilespmem:s14+$0xFFFFFC20]  }
0x6e: {  	v8 =	vld [tilespmem:s14+$0xFFFFFC30]  }
0x6f: {  	v9 =	vld [tilespmem:s14+$0xFFFFFC80]  }
0x70: {  	v10 =	vld [tilespmem:s14+$0xFFFFFC90]  }
0x71: {  	v11 =	vld [tilespmem:s14+$0xFFFFFCA0]  }
0x72: {  	v13 =	vld [tilespmem:s14+$0xFFFFFD00]  }
0x73: {  	v14 =	vld [tilespmem:s14+$0xFFFFFD10]  }
0x74: {  	v15 =	vld [tilespmem:s14+$0xFFFFFD20]  }
0x75: {  	v16 =	vld [tilespmem:s14+$0xFFFFFD30];
	v3 =	vbroadcast v4, $0xF  }
0x76: {  	v17 =	vld [tilespmem:s14+$0xFFFFFD80];
	v12 =	vbroadcast v4, $0x0  }
0x77: {  	v18 =	vld [tilespmem:s14+$0xFFFFFE90];
	v1 =	vmul.f32 v1, v3  }
0x78: {  	v26 =	vld [tilespmem:s14+$0xFFFFFEA0];
	v5 =	vmul.f32 v12, v5  }
0x79: {  	v31 =	vld [tilespmem:s14+$0xFFFFFEB0];
	v6 =	vmul.f32 v6, v12;
	[tilespmem:s14+$0x3B0] =	vst v1  }
0x7a: {  	v43 =	vld [tilespmem:s14+$0xFFFFFF10];
	v29 =	vbroadcast v4, $0x3;
	v8 =	vmul.f32 v8, v12;
	[tilespmem:s14+$0xFFFFFC00] =	vst v5  }
0x7b: {  	v1 =	vld [tilespmem:s14+$0xFFFFFCB0];
	v5 =	vmul.f32 v7, v12;
	[tilespmem:s14+$0xFFFFFC10] =	vst v6;
	v7 =	vbroadcast v4, $0x1  }
0x7c: {  	v17 =	vmul.f32 v17, v29;
	v6 =	vld [tilespmem:s14+$0xFFFFFD90];
	[tilespmem:s14+$0xFFFFFC30] =	vst v8  }
0x7d: {  	v12 =	vld [tilespmem:s14+$0xFFFFFDA0];
	[tilespmem:s14+$0xFFFFFC20] =	vst v5;
	v5 =	vmul.f32 v9, v7  }
0x7e: {  	v45 =	vld [tilespmem:s14+$0xFFFFFF20];
	[tilespmem:s14+$0xFFFFFD80] =	vst v17;
	v9 =	vmul.f32 v10, v7  }
0x7f: {  	v8 =	vld [tilespmem:s14+$0xFFFFFDB0];
	[tilespmem:s14+$0xFFFFFC80] =	vst v5;
	v5 =	vmul.f32 v11, v7  }
0x80: {  	v46 =	vld [tilespmem:s14+$0xFFFFFF30];
	[tilespmem:s14+$0xFFFFFC90] =	vst v9;
	v1 =	vmul.f32 v1, v7  }
0x81: {  	v47 =	vld [tilespmem:s14+$0xFFFFFF80];
	v11 =	vbroadcast v4, $0x2;
	v6 =	vmul.f32 v6, v29;
	[tilespmem:s14+$0xFFFFFCA0] =	vst v5  }
0x82: {  	v10 =	vld [tilespmem:s14+$0xFFFFFE00];
	v12 =	vmul.f32 v12, v29;
	[tilespmem:s14+$0xFFFFFCB0] =	vst v1  }
0x83: {  	v9 =	vld [tilespmem:s14+$0xFFFFFE10];
	v5 =	vmul.f32 v13, v11;
	[tilespmem:s14+$0xFFFFFD90] =	vst v6  }
0x84: {  	s25 =	simm.s32 $0x10;
	v7 =	vld [tilespmem:s14+$0xFFFFFE20];
	v8 =	vmul.f32 v8, v29;
	[tilespmem:s14+$0xFFFFFDA0] =	vst v12  }
0x85: {  	v15 =	vmul.f32 v15, v11;
	[tilespmem:s14+$0xFFFFFD00] =	vst v5;
	v5 =	vld.idx.msk [tilespmem:v2+s25+$0x0 ss:$0x1], $0xffff  }
0x86: {  	s15 =	simm.s32 $0x16400;
	v44 =	vbroadcast v4, $0x4;
	v13 =	vld [tilespmem:s14+$0xFFFFFE30];
	v1 =	vmul.f32 v14, v11;
	[tilespmem:s14+$0xFFFFFDB0] =	vst v8  }
0x87: {  	v19 =	vld [tilespmem:s15+$0x3B0];
	v11 =	vmul.f32 v16, v11;
	[tilespmem:s14+$0xFFFFFD20] =	vst v15  }
0x88: {  	v20 =	vld [tilespmem:s15+$0xFFFFFC00];
	v10 =	vmul.f32 v10, v44;
	[tilespmem:s14+$0xFFFFFD10] =	vst v1  }
0x89: {  	v21 =	vld [tilespmem:s15+$0xFFFFFC10];
	[tilespmem:s14+$0xFFFFFD30] =	vst v11;
	v9 =	vmul.f32 v9, v44  }
0x8a: {  	v22 =	vld [tilespmem:s15+$0xFFFFFC20];
	[tilespmem:s14+$0xFFFFFE00] =	vst v10;
	v7 =	vmul.f32 v7, v44;
	v1 =	vbroadcast v5, $0xF  }
0x8b: {  	v23 =	vld [tilespmem:s15+$0xFFFFFC30];
	[tilespmem:s14+$0xFFFFFE10] =	vst v9;
	v13 =	vmul.f32 v13, v44;
	v27 =	vbroadcast v5, $0x0  }
0x8c: {  	v24 =	vld [tilespmem:s15+$0xFFFFFC80];
	[tilespmem:s14+$0xFFFFFE20] =	vst v7;
	v19 =	vmul.f32 v19, v1  }
0x8d: {  	v25 =	vld [tilespmem:s15+$0xFFFFFC90];
	[tilespmem:s14+$0xFFFFFE30] =	vst v13;
	v20 =	vmul.f32 v27, v20  }
0x8e: {  	v15 =	vld [tilespmem:s15+$0xFFFFFCA0];
	v21 =	vmul.f32 v21, v27;
	[tilespmem:s15+$0x3B0] =	vst v19  }
0x8f: {  	v28 =	vld [tilespmem:s15+$0xFFFFFD00];
	v32 =	vbroadcast v5, $0x1;
	v22 =	vmul.f32 v22, v27;
	[tilespmem:s15+$0xFFFFFC00] =	vst v20  }
0x90: {  	v16 =	vld [tilespmem:s15+$0xFFFFFD10];
	v23 =	vmul.f32 v23, v27;
	[tilespmem:s15+$0xFFFFFC10] =	vst v21  }
0x91: {  	v30 =	vld [tilespmem:s15+$0xFFFFFD20];
	v24 =	vmul.f32 v24, v32;
	[tilespmem:s15+$0xFFFFFC20] =	vst v22  }
0x92: {  	v11 =	vld [tilespmem:s15+$0xFFFFFD30];
	v49 =	vbroadcast v5, $0x2;
	v25 =	vmul.f32 v25, v32;
	[tilespmem:s15+$0xFFFFFC30] =	vst v23  }
0x93: {  	v17 =	vld [tilespmem:s15+$0xFFFFFD80];
	v15 =	vmul.f32 v15, v32;
	[tilespmem:s15+$0xFFFFFC80] =	vst v24  }
0x94: {  	v6 =	vld [tilespmem:s15+$0xFFFFFD90];
	v28 =	vmul.f32 v28, v49;
	[tilespmem:s15+$0xFFFFFC90] =	vst v25  }
0x95: {  	v12 =	vld [tilespmem:s15+$0xFFFFFDA0];
	v16 =	vmul.f32 v16, v49;
	[tilespmem:s15+$0xFFFFFCA0] =	vst v15  }
0x96: {  	v8 =	vld [tilespmem:s15+$0xFFFFFDB0];
	v53 =	vbroadcast v5, $0x3;
	v30 =	vmul.f32 v30, v49;
	[tilespmem:s15+$0xFFFFFD00] =	vst v28  }
0x97: {  	v10 =	vld [tilespmem:s15+$0xFFFFFE00];
	v11 =	vmul.f32 v11, v49;
	[tilespmem:s15+$0xFFFFFD10] =	vst v16  }
0x98: {  	v9 =	vld [tilespmem:s15+$0xFFFFFE10];
	v17 =	vmul.f32 v17, v53;
	[tilespmem:s15+$0xFFFFFD20] =	vst v30  }
0x99: {  	v48 =	vld [tilespmem:s14+$0xFFFFFF90];
	v6 =	vmul.f32 v6, v53;
	[tilespmem:s15+$0xFFFFFD30] =	vst v11  }
0x9a: {  	v50 =	vld [tilespmem:s14+$0xFFFFFFA0];
	v58 =	vbroadcast v5, $0x4;
	v12 =	vmul.f32 v12, v53;
	[tilespmem:s15+$0xFFFFFD80] =	vst v17  }
0x9b: {  	v51 =	vld [tilespmem:s14+$0x0];
	v8 =	vmul.f32 v8, v53;
	[tilespmem:s15+$0xFFFFFD90] =	vst v6  }
0x9c: {  	v54 =	vbroadcast v4, $0x6;
	v7 =	vld [tilespmem:s15+$0xFFFFFE20];
	v10 =	vmul.f32 v10, v58;
	[tilespmem:s15+$0xFFFFFDA0] =	vst v12  }
0x9d: {  	v13 =	vld [tilespmem:s15+$0xFFFFFE30];
	v9 =	vmul.f32 v9, v58;
	[tilespmem:s15+$0xFFFFFDB0] =	vst v8  }
0x9e: {  	v14 =	vld [tilespmem:s14+$0xFFFFFE80];
	v17 =	vmul.f32 v43, v54;
	[tilespmem:s15+$0xFFFFFE00] =	vst v10  }
0x9f: {  	v52 =	vld [tilespmem:s14+$0x10];
	v6 =	vmul.f32 v45, v54;
	[tilespmem:s15+$0xFFFFFE10] =	vst v9  }
0xa0: {  	v55 =	vld [tilespmem:s14+$0x20];
	v23 =	vmul.f32 v46, v54;
	[tilespmem:s14+$0xFFFFFF10] =	vst v17  }
0xa1: {  	v56 =	vld [tilespmem:s14+$0x80];
	v15 =	vbroadcast v4, $0x5;
	v7 =	vmul.f32 v7, v58;
	[tilespmem:s14+$0xFFFFFF20] =	vst v6  }
0xa2: {  	v57 =	vld [tilespmem:s14+$0x90];
	v13 =	vmul.f32 v13, v58;
	[tilespmem:s14+$0xFFFFFF30] =	vst v23  }
0xa3: {  	v59 =	vld [tilespmem:s14+$0xA0];
	v14 =	vmul.f32 v14, v15;
	[tilespmem:s15+$0xFFFFFE20] =	vst v7  }
0xa4: {  	v61 =	vld [tilespmem:s14+$0xB0];
	v18 =	vmul.f32 v18, v15;
	[tilespmem:s15+$0xFFFFFE30] =	vst v13  }
0xa5: {  	v60 =	vld [tilespmem:s15+$0xFFFFFF30];
	v12 =	vbroadcast v4, $0x7;
	v16 =	vmul.f32 v26, v15;
	[tilespmem:s14+$0xFFFFFE80] =	vst v14  }
0xa6: {  	v62 =	vld [tilespmem:s14+$0x100];
	v15 =	vmul.f32 v31, v15;
	[tilespmem:s14+$0xFFFFFE90] =	vst v18  }
0xa7: {  	v19 =	vld [tilespmem:s15+$0xFFFFFCB0];
	v8 =	vmul.f32 v47, v12;
	[tilespmem:s14+$0xFFFFFEA0] =	vst v16  }
0xa8: {  	v40 =	vbroadcast v5, $0x6;
	v20 =	vld [tilespmem:s14+$0xFFFFFF00];
	v10 =	vmul.f32 v48, v12;
	[tilespmem:s14+$0xFFFFFEB0] =	vst v15  }
0xa9: {  	v17 =	vld [tilespmem:s15+$0xFFFFFF10];
	v9 =	vmul.f32 v50, v12;
	v7 =	vbroadcast v4, $0x8;
	[tilespmem:s14+$0xFFFFFF80] =	vst v8  }
0xaa: {  	v6 =	vld [tilespmem:s15+$0xFFFFFF20];
	v23 =	vmul.f32 v60, v40;
	[tilespmem:s14+$0xFFFFFF90] =	vst v10  }
0xab: {  	v14 =	vld [tilespmem:s15+$0xFFFFFE80];
	[tilespmem:s14+$0xFFFFFFA0] =	vst v9;
	v13 =	vmul.f32 v51, v7  }
0xac: {  	v18 =	vld [tilespmem:s15+$0xFFFFFE90];
	[tilespmem:s15+$0xFFFFFF30] =	vst v23;
	v19 =	vmul.f32 v19, v32  }
0xad: {  	v16 =	vld [tilespmem:s15+$0xFFFFFEA0];
	v11 =	vmul.f32 v20, v54;
	[tilespmem:s14+$0x0] =	vst v13  }
0xae: {  	v36 =	vbroadcast v5, $0x5;
	v15 =	vld [tilespmem:s15+$0xFFFFFEB0];
	[tilespmem:s15+$0xFFFFFCB0] =	vst v19;
	v17 =	vmul.f32 v17, v40  }
0xaf: {  	v8 =	vld [tilespmem:s15+$0xFFFFFF80];
	[tilespmem:s14+$0xFFFFFF00] =	vst v11;
	v6 =	vmul.f32 v6, v40  }
0xb0: {  	v10 =	vld [tilespmem:s15+$0xFFFFFF90];
	v14 =	vmul.f32 v14, v36;
	[tilespmem:s15+$0xFFFFFF10] =	vst v17  }
0xb1: {  	v9 =	vld [tilespmem:s15+$0xFFFFFFA0];
	v18 =	vmul.f32 v18, v36;
	[tilespmem:s15+$0xFFFFFF20] =	vst v6  }
0xb2: {  	v63 =	vld [tilespmem:s14+$0x110];
	v44 =	vbroadcast v5, $0x7;
	v16 =	vmul.f32 v16, v36;
	[tilespmem:s15+$0xFFFFFE80] =	vst v14  }
0xb3: {  	v37 =	vld [tilespmem:s14+$0x130];
	v15 =	vmul.f32 v15, v36;
	[tilespmem:s15+$0xFFFFFE90] =	vst v18  }
0xb4: {  	v20 =	vld [tilespmem:s14+$0x30];
	v8 =	vmul.f32 v8, v44;
	[tilespmem:s15+$0xFFFFFEA0] =	vst v16  }
0xb5: {  	v38 =	vld [tilespmem:s14+$0x180];
	v10 =	vmul.f32 v10, v44;
	[tilespmem:s15+$0xFFFFFEB0] =	vst v15  }
0xb6: {  	v39 =	vld [tilespmem:s14+$0x190];
	v9 =	vmul.f32 v9, v44;
	[tilespmem:s15+$0xFFFFFF80] =	vst v8  }
0xb7: {  	v13 =	vld [tilespmem:s15+$0x0];
	v14 =	vmul.f32 v52, v7;
	[tilespmem:s15+$0xFFFFFF90] =	vst v10  }
0xb8: {  	v19 =	vld [tilespmem:s14+$0xFFFFFFB0];
	v6 =	vbroadcast v4, $0xA;
	v18 =	vmul.f32 v55, v7;
	[tilespmem:s15+$0xFFFFFFA0] =	vst v9  }
0xb9: {  	v11 =	vld [tilespmem:s15+$0xFFFFFF00];
	v7 =	vmul.f32 v20, v7;
	[tilespmem:s14+$0x10] =	vst v14  }
0xba: {  	v41 =	vld [tilespmem:s14+$0x1B0];
	v50 =	vbroadcast v5, $0x8;
	v46 =	vmul.f32 v62, v6;
	[tilespmem:s14+$0x20] =	vst v18  }
0xbb: {  	v42 =	vld [tilespmem:s14+$0x200];
	v8 =	vmul.f32 v63, v6;
	[tilespmem:s14+$0x30] =	vst v7  }
0xbc: {  	v49 =	vld [tilespmem:s14+$0x280];
	v13 =	vmul.f32 v13, v50;
	[tilespmem:s14+$0x100] =	vst v46  }
0xbd: {  	v53 =	vld [tilespmem:s14+$0x300];
	v16 =	vbroadcast v4, $0x9;
	v12 =	vmul.f32 v19, v12;
	[tilespmem:s14+$0x110] =	vst v8  }
0xbe: {  	v43 =	vld [tilespmem:s14+$0x210];
	v11 =	vmul.f32 v11, v40;
	[tilespmem:s15+$0x0] =	vst v13  }
0xbf: {  	v9 =	vbroadcast v4, $0xB;
	v19 =	vld [tilespmem:s14+$0x120];
	v15 =	vmul.f32 v56, v16;
	[tilespmem:s14+$0xFFFFFFB0] =	vst v12  }
0xc0: {  	v45 =	vld [tilespmem:s14+$0x220];
	v17 =	vmul.f32 v59, v16;
	[tilespmem:s15+$0xFFFFFF00] =	vst v11  }
0xc1: {  	v14 =	vld [tilespmem:s15+$0x10];
	v13 =	vmul.f32 v39, v9;
	[tilespmem:s14+$0x80] =	vst v15  }
0xc2: {  	v18 =	vld [tilespmem:s15+$0x20];
	v11 =	vmul.f32 v57, v16;
	[tilespmem:s14+$0xA0] =	vst v17  }
0xc3: {  	v7 =	vld [tilespmem:s15+$0x30];
	v16 =	vmul.f32 v61, v16;
	[tilespmem:s14+$0x190] =	vst v13  }
0xc4: {  	v12 =	vld [tilespmem:s15+$0xFFFFFFB0];
	[tilespmem:s14+$0x90] =	vst v11;
	v10 =	vmul.f32 v19, v6  }
0xc5: {  	v20 =	vld [tilespmem:s14+$0x1A0];
	[tilespmem:s14+$0xB0] =	vst v16;
	v6 =	vmul.f32 v37, v6  }
0xc6: {  	v15 =	vld [tilespmem:s15+$0x80];
	v14 =	vmul.f32 v14, v50;
	[tilespmem:s14+$0x120] =	vst v10  }
0xc7: {  	v58 =	vld [tilespmem:s14+$0x380];
	v18 =	vmul.f32 v18, v50;
	[tilespmem:s14+$0x130] =	vst v6  }
0xc8: {  	v47 =	vld [tilespmem:s14+$0x230];
	v7 =	vmul.f32 v7, v50;
	[tilespmem:s15+$0x10] =	vst v14  }
0xc9: {  	v54 =	vbroadcast v5, $0x9;
	v11 =	vld [tilespmem:s15+$0x90];
	v12 =	vmul.f32 v12, v44;
	[tilespmem:s15+$0x20] =	vst v18  }
0xca: {  	v16 =	vld [tilespmem:s15+$0xB0];
	v14 =	vmul.f32 v20, v9;
	[tilespmem:s15+$0x30] =	vst v7  }
0xcb: {  	v48 =	vld [tilespmem:s15+$0x100];
	v15 =	vmul.f32 v15, v54;
	[tilespmem:s15+$0xFFFFFFB0] =	vst v12  }
0xcc: {  	v60 =	vld [tilespmem:s15+$0x230];
	v12 =	vmul.f32 v38, v9;
	[tilespmem:s14+$0x1A0] =	vst v14  }
0xcd: {  	v51 =	vld [tilespmem:s14+$0x2A0];
	v9 =	vmul.f32 v41, v9;
	[tilespmem:s15+$0x80] =	vst v15  }
0xce: {  	v17 =	vld [tilespmem:s15+$0xA0];
	v18 =	vbroadcast v4, $0xC;
	v11 =	vmul.f32 v11, v54;
	[tilespmem:s14+$0x180] =	vst v12  }
0xcf: {  	v52 =	vld [tilespmem:s14+$0x2B0];
	v16 =	vmul.f32 v16, v54;
	[tilespmem:s14+$0x1B0] =	vst v9  }
0xd0: {  	v55 =	vld [tilespmem:s14+$0x320];
	v7 =	vmul.f32 v42, v18;
	[tilespmem:s15+$0x90] =	vst v11  }
0xd1: {  	v8 =	vld [tilespmem:s15+$0x110];
	v15 =	vmul.f32 v43, v18;
	[tilespmem:s15+$0xB0] =	vst v16  }
0xd2: {  	v10 =	vld [tilespmem:s15+$0x120];
	v11 =	vmul.f32 v45, v18;
	v18 =	vmul.f32 v47, v18;
	[tilespmem:s14+$0x200] =	vst v7  }
0xd3: {  	v6 =	vld [tilespmem:s15+$0x130];
	v7 =	vmul.f32 v17, v54;
	[tilespmem:s14+$0x210] =	vst v15;
	v17 =	vbroadcast v5, $0xA  }
0xd4: {  	v62 =	vld [tilespmem:s15+$0x2B0];
	[tilespmem:s14+$0x220] =	vst v11  }
0xd5: {  	v19 =	vld [tilespmem:s14+$0x290];
	[tilespmem:s14+$0x230] =	vst v18;
	v22 =	vmul.f32 v48, v17  }
0xd6: {  	v56 =	vld [tilespmem:s15+$0x1B0];
	[tilespmem:s15+$0xA0] =	vst v7;
	v8 =	vmul.f32 v8, v17  }
0xd7: {  	v59 =	vld [tilespmem:s14+$0x390];
	v7 =	vbroadcast v4, $0xD;
	v10 =	vmul.f32 v10, v17;
	[tilespmem:s15+$0x100] =	vst v22  }
0xd8: {  	v13 =	vld [tilespmem:s15+$0x190];
	v6 =	vmul.f32 v6, v17;
	[tilespmem:s15+$0x110] =	vst v8  }
0xd9: {  	v20 =	vld [tilespmem:s14+$0x310];
	v16 =	vmul.f32 v49, v7;
	[tilespmem:s15+$0x120] =	vst v10  }
0xda: {  	v12 =	vld [tilespmem:s15+$0x180];
	v19 =	vmul.f32 v19, v7;
	[tilespmem:s15+$0x130] =	vst v6  }
0xdb: {  	v9 =	vld [tilespmem:s14+$0x330];
	v4 =	vbroadcast v4, $0xE;
	v8 =	vmul.f32 v51, v7;
	[tilespmem:s14+$0x280] =	vst v16  }
0xdc: {  	v57 =	vld [tilespmem:s15+$0x200];
	v7 =	vmul.f32 v52, v7;
	[tilespmem:s14+$0x290] =	vst v19  }
0xdd: {  	v61 =	vbroadcast v5, $0xB;
	v14 =	vld [tilespmem:s15+$0x1A0];
	v6 =	vmul.f32 v53, v4;
	[tilespmem:s14+$0x2A0] =	vst v8  }
0xde: {  	v15 =	vld [tilespmem:s15+$0x210];
	v10 =	vmul.f32 v20, v4;
	[tilespmem:s14+$0x2B0] =	vst v7  }
0xdf: {  	v18 =	vld [tilespmem:s14+$0x3A0];
	v20 =	vbroadcast v5, $0xD;
	v8 =	vmul.f32 v12, v61;
	[tilespmem:s14+$0x300] =	vst v6  }
0xe0: {  	v11 =	vld [tilespmem:s15+$0x220];
	v12 =	vmul.f32 v13, v61;
	v13 =	vmul.f32 v9, v4;
	[tilespmem:s14+$0x310] =	vst v10  }
0xe1: {  	v17 =	vld [tilespmem:s15+$0x2A0];
	v6 =	vmul.f32 v58, v3;
	[tilespmem:s15+$0x180] =	vst v8;
	v8 =	vmul.f32 v55, v4  }
0xe2: {  	v16 =	vld [tilespmem:s15+$0x280];
	v4 =	vmul.f32 v14, v61;
	[tilespmem:s15+$0x190] =	vst v12;
	v12 =	vbroadcast v5, $0xC  }
0xe3: {  	v19 =	vld [tilespmem:s15+$0x290];
	v5 =	vbroadcast v5, $0xE;
	v14 =	vmul.f32 v56, v61;
	[tilespmem:s14+$0x330] =	vst v13  }
0xe4: {  	v7 =	vld [tilespmem:s15+$0x300];
	[tilespmem:s15+$0x1A0] =	vst v4;
	v4 =	vmul.f32 v59, v3;
	v3 =	vmul.f32 v18, v3  }
0xe5: {  	v9 =	vld [tilespmem:s15+$0x310];
	[tilespmem:s14+$0x320] =	vst v8;
	v63 =	vmul.f32 v57, v12;
	v8 =	vmul.f32 v15, v12  }
0xe6: {  	v10 =	vld [tilespmem:s15+$0x320];
	[tilespmem:s14+$0x380] =	vst v6;
	v18 =	vmul.f32 v11, v12;
	v15 =	vmul.f32 v60, v12  }
0xe7: {  	s16 =	sshll.u32 s12, $0xA;
	s17 =	simm.s32 $0x16400;
	[tilespmem:s15+$0x1B0] =	vst v14;
	v11 =	vld [tilespmem:s15+$0x330];
	v14 =	vmul.f32 v17, v20;
	v12 =	vmul.f32 v16, v20  }
0xe8: {  	s13 =	sor.u32 $0x80, s13;
	s23 =	simm.s32 $0xC0;
	s25 =	simm.s32 $0x20;
	v17 =	vld [tilespmem:s15+$0x380];
	v13 =	vmul.f32 v19, v20;
	v16 =	vmul.f32 v62, v20;
	[tilespmem:s15+$0x200] =	vst v63  }
.LBB2_6:
0xe9: {  	p0 =	sne.s32 s23, $0x1C0;
	v19 =	vld.idx.msk [tilespmem:v2+s25+$0x0 ss:$0x1], $0xffff;
	[tilespmem:s15+$0x210] =	vst v8;
	v6 =	vmul.f32 v7, v5  }
0xea: {  	[tilespmem:s15+$0x220] =	vst v18;
	v7 =	vmul.f32 v9, v5;
	v18 =	vld [tilespmem:s15+$0x390]  }
0xeb: {  	s15 =	sadd.s32 $0x800, s15;
	[tilespmem:s17+$0x230] =	vst v15;
	v8 =	vmul.f32 v10, v5;
	v15 =	vld [tilespmem:s17+$0x3A0]  }
0xec: {  	v9 =	vld [tilespmem:s15+$0x3B0];
	[tilespmem:s17+$0x280] =	vst v12;
	v5 =	vmul.f32 v11, v5  }
0xed: {  	v20 =	vld [tilespmem:s15+$0xFFFFFC00];
	[tilespmem:s17+$0x290] =	vst v13;
	v13 =	vmul.f32 v17, v1  }
0xee: {  	v17 =	vld [tilespmem:s15+$0xFFFFFC10];
	[tilespmem:s17+$0x2A0] =	vst v14  }
0xef: {  	v14 =	vbroadcast v19, $0x0;
	v22 =	vbroadcast v19, $0xF;
	v21 =	vld [tilespmem:s15+$0xFFFFFC20];
	[tilespmem:s17+$0x2B0] =	vst v16  }
0xf0: {  	v23 =	vbroadcast v19, $0x1;
	v24 =	vbroadcast v19, $0x2;
	v16 =	vld [tilespmem:s15+$0xFFFFFC30];
	[tilespmem:s17+$0x300] =	vst v6  }
0xf1: {  	v26 =	vbroadcast v19, $0x3;
	v25 =	vld [tilespmem:s15+$0xFFFFFC80];
	v6 =	vmul.f32 v9, v22;
	[tilespmem:s17+$0x310] =	vst v7  }
0xf2: {  	v28 =	vbroadcast v19, $0x4;
	v29 =	vbroadcast v19, $0x5;
	v27 =	vld [tilespmem:s15+$0xFFFFFC90];
	[tilespmem:s17+$0x320] =	vst v8  }
0xf3: {  	v31 =	vbroadcast v19, $0x6;
	v12 =	vbroadcast v19, $0x7;
	v30 =	vld [tilespmem:s15+$0xFFFFFCA0];
	[tilespmem:s15+$0x3B0] =	vst v6  }
0xf4: {  	v11 =	vbroadcast v19, $0x8;
	v10 =	vbroadcast v19, $0x9;
	v32 =	vld [tilespmem:s15+$0xFFFFFCB0];
	[tilespmem:s17+$0x330] =	vst v5  }
0xf5: {  	v9 =	vbroadcast v19, $0xA;
	v8 =	vbroadcast v19, $0xB;
	v33 =	vld [tilespmem:s15+$0xFFFFFD00];
	[tilespmem:s17+$0x380] =	vst v13  }
0xf6: {  	v7 =	vbroadcast v19, $0xC;
	v6 =	vbroadcast v19, $0xD;
	v13 =	vld [tilespmem:s15+$0xFFFFFD10];
	[tilespmem:s14+$0x390] =	vst v4  }
0xf7: {  	v5 =	vbroadcast v19, $0xE;
	v4 =	vmul.f32 v14, v20;
	v20 =	vld [tilespmem:s15+$0xFFFFFD20];
	[tilespmem:s14+$0x3A0] =	vst v3;
	s14 =	smov.u32 s17;
	s17 =	smov.u32 s15  }
0xf8: {  	v3 =	vmul.f32 v17, v14;
	v17 =	vmul.f32 v21, v14;
	v19 =	vld [tilespmem:s15+$0xFFFFFD30]  }
0xf9: {  	[tilespmem:s15+$0xFFFFFC00] =	vst v4;
	v4 =	vmul.f32 v16, v14;
	v14 =	vmul.f32 v25, v23;
	v16 =	vld [tilespmem:s15+$0xFFFFFD80]  }
0xfa: {  	v21 =	vmul.f32 v30, v23;
	[tilespmem:s15+$0xFFFFFC10] =	vst v3;
	v3 =	vmul.f32 v27, v23;
	v25 =	vld [tilespmem:s15+$0xFFFFFD90]  }
0xfb: {  	[tilespmem:s15+$0xFFFFFC20] =	vst v17;
	v17 =	vmul.f32 v32, v23;
	v23 =	vmul.f32 v33, v24;
	v27 =	vld [tilespmem:s15+$0xFFFFFDA0]  }
0xfc: {  	v13 =	vmul.f32 v13, v24;
	[tilespmem:s15+$0xFFFFFC30] =	vst v4;
	v20 =	vmul.f32 v20, v24;
	v30 =	vld [tilespmem:s15+$0xFFFFFDB0]  }
0xfd: {  	v4 =	vmul.f32 v18, v1;
	[tilespmem:s15+$0xFFFFFC80] =	vst v14;
	v14 =	vmul.f32 v19, v24;
	v19 =	vld [tilespmem:s15+$0xFFFFFE00]  }
0xfe: {  	[tilespmem:s15+$0xFFFFFC90] =	vst v3;
	v16 =	vmul.f32 v16, v26;
	v18 =	vld [tilespmem:s15+$0xFFFFFE10];
	v3 =	vmul.f32 v15, v1;
	v1 =	vmov v22  }
0xff: {  	[tilespmem:s15+$0xFFFFFCA0] =	vst v21;
	v15 =	vmul.f32 v25, v26;
	v21 =	vld [tilespmem:s15+$0xFFFFFE20]  }
0x100: {  	[tilespmem:s15+$0xFFFFFCB0] =	vst v17;
	v17 =	vmul.f32 v27, v26;
	v22 =	vld [tilespmem:s15+$0xFFFFFE30]  }
0x101: {  	[tilespmem:s15+$0xFFFFFD00] =	vst v23;
	v23 =	vmul.f32 v30, v26;
	v24 =	vld [tilespmem:s15+$0xFFFFFE80]  }
0x102: {  	[tilespmem:s15+$0xFFFFFD10] =	vst v13;
	v13 =	vmul.f32 v19, v28;
	v19 =	vld [tilespmem:s15+$0xFFFFFE90]  }
0x103: {  	[tilespmem:s15+$0xFFFFFD20] =	vst v20;
	v18 =	vmul.f32 v18, v28;
	v20 =	vld [tilespmem:s15+$0xFFFFFEA0]  }
0x104: {  	[tilespmem:s15+$0xFFFFFD30] =	vst v14;
	v14 =	vmul.f32 v21, v28;
	v21 =	vld [tilespmem:s15+$0xFFFFFEB0]  }
0x105: {  	[tilespmem:s15+$0xFFFFFD80] =	vst v16;
	v16 =	vmul.f32 v22, v28;
	v22 =	vld [tilespmem:s15+$0xFFFFFF00]  }
0x106: {  	[tilespmem:s15+$0xFFFFFD90] =	vst v15;
	v15 =	vmul.f32 v24, v29;
	v24 =	vld [tilespmem:s15+$0xFFFFFF10]  }
0x107: {  	[tilespmem:s15+$0xFFFFFDA0] =	vst v17;
	v17 =	vmul.f32 v19, v29;
	v19 =	vld [tilespmem:s15+$0xFFFFFF20]  }
0x108: {  	[tilespmem:s15+$0xFFFFFDB0] =	vst v23;
	v20 =	vmul.f32 v20, v29;
	v23 =	vld [tilespmem:s15+$0xFFFFFF30]  }
0x109: {  	[tilespmem:s15+$0xFFFFFE00] =	vst v13;
	v13 =	vmul.f32 v21, v29;
	v21 =	vld [tilespmem:s15+$0xFFFFFF80]  }
0x10a: {  	[tilespmem:s15+$0xFFFFFE10] =	vst v18;
	v18 =	vmul.f32 v22, v31;
	v22 =	vld [tilespmem:s15+$0xFFFFFF90]  }
0x10b: {  	[tilespmem:s15+$0xFFFFFE20] =	vst v14;
	v14 =	vmul.f32 v24, v31;
	v24 =	vld [tilespmem:s15+$0xFFFFFFA0]  }
0x10c: {  	[tilespmem:s15+$0xFFFFFE30] =	vst v16;
	v16 =	vmul.f32 v19, v31;
	v19 =	vld [tilespmem:s15+$0xFFFFFFB0]  }
0x10d: {  	[tilespmem:s15+$0xFFFFFE80] =	vst v15;
	v15 =	vmul.f32 v23, v31;
	v23 =	vld [tilespmem:s15+$0x0]  }
0x10e: {  	[tilespmem:s15+$0xFFFFFE90] =	vst v17;
	v17 =	vmul.f32 v21, v12;
	v21 =	vld [tilespmem:s15+$0x10]  }
0x10f: {  	[tilespmem:s15+$0xFFFFFEA0] =	vst v20;
	v20 =	vmul.f32 v22, v12;
	v22 =	vld [tilespmem:s15+$0x20]  }
0x110: {  	[tilespmem:s15+$0xFFFFFEB0] =	vst v13;
	v13 =	vmul.f32 v24, v12;
	v24 =	vld [tilespmem:s15+$0x30]  }
0x111: {  	[tilespmem:s15+$0xFFFFFF00] =	vst v18;
	v12 =	vmul.f32 v19, v12;
	v18 =	vld [tilespmem:s15+$0x80]  }
0x112: {  	[tilespmem:s15+$0xFFFFFF10] =	vst v14;
	v14 =	vmul.f32 v23, v11;
	v19 =	vld [tilespmem:s15+$0x90]  }
0x113: {  	[tilespmem:s15+$0xFFFFFF20] =	vst v16;
	v16 =	vmul.f32 v21, v11;
	v21 =	vld [tilespmem:s15+$0xA0]  }
0x114: {  	[tilespmem:s15+$0xFFFFFF30] =	vst v15;
	v15 =	vmul.f32 v22, v11;
	v22 =	vld [tilespmem:s15+$0xB0]  }
0x115: {  	[tilespmem:s15+$0xFFFFFF80] =	vst v17;
	v11 =	vmul.f32 v24, v11;
	v17 =	vld [tilespmem:s15+$0x100]  }
0x116: {  	[tilespmem:s15+$0xFFFFFF90] =	vst v20;
	v18 =	vmul.f32 v18, v10;
	v20 =	vld [tilespmem:s15+$0x110]  }
0x117: {  	[tilespmem:s15+$0xFFFFFFA0] =	vst v13;
	v13 =	vmul.f32 v19, v10;
	v19 =	vld [tilespmem:s15+$0x120]  }
0x118: {  	[tilespmem:s15+$0xFFFFFFB0] =	vst v12;
	v12 =	vmul.f32 v21, v10;
	v21 =	vld [tilespmem:s15+$0x130]  }
0x119: {  	[tilespmem:s15+$0x0] =	vst v14;
	v10 =	vmul.f32 v22, v10;
	v14 =	vld [tilespmem:s15+$0x180]  }
0x11a: {  	[tilespmem:s15+$0x10] =	vst v16;
	v16 =	vmul.f32 v17, v9;
	v17 =	vld [tilespmem:s15+$0x190]  }
0x11b: {  	[tilespmem:s15+$0x20] =	vst v15;
	v15 =	vmul.f32 v20, v9;
	v20 =	vld [tilespmem:s15+$0x1A0]  }
0x11c: {  	[tilespmem:s15+$0x30] =	vst v11;
	v11 =	vmul.f32 v19, v9;
	v19 =	vld [tilespmem:s15+$0x1B0]  }
0x11d: {  	[tilespmem:s15+$0x80] =	vst v18;
	v9 =	vmul.f32 v21, v9;
	v18 =	vld [tilespmem:s15+$0x200]  }
0x11e: {  	[tilespmem:s15+$0x90] =	vst v13;
	v13 =	vmul.f32 v14, v8;
	v14 =	vld [tilespmem:s15+$0x210]  }
0x11f: {  	[tilespmem:s15+$0xA0] =	vst v12;
	v12 =	vmul.f32 v17, v8;
	v17 =	vld [tilespmem:s15+$0x220]  }
0x120: {  	[tilespmem:s15+$0xB0] =	vst v10;
	v10 =	vmul.f32 v20, v8;
	v20 =	vld [tilespmem:s15+$0x230]  }
0x121: {  	[tilespmem:s15+$0x100] =	vst v16;
	v16 =	vmul.f32 v19, v8;
	v19 =	vld [tilespmem:s15+$0x280]  }
0x122: {  	[tilespmem:s15+$0x110] =	vst v15;
	v21 =	vmul.f32 v18, v7;
	v22 =	vld [tilespmem:s15+$0x290]  }
0x123: {  	[tilespmem:s15+$0x120] =	vst v11;
	v8 =	vmul.f32 v14, v7;
	v11 =	vld [tilespmem:s15+$0x2A0]  }
0x124: {  	[tilespmem:s15+$0x130] =	vst v9;
	v18 =	vmul.f32 v17, v7;
	v17 =	vld [tilespmem:s15+$0x2B0]  }
.Ltmp5:
0x125: {  	[tilespmem:s15+$0x180] =	vst v13;
	v15 =	vmul.f32 v20, v7;
	v7 =	vld [tilespmem:s15+$0x300];
	(pc) =	sbr.rel @p0 .LBB2_6-.Ltmp5, $4  }
0x126: {  	[tilespmem:s15+$0x190] =	vst v12;
	v12 =	vmul.f32 v19, v6;
	v9 =	vld [tilespmem:s15+$0x310]  }
0x127: {  	[tilespmem:s15+$0x1A0] =	vst v10;
	v13 =	vmul.f32 v22, v6;
	v10 =	vld [tilespmem:s15+$0x320]  }
0x128: {  	[tilespmem:s15+$0x1B0] =	vst v16;
	v14 =	vmul.f32 v11, v6;
	v11 =	vld [tilespmem:s15+$0x330]  }
0x129: {  	s25 =	sshra.s32 s23, $0x2;
	s23 =	sadd.s32 $0x40, s23;
	[tilespmem:s15+$0x200] =	vst v21;
	v16 =	vmul.f32 v17, v6;
	v17 =	vld [tilespmem:s15+$0x380]  }
0x12a: {  	[tilespmem:s15+$0x210] =	vst v8  }
0x12b: {  	[tilespmem:s15+$0x220] =	vst v18  }
0x12c: {  	[tilespmem:s14+$0x390] =	vst v4  }
0x12d: {  	v6 =	vld [tilespmem:s15+$0x390];
	[tilespmem:s14+$0x3A0] =	vst v3  }
0x12e: {  	v8 =	vld.idx.msk [tilespmem:v2+s25+$0x0 ss:$0x1], $0xffff;
	[tilespmem:s17+$0x230] =	vst v15  }
0x12f: {  	s25 =	sadd.s32 $0x800, s15;
	[tilespmem:s17+$0x280] =	vst v12  }
0x130: {  	v15 =	vld [tilespmem:s25+$0x3B0];
	[tilespmem:s17+$0x290] =	vst v13  }
0x131: {  	v12 =	vmul.f32 v7, v5;
	[tilespmem:s17+$0x2A0] =	vst v14  }
0x132: {  	v2 =	vld [tilespmem:s17+$0x3A0];
	v9 =	vmul.f32 v9, v5;
	[tilespmem:s17+$0x2B0] =	vst v16  }
0x133: {  	v14 =	vld [tilespmem:s25+$0xFFFFFC30];
	v10 =	vmul.f32 v10, v5;
	[tilespmem:s17+$0x300] =	vst v12;
	v7 =	vbroadcast v8, $0xF  }
0x134: {  	v12 =	vld [tilespmem:s25+$0xFFFFFC00];
	[tilespmem:s17+$0x310] =	vst v9;
	v5 =	vmul.f32 v11, v5  }
0x135: {  	v9 =	vld [tilespmem:s25+$0xFFFFFC10];
	[tilespmem:s17+$0x320] =	vst v10;
	v13 =	vmul.f32 v15, v7  }
0x136: {  	v11 =	vld [tilespmem:s25+$0xFFFFFC20];
	v10 =	vmul.f32 v17, v1;
	[tilespmem:s17+$0x330] =	vst v5  }
0x137: {  	v5 =	vld [tilespmem:s25+$0xFFFFFC80];
	v6 =	vmul.f32 v6, v1;
	[tilespmem:s25+$0x3B0] =	vst v13;
	v13 =	vbroadcast v8, $0x0  }
0x138: {  	[tilespmem:s17+$0x380] =	vst v10;
	v10 =	vld [tilespmem:s25+$0xFFFFFC90];
	v1 =	vmul.f32 v2, v1  }
0x139: {  	v15 =	vld [tilespmem:s25+$0xFFFFFCB0];
	[tilespmem:s17+$0x390] =	vst v6;
	v4 =	vmul.f32 v13, v12  }
0x13a: {  	[tilespmem:s17+$0x3A0] =	vst v1;
	v12 =	vld [tilespmem:s25+$0xFFFFFCA0];
	v3 =	vmul.f32 v9, v13;
	v9 =	vbroadcast v8, $0x1  }
0x13b: {  	v11 =	vmul.f32 v11, v13;
	v13 =	vmul.f32 v14, v13;
	v14 =	vld [tilespmem:s25+$0xFFFFFD30];
	[tilespmem:s25+$0xFFFFFC00] =	vst v4  }
0x13c: {  	v4 =	vld [tilespmem:s25+$0xFFFFFD00];
	[tilespmem:s25+$0xFFFFFC10] =	vst v3  }
0x13d: {  	v3 =	vld [tilespmem:s25+$0xFFFFFD10];
	v5 =	vmul.f32 v5, v9;
	[tilespmem:s25+$0xFFFFFC20] =	vst v11  }
0x13e: {  	v11 =	vld [tilespmem:s25+$0xFFFFFD20];
	v10 =	vmul.f32 v10, v9;
	[tilespmem:s25+$0xFFFFFC30] =	vst v13  }
0x13f: {  	v13 =	vbroadcast v8, $0x2;
	[tilespmem:s25+$0xFFFFFC80] =	vst v5;
	v5 =	vld [tilespmem:s25+$0xFFFFFD80];
	v12 =	vmul.f32 v12, v9  }
0x140: {  	[tilespmem:s25+$0xFFFFFC90] =	vst v10;
	v10 =	vld [tilespmem:s25+$0xFFFFFD90];
	v9 =	vmul.f32 v15, v9  }
0x141: {  	v15 =	vld [tilespmem:s25+$0xFFFFFDB0];
	v4 =	vmul.f32 v4, v13;
	[tilespmem:s25+$0xFFFFFCA0] =	vst v12  }
0x142: {  	v12 =	vld [tilespmem:s25+$0xFFFFFDA0];
	v3 =	vmul.f32 v3, v13;
	[tilespmem:s25+$0xFFFFFCB0] =	vst v9;
	v9 =	vbroadcast v8, $0x3  }
0x143: {  	v11 =	vmul.f32 v11, v13;
	[tilespmem:s25+$0xFFFFFD00] =	vst v4;
	v4 =	vmul.f32 v14, v13;
	v13 =	vld [tilespmem:s25+$0xFFFFFE00]  }
0x144: {  	[tilespmem:s25+$0xFFFFFD10] =	vst v3;
	v3 =	vmul.f32 v5, v9;
	v5 =	vld [tilespmem:s25+$0xFFFFFE10]  }
0x145: {  	[tilespmem:s25+$0xFFFFFD20] =	vst v11;
	v11 =	vld [tilespmem:s25+$0xFFFFFE20]  }
0x146: {  	v10 =	vmul.f32 v10, v9;
	v14 =	vld [tilespmem:s25+$0xFFFFFE30];
	[tilespmem:s25+$0xFFFFFD30] =	vst v4  }
0x147: {  	v4 =	vbroadcast v8, $0x4;
	[tilespmem:s25+$0xFFFFFD80] =	vst v3;
	v3 =	vmul.f32 v15, v9;
	v15 =	vld [tilespmem:s25+$0xFFFFFEB0]  }
0x148: {  	[tilespmem:s25+$0xFFFFFD90] =	vst v10;
	v12 =	vmul.f32 v12, v9;
	v9 =	vld [tilespmem:s25+$0xFFFFFE80]  }
0x149: {  	[tilespmem:s25+$0xFFFFFDB0] =	vst v3;
	v10 =	vmul.f32 v13, v4;
	v13 =	vld [tilespmem:s25+$0xFFFFFE90]  }
0x14a: {  	v3 =	vbroadcast v8, $0x5;
	[tilespmem:s25+$0xFFFFFDA0] =	vst v12;
	v5 =	vmul.f32 v5, v4;
	v12 =	vld [tilespmem:s25+$0xFFFFFEA0]  }
0x14b: {  	v11 =	vmul.f32 v11, v4;
	v4 =	vmul.f32 v14, v4;
	v14 =	vld [tilespmem:s25+$0xFFFFFF30];
	[tilespmem:s25+$0xFFFFFE00] =	vst v10  }
0x14c: {  	v10 =	vld [tilespmem:s25+$0xFFFFFF00];
	[tilespmem:s25+$0xFFFFFE10] =	vst v5  }
0x14d: {  	[tilespmem:s25+$0xFFFFFE20] =	vst v11;
	v5 =	vmul.f32 v9, v3;
	v9 =	vld [tilespmem:s25+$0xFFFFFF10]  }
0x14e: {  	[tilespmem:s25+$0xFFFFFE30] =	vst v4;
	v11 =	vmul.f32 v13, v3;
	v13 =	vld [tilespmem:s25+$0xFFFFFF20]  }
0x14f: {  	v4 =	vbroadcast v8, $0x6;
	v12 =	vmul.f32 v12, v3;
	[tilespmem:s25+$0xFFFFFE80] =	vst v5;
	v5 =	vld [tilespmem:s25+$0xFFFFFF80]  }
0x150: {  	v3 =	vmul.f32 v15, v3;
	v15 =	vld [tilespmem:s25+$0xFFFFFFB0];
	[tilespmem:s25+$0xFFFFFE90] =	vst v11  }
0x151: {  	v10 =	vmul.f32 v10, v4;
	v11 =	vld [tilespmem:s25+$0xFFFFFF90];
	[tilespmem:s25+$0xFFFFFEA0] =	vst v12  }
0x152: {  	v12 =	vld [tilespmem:s25+$0xFFFFFFA0];
	[tilespmem:s25+$0xFFFFFEB0] =	vst v3;
	v9 =	vmul.f32 v9, v4  }
0x153: {  	v3 =	vbroadcast v8, $0x7;
	[tilespmem:s25+$0xFFFFFF00] =	vst v10;
	v10 =	vld [tilespmem:s25+$0x0];
	v13 =	vmul.f32 v13, v4  }
0x154: {  	v4 =	vmul.f32 v14, v4;
	[tilespmem:s25+$0xFFFFFF10] =	vst v9;
	v9 =	vld [tilespmem:s25+$0x10]  }
0x155: {  	v5 =	vmul.f32 v5, v3;
	v14 =	vld [tilespmem:s25+$0x30];
	[tilespmem:s25+$0xFFFFFF20] =	vst v13  }
0x156: {  	v11 =	vmul.f32 v11, v3;
	v13 =	vld [tilespmem:s25+$0x20];
	[tilespmem:s25+$0xFFFFFF30] =	vst v4  }
0x157: {  	v4 =	vbroadcast v8, $0x8;
	v12 =	vmul.f32 v12, v3;
	[tilespmem:s25+$0xFFFFFF80] =	vst v5;
	v5 =	vld [tilespmem:s25+$0x80]  }
0x158: {  	v3 =	vmul.f32 v15, v3;
	v15 =	vld [tilespmem:s25+$0xB0];
	[tilespmem:s25+$0xFFFFFF90] =	vst v11  }
0x159: {  	v10 =	vmul.f32 v10, v4;
	v11 =	vld [tilespmem:s25+$0x90];
	[tilespmem:s25+$0xFFFFFFA0] =	vst v12  }
0x15a: {  	v12 =	vld [tilespmem:s25+$0xA0];
	[tilespmem:s25+$0xFFFFFFB0] =	vst v3;
	v9 =	vmul.f32 v9, v4  }
0x15b: {  	v3 =	vbroadcast v8, $0x9;
	[tilespmem:s25+$0x0] =	vst v10;
	v10 =	vld [tilespmem:s25+$0x100];
	v13 =	vmul.f32 v13, v4  }
0x15c: {  	v4 =	vmul.f32 v14, v4;
	[tilespmem:s25+$0x10] =	vst v9;
	v9 =	vld [tilespmem:s25+$0x110]  }
0x15d: {  	v5 =	vmul.f32 v5, v3;
	v14 =	vld [tilespmem:s25+$0x130];
	[tilespmem:s25+$0x20] =	vst v13  }
0x15e: {  	v11 =	vmul.f32 v11, v3;
	v13 =	vld [tilespmem:s25+$0x120];
	[tilespmem:s25+$0x30] =	vst v4  }
0x15f: {  	v4 =	vbroadcast v8, $0xA;
	v12 =	vmul.f32 v12, v3;
	[tilespmem:s25+$0x80] =	vst v5;
	v5 =	vld [tilespmem:s25+$0x180]  }
0x160: {  	v3 =	vmul.f32 v15, v3;
	v15 =	vld [tilespmem:s25+$0x1B0];
	[tilespmem:s25+$0x90] =	vst v11  }
0x161: {  	v10 =	vmul.f32 v10, v4;
	v11 =	vld [tilespmem:s25+$0x190];
	[tilespmem:s25+$0xA0] =	vst v12  }
0x162: {  	v12 =	vld [tilespmem:s25+$0x1A0];
	[tilespmem:s25+$0xB0] =	vst v3;
	v9 =	vmul.f32 v9, v4  }
0x163: {  	v3 =	vbroadcast v8, $0xB;
	[tilespmem:s25+$0x100] =	vst v10;
	v10 =	vld [tilespmem:s25+$0x200];
	v13 =	vmul.f32 v13, v4  }
0x164: {  	v4 =	vmul.f32 v14, v4;
	[tilespmem:s25+$0x110] =	vst v9;
	v9 =	vld [tilespmem:s25+$0x210]  }
0x165: {  	v5 =	vmul.f32 v5, v3;
	v14 =	vld [tilespmem:s25+$0x230];
	[tilespmem:s25+$0x120] =	vst v13  }
0x166: {  	v11 =	vmul.f32 v11, v3;
	v13 =	vld [tilespmem:s25+$0x220];
	[tilespmem:s25+$0x130] =	vst v4  }
0x167: {  	v4 =	vbroadcast v8, $0xC;
	v12 =	vmul.f32 v12, v3;
	[tilespmem:s25+$0x180] =	vst v5;
	v5 =	vld [tilespmem:s25+$0x280]  }
0x168: {  	v3 =	vmul.f32 v15, v3;
	v15 =	vld [tilespmem:s25+$0x2B0];
	[tilespmem:s25+$0x190] =	vst v11  }
0x169: {  	v10 =	vmul.f32 v10, v4;
	[tilespmem:s25+$0x1A0] =	vst v12;
	v12 =	vld [tilespmem:s25+$0x2A0]  }
0x16a: {  	v11 =	vld [tilespmem:s25+$0x290];
	[tilespmem:s25+$0x1B0] =	vst v3;
	v9 =	vmul.f32 v9, v4  }
0x16b: {  	v3 =	vbroadcast v8, $0xD;
	[tilespmem:s25+$0x200] =	vst v10;
	v10 =	vld [tilespmem:s25+$0x300];
	v13 =	vmul.f32 v13, v4  }
0x16c: {  	v4 =	vmul.f32 v14, v4;
	[tilespmem:s25+$0x210] =	vst v9  }
0x16d: {  	v5 =	vmul.f32 v5, v3;
	v9 =	vld [tilespmem:s25+$0x310];
	[tilespmem:s25+$0x220] =	vst v13  }
0x16e: {  	v13 =	vld [tilespmem:s25+$0x320];
	[tilespmem:s25+$0x230] =	vst v4;
	v4 =	vbroadcast v8, $0xE;
	v8 =	vmul.f32 v12, v3  }
0x16f: {  	v11 =	vmul.f32 v11, v3;
	v12 =	vld [tilespmem:s25+$0x330];
	[tilespmem:s25+$0x280] =	vst v5;
	v3 =	vmul.f32 v15, v3  }
0x170: {  	v5 =	vld [tilespmem:s25+$0x380];
	v10 =	vmul.f32 v10, v4;
	[tilespmem:s25+$0x2A0] =	vst v8  }
0x171: {  	[tilespmem:s25+$0x2B0] =	vst v3;
	v3 =	vld [tilespmem:s25+$0x390]  }
0x172: {  	v8 =	vmul.f32 v9, v4;
	[tilespmem:s25+$0x300] =	vst v10;
	v10 =	vld [tilespmem:s25+$0x3A0]  }
0x173: {  	[tilespmem:s25+$0x290] =	vst v11;
	v9 =	vmul.f32 v13, v4  }
0x174: {  	v4 =	vmul.f32 v12, v4;
	[tilespmem:s25+$0x310] =	vst v8  }
0x175: {  	v5 =	vmul.f32 v5, v7;
	[tilespmem:s25+$0x320] =	vst v9  }
0x176: {  	[tilespmem:s25+$0x330] =	vst v4;
	v2 =	vmul.f32 v3, v7  }
0x177: {  	[tilespmem:s25+$0x380] =	vst v5;
	v1 =	vmul.f32 v10, v7  }
0x178: {  	s14 =	sshrl.u32 s16, $0x2;
	[tilespmem:s25+$0x390] =	vst v2  }
0x179: {  	s17 =	sadd.s32 $0x14800, s14;
	v2 =	vmov s8;
	[tilespmem:s25+$0x3A0] =	vst v1  }
0x17a: {  	[spmem:s2] =	stream.indirect.scatter.add.f32 [tilespmem:s19], [sflag:$0x3], $0x40, s17, s22, $0xb8;
	[tilespmem:$0x1D800] =	vst v63  }
0x17b: {  	_ =	swait.ge [sflag:s28], $0x2000  }
0x17c: {  	[sflag:s28] =	ssyncset.done $0x0  }
0x17d: {  	s23 =	simm.s32 $0x0;
	[sflag:s28] =	ssyncadd.s32 $0xFFFFE000  }
0x17e: {  	s15 =	simm.s32 $0x19C00;
	v4 =	vld.idx.msk [tilespmem:v2+s23+$0x0 ss:$0x1], $0xffff  }
0x17f: {  	v1 =	vld [tilespmem:s15+$0x3B0]  }
0x180: {  	v5 =	vld [tilespmem:s15+$0xFFFFFC00]  }
0x181: {  	v6 =	vld [tilespmem:s15+$0xFFFFFC10]  }
0x182: {  	v7 =	vld [tilespmem:s15+$0xFFFFFC20]  }
0x183: {  	v8 =	vld [tilespmem:s15+$0xFFFFFC30]  }
0x184: {  	v9 =	vld [tilespmem:s15+$0xFFFFFC80]  }
0x185: {  	v10 =	vld [tilespmem:s15+$0xFFFFFC90]  }
0x186: {  	v11 =	vld [tilespmem:s15+$0xFFFFFCA0]  }
0x187: {  	v13 =	vld [tilespmem:s15+$0xFFFFFD00]  }
0x188: {  	v14 =	vld [tilespmem:s15+$0xFFFFFD10]  }
0x189: {  	v15 =	vld [tilespmem:s15+$0xFFFFFD20]  }
0x18a: {  	v16 =	vld [tilespmem:s15+$0xFFFFFD30];
	v3 =	vbroadcast v4, $0xF  }
0x18b: {  	v17 =	vld [tilespmem:s15+$0xFFFFFD80];
	v12 =	vbroadcast v4, $0x0  }
0x18c: {  	s16 =	simm.s32 $0x1A400;
	v18 =	vld [tilespmem:s15+$0xFFFFFE90];
	v1 =	vmul.f32 v1, v3  }
0x18d: {  	v19 =	vld [tilespmem:s16+$0x3B0];
	v5 =	vmul.f32 v12, v5  }
0x18e: {  	v20 =	vld [tilespmem:s16+$0xFFFFFC00];
	v6 =	vmul.f32 v6, v12;
	[tilespmem:s15+$0x3B0] =	vst v1  }
0x18f: {  	v21 =	vld [tilespmem:s16+$0xFFFFFC10];
	v29 =	vbroadcast v4, $0x3;
	v8 =	vmul.f32 v8, v12;
	[tilespmem:s15+$0xFFFFFC00] =	vst v5  }
0x190: {  	v1 =	vld [tilespmem:s15+$0xFFFFFCB0];
	v5 =	vmul.f32 v7, v12;
	[tilespmem:s15+$0xFFFFFC10] =	vst v6;
	v7 =	vbroadcast v4, $0x1  }
0x191: {  	v17 =	vmul.f32 v17, v29;
	v6 =	vld [tilespmem:s15+$0xFFFFFD90];
	[tilespmem:s15+$0xFFFFFC30] =	vst v8  }
0x192: {  	v12 =	vld [tilespmem:s15+$0xFFFFFDA0];
	[tilespmem:s15+$0xFFFFFC20] =	vst v5;
	v5 =	vmul.f32 v9, v7  }
0x193: {  	v22 =	vld [tilespmem:s16+$0xFFFFFC20];
	[tilespmem:s15+$0xFFFFFD80] =	vst v17;
	v9 =	vmul.f32 v10, v7  }
0x194: {  	v8 =	vld [tilespmem:s15+$0xFFFFFDB0];
	[tilespmem:s15+$0xFFFFFC80] =	vst v5;
	v5 =	vmul.f32 v11, v7  }
0x195: {  	v23 =	vld [tilespmem:s16+$0xFFFFFC30];
	[tilespmem:s15+$0xFFFFFC90] =	vst v9;
	v1 =	vmul.f32 v1, v7  }
0x196: {  	v24 =	vld [tilespmem:s16+$0xFFFFFC80];
	v11 =	vbroadcast v4, $0x2;
	v6 =	vmul.f32 v6, v29;
	[tilespmem:s15+$0xFFFFFCA0] =	vst v5  }
0x197: {  	v10 =	vld [tilespmem:s15+$0xFFFFFE00];
	v12 =	vmul.f32 v12, v29;
	[tilespmem:s15+$0xFFFFFCB0] =	vst v1  }
0x198: {  	v9 =	vld [tilespmem:s15+$0xFFFFFE10];
	v5 =	vmul.f32 v13, v11;
	[tilespmem:s15+$0xFFFFFD90] =	vst v6  }
0x199: {  	s25 =	simm.s32 $0x10;
	v7 =	vld [tilespmem:s15+$0xFFFFFE20];
	v8 =	vmul.f32 v8, v29;
	[tilespmem:s15+$0xFFFFFDA0] =	vst v12  }
0x19a: {  	v15 =	vmul.f32 v15, v11;
	[tilespmem:s15+$0xFFFFFD00] =	vst v5;
	v5 =	vld.idx.msk [tilespmem:v2+s25+$0x0 ss:$0x1], $0xffff  }
0x19b: {  	v43 =	vbroadcast v4, $0x4;
	v13 =	vld [tilespmem:s15+$0xFFFFFE30];
	v1 =	vmul.f32 v14, v11;
	[tilespmem:s15+$0xFFFFFDB0] =	vst v8  }
0x19c: {  	v25 =	vld [tilespmem:s16+$0xFFFFFC90];
	v11 =	vmul.f32 v16, v11;
	[tilespmem:s15+$0xFFFFFD20] =	vst v15  }
0x19d: {  	v26 =	vld [tilespmem:s15+$0xFFFFFEA0];
	v10 =	vmul.f32 v10, v43;
	[tilespmem:s15+$0xFFFFFD10] =	vst v1  }
0x19e: {  	v28 =	vld [tilespmem:s16+$0xFFFFFD00];
	[tilespmem:s15+$0xFFFFFD30] =	vst v11;
	v9 =	vmul.f32 v9, v43  }
0x19f: {  	v30 =	vld [tilespmem:s16+$0xFFFFFD20];
	[tilespmem:s15+$0xFFFFFE00] =	vst v10;
	v7 =	vmul.f32 v7, v43;
	v1 =	vbroadcast v5, $0xF  }
0x1a0: {  	v31 =	vld [tilespmem:s15+$0xFFFFFEB0];
	[tilespmem:s15+$0xFFFFFE10] =	vst v9;
	v13 =	vmul.f32 v13, v43;
	v27 =	vbroadcast v5, $0x0  }
0x1a1: {  	v42 =	vld [tilespmem:s15+$0xFFFFFF10];
	[tilespmem:s15+$0xFFFFFE20] =	vst v7;
	v19 =	vmul.f32 v19, v1  }
0x1a2: {  	v44 =	vld [tilespmem:s15+$0xFFFFFF20];
	[tilespmem:s15+$0xFFFFFE30] =	vst v13;
	v20 =	vmul.f32 v27, v20  }
0x1a3: {  	v15 =	vld [tilespmem:s16+$0xFFFFFCA0];
	v21 =	vmul.f32 v21, v27;
	[tilespmem:s16+$0x3B0] =	vst v19  }
0x1a4: {  	v45 =	vld [tilespmem:s15+$0xFFFFFF30];
	v32 =	vbroadcast v5, $0x1;
	v22 =	vmul.f32 v22, v27;
	[tilespmem:s16+$0xFFFFFC00] =	vst v20  }
0x1a5: {  	v16 =	vld [tilespmem:s16+$0xFFFFFD10];
	v23 =	vmul.f32 v23, v27;
	[tilespmem:s16+$0xFFFFFC10] =	vst v21  }
0x1a6: {  	v46 =	vld [tilespmem:s15+$0xFFFFFF80];
	v24 =	vmul.f32 v24, v32;
	[tilespmem:s16+$0xFFFFFC20] =	vst v22  }
0x1a7: {  	v11 =	vld [tilespmem:s16+$0xFFFFFD30];
	v48 =	vbroadcast v5, $0x2;
	v25 =	vmul.f32 v25, v32;
	[tilespmem:s16+$0xFFFFFC30] =	vst v23  }
0x1a8: {  	v17 =	vld [tilespmem:s16+$0xFFFFFD80];
	v15 =	vmul.f32 v15, v32;
	[tilespmem:s16+$0xFFFFFC80] =	vst v24  }
0x1a9: {  	v6 =	vld [tilespmem:s16+$0xFFFFFD90];
	v28 =	vmul.f32 v28, v48;
	[tilespmem:s16+$0xFFFFFC90] =	vst v25  }
0x1aa: {  	v12 =	vld [tilespmem:s16+$0xFFFFFDA0];
	v16 =	vmul.f32 v16, v48;
	[tilespmem:s16+$0xFFFFFCA0] =	vst v15  }
0x1ab: {  	v8 =	vld [tilespmem:s16+$0xFFFFFDB0];
	v52 =	vbroadcast v5, $0x3;
	v30 =	vmul.f32 v30, v48;
	[tilespmem:s16+$0xFFFFFD00] =	vst v28  }
0x1ac: {  	v10 =	vld [tilespmem:s16+$0xFFFFFE00];
	v11 =	vmul.f32 v11, v48;
	[tilespmem:s16+$0xFFFFFD10] =	vst v16  }
0x1ad: {  	v9 =	vld [tilespmem:s16+$0xFFFFFE10];
	v17 =	vmul.f32 v17, v52;
	[tilespmem:s16+$0xFFFFFD20] =	vst v30  }
0x1ae: {  	v47 =	vld [tilespmem:s15+$0xFFFFFF90];
	v6 =	vmul.f32 v6, v52;
	[tilespmem:s16+$0xFFFFFD30] =	vst v11  }
0x1af: {  	v49 =	vld [tilespmem:s15+$0xFFFFFFA0];
	v57 =	vbroadcast v5, $0x4;
	v12 =	vmul.f32 v12, v52;
	[tilespmem:s16+$0xFFFFFD80] =	vst v17  }
0x1b0: {  	v50 =	vld [tilespmem:s15+$0x0];
	v8 =	vmul.f32 v8, v52;
	[tilespmem:s16+$0xFFFFFD90] =	vst v6  }
0x1b1: {  	v53 =	vbroadcast v4, $0x6;
	v7 =	vld [tilespmem:s16+$0xFFFFFE20];
	v10 =	vmul.f32 v10, v57;
	[tilespmem:s16+$0xFFFFFDA0] =	vst v12  }
0x1b2: {  	v13 =	vld [tilespmem:s16+$0xFFFFFE30];
	v9 =	vmul.f32 v9, v57;
	[tilespmem:s16+$0xFFFFFDB0] =	vst v8  }
0x1b3: {  	v14 =	vld [tilespmem:s15+$0xFFFFFE80];
	v17 =	vmul.f32 v42, v53;
	[tilespmem:s16+$0xFFFFFE00] =	vst v10  }
0x1b4: {  	v51 =	vld [tilespmem:s15+$0x10];
	v6 =	vmul.f32 v44, v53;
	[tilespmem:s16+$0xFFFFFE10] =	vst v9  }
0x1b5: {  	v54 =	vld [tilespmem:s15+$0x20];
	v23 =	vmul.f32 v45, v53;
	[tilespmem:s15+$0xFFFFFF10] =	vst v17  }
0x1b6: {  	v55 =	vld [tilespmem:s15+$0x80];
	v15 =	vbroadcast v4, $0x5;
	v7 =	vmul.f32 v7, v57;
	[tilespmem:s15+$0xFFFFFF20] =	vst v6  }
0x1b7: {  	v56 =	vld [tilespmem:s15+$0x90];
	v13 =	vmul.f32 v13, v57;
	[tilespmem:s15+$0xFFFFFF30] =	vst v23  }
0x1b8: {  	v58 =	vld [tilespmem:s15+$0xA0];
	v14 =	vmul.f32 v14, v15;
	[tilespmem:s16+$0xFFFFFE20] =	vst v7  }
0x1b9: {  	v59 =	vld [tilespmem:s16+$0xFFFFFF30];
	v18 =	vmul.f32 v18, v15;
	[tilespmem:s16+$0xFFFFFE30] =	vst v13  }
0x1ba: {  	v60 =	vld [tilespmem:s15+$0xB0];
	v12 =	vbroadcast v4, $0x7;
	v16 =	vmul.f32 v26, v15;
	[tilespmem:s15+$0xFFFFFE80] =	vst v14  }
0x1bb: {  	v61 =	vld [tilespmem:s15+$0x100];
	v15 =	vmul.f32 v31, v15;
	[tilespmem:s15+$0xFFFFFE90] =	vst v18  }
0x1bc: {  	v19 =	vld [tilespmem:s16+$0xFFFFFCB0];
	v8 =	vmul.f32 v46, v12;
	[tilespmem:s15+$0xFFFFFEA0] =	vst v16  }
0x1bd: {  	v39 =	vbroadcast v5, $0x6;
	v20 =	vld [tilespmem:s15+$0xFFFFFF00];
	v10 =	vmul.f32 v47, v12;
	[tilespmem:s15+$0xFFFFFEB0] =	vst v15  }
0x1be: {  	v17 =	vld [tilespmem:s16+$0xFFFFFF10];
	v9 =	vmul.f32 v49, v12;
	v7 =	vbroadcast v4, $0x8;
	[tilespmem:s15+$0xFFFFFF80] =	vst v8  }
0x1bf: {  	v6 =	vld [tilespmem:s16+$0xFFFFFF20];
	v23 =	vmul.f32 v59, v39;
	[tilespmem:s15+$0xFFFFFF90] =	vst v10  }
0x1c0: {  	v14 =	vld [tilespmem:s16+$0xFFFFFE80];
	[tilespmem:s15+$0xFFFFFFA0] =	vst v9;
	v13 =	vmul.f32 v50, v7  }
0x1c1: {  	v18 =	vld [tilespmem:s16+$0xFFFFFE90];
	[tilespmem:s16+$0xFFFFFF30] =	vst v23;
	v19 =	vmul.f32 v19, v32  }
0x1c2: {  	v16 =	vld [tilespmem:s16+$0xFFFFFEA0];
	v11 =	vmul.f32 v20, v53;
	[tilespmem:s15+$0x0] =	vst v13  }
0x1c3: {  	v63 =	vbroadcast v5, $0x5;
	v15 =	vld [tilespmem:s16+$0xFFFFFEB0];
	[tilespmem:s16+$0xFFFFFCB0] =	vst v19;
	v17 =	vmul.f32 v17, v39  }
0x1c4: {  	v8 =	vld [tilespmem:s16+$0xFFFFFF80];
	[tilespmem:s15+$0xFFFFFF00] =	vst v11;
	v6 =	vmul.f32 v6, v39  }
0x1c5: {  	v10 =	vld [tilespmem:s16+$0xFFFFFF90];
	v14 =	vmul.f32 v14, v63;
	[tilespmem:s16+$0xFFFFFF10] =	vst v17  }
0x1c6: {  	v9 =	vld [tilespmem:s16+$0xFFFFFFA0];
	v18 =	vmul.f32 v18, v63;
	[tilespmem:s16+$0xFFFFFF20] =	vst v6  }
0x1c7: {  	v62 =	vld [tilespmem:s15+$0x110];
	v43 =	vbroadcast v5, $0x7;
	v16 =	vmul.f32 v16, v63;
	[tilespmem:s16+$0xFFFFFE80] =	vst v14  }
0x1c8: {  	v36 =	vld [tilespmem:s15+$0x130];
	v15 =	vmul.f32 v15, v63;
	[tilespmem:s16+$0xFFFFFE90] =	vst v18  }
0x1c9: {  	v20 =	vld [tilespmem:s15+$0x30];
	v8 =	vmul.f32 v8, v43;
	[tilespmem:s16+$0xFFFFFEA0] =	vst v16  }
0x1ca: {  	v37 =	vld [tilespmem:s15+$0x180];
	v10 =	vmul.f32 v10, v43;
	[tilespmem:s16+$0xFFFFFEB0] =	vst v15  }
0x1cb: {  	v38 =	vld [tilespmem:s15+$0x190];
	v9 =	vmul.f32 v9, v43;
	[tilespmem:s16+$0xFFFFFF80] =	vst v8  }
0x1cc: {  	v13 =	vld [tilespmem:s16+$0x0];
	v14 =	vmul.f32 v51, v7;
	[tilespmem:s16+$0xFFFFFF90] =	vst v10  }
0x1cd: {  	v19 =	vld [tilespmem:s15+$0xFFFFFFB0];
	v6 =	vbroadcast v4, $0xA;
	v18 =	vmul.f32 v54, v7;
	[tilespmem:s16+$0xFFFFFFA0] =	vst v9  }
0x1ce: {  	v11 =	vld [tilespmem:s16+$0xFFFFFF00];
	v7 =	vmul.f32 v20, v7;
	[tilespmem:s15+$0x10] =	vst v14  }
0x1cf: {  	v40 =	vld [tilespmem:s15+$0x1B0];
	v49 =	vbroadcast v5, $0x8;
	v45 =	vmul.f32 v61, v6;
	[tilespmem:s15+$0x20] =	vst v18  }
0x1d0: {  	v41 =	vld [tilespmem:s15+$0x200];
	v8 =	vmul.f32 v62, v6;
	[tilespmem:s15+$0x30] =	vst v7  }
0x1d1: {  	v48 =	vld [tilespmem:s15+$0x280];
	v13 =	vmul.f32 v13, v49;
	[tilespmem:s15+$0x100] =	vst v45  }
0x1d2: {  	v52 =	vld [tilespmem:s15+$0x300];
	v16 =	vbroadcast v4, $0x9;
	v12 =	vmul.f32 v19, v12;
	[tilespmem:s15+$0x110] =	vst v8  }
0x1d3: {  	v42 =	vld [tilespmem:s15+$0x210];
	v11 =	vmul.f32 v11, v39;
	[tilespmem:s16+$0x0] =	vst v13  }
0x1d4: {  	v9 =	vbroadcast v4, $0xB;
	v19 =	vld [tilespmem:s15+$0x120];
	v15 =	vmul.f32 v55, v16;
	[tilespmem:s15+$0xFFFFFFB0] =	vst v12  }
0x1d5: {  	v44 =	vld [tilespmem:s15+$0x220];
	v17 =	vmul.f32 v58, v16;
	[tilespmem:s16+$0xFFFFFF00] =	vst v11  }
0x1d6: {  	v14 =	vld [tilespmem:s16+$0x10];
	v13 =	vmul.f32 v38, v9;
	[tilespmem:s15+$0x80] =	vst v15  }
0x1d7: {  	v18 =	vld [tilespmem:s16+$0x20];
	v11 =	vmul.f32 v56, v16;
	[tilespmem:s15+$0xA0] =	vst v17  }
0x1d8: {  	v7 =	vld [tilespmem:s16+$0x30];
	v16 =	vmul.f32 v60, v16;
	[tilespmem:s15+$0x190] =	vst v13  }
0x1d9: {  	v12 =	vld [tilespmem:s16+$0xFFFFFFB0];
	[tilespmem:s15+$0x90] =	vst v11;
	v10 =	vmul.f32 v19, v6  }
0x1da: {  	v20 =	vld [tilespmem:s15+$0x1A0];
	[tilespmem:s15+$0xB0] =	vst v16;
	v6 =	vmul.f32 v36, v6  }
0x1db: {  	v15 =	vld [tilespmem:s16+$0x80];
	v14 =	vmul.f32 v14, v49;
	[tilespmem:s15+$0x120] =	vst v10  }
0x1dc: {  	v57 =	vld [tilespmem:s15+$0x380];
	v18 =	vmul.f32 v18, v49;
	[tilespmem:s15+$0x130] =	vst v6  }
0x1dd: {  	v46 =	vld [tilespmem:s15+$0x230];
	v7 =	vmul.f32 v7, v49;
	[tilespmem:s16+$0x10] =	vst v14  }
0x1de: {  	v53 =	vbroadcast v5, $0x9;
	v11 =	vld [tilespmem:s16+$0x90];
	v12 =	vmul.f32 v12, v43;
	[tilespmem:s16+$0x20] =	vst v18  }
0x1df: {  	v16 =	vld [tilespmem:s16+$0xB0];
	v14 =	vmul.f32 v20, v9;
	[tilespmem:s16+$0x30] =	vst v7  }
0x1e0: {  	v47 =	vld [tilespmem:s16+$0x100];
	v15 =	vmul.f32 v15, v53;
	[tilespmem:s16+$0xFFFFFFB0] =	vst v12  }
0x1e1: {  	v59 =	vld [tilespmem:s16+$0x230];
	v12 =	vmul.f32 v37, v9;
	[tilespmem:s15+$0x1A0] =	vst v14  }
0x1e2: {  	v50 =	vld [tilespmem:s15+$0x2A0];
	v9 =	vmul.f32 v40, v9;
	[tilespmem:s16+$0x80] =	vst v15  }
0x1e3: {  	v17 =	vld [tilespmem:s16+$0xA0];
	v18 =	vbroadcast v4, $0xC;
	v11 =	vmul.f32 v11, v53;
	[tilespmem:s15+$0x180] =	vst v12  }
0x1e4: {  	v51 =	vld [tilespmem:s15+$0x2B0];
	v16 =	vmul.f32 v16, v53;
	[tilespmem:s15+$0x1B0] =	vst v9  }
0x1e5: {  	v54 =	vld [tilespmem:s15+$0x320];
	v7 =	vmul.f32 v41, v18;
	[tilespmem:s16+$0x90] =	vst v11  }
0x1e6: {  	v8 =	vld [tilespmem:s16+$0x110];
	v15 =	vmul.f32 v42, v18;
	[tilespmem:s16+$0xB0] =	vst v16  }
0x1e7: {  	v10 =	vld [tilespmem:s16+$0x120];
	v11 =	vmul.f32 v44, v18;
	v18 =	vmul.f32 v46, v18;
	[tilespmem:s15+$0x200] =	vst v7  }
0x1e8: {  	v6 =	vld [tilespmem:s16+$0x130];
	v7 =	vmul.f32 v17, v53;
	[tilespmem:s15+$0x210] =	vst v15;
	v17 =	vbroadcast v5, $0xA  }
0x1e9: {  	v61 =	vld [tilespmem:s16+$0x2A0];
	[tilespmem:s15+$0x220] =	vst v11  }
0x1ea: {  	v19 =	vld [tilespmem:s15+$0x290];
	[tilespmem:s15+$0x230] =	vst v18;
	v22 =	vmul.f32 v47, v17  }
0x1eb: {  	v62 =	vld [tilespmem:s16+$0x2B0];
	[tilespmem:s16+$0xA0] =	vst v7;
	v8 =	vmul.f32 v8, v17  }
0x1ec: {  	v55 =	vld [tilespmem:s16+$0x1B0];
	v7 =	vbroadcast v4, $0xD;
	v10 =	vmul.f32 v10, v17;
	[tilespmem:s16+$0x100] =	vst v22  }
0x1ed: {  	v13 =	vld [tilespmem:s16+$0x190];
	v6 =	vmul.f32 v6, v17;
	[tilespmem:s16+$0x110] =	vst v8  }
0x1ee: {  	v20 =	vld [tilespmem:s15+$0x310];
	v16 =	vmul.f32 v48, v7;
	[tilespmem:s16+$0x120] =	vst v10  }
0x1ef: {  	v12 =	vld [tilespmem:s16+$0x180];
	v19 =	vmul.f32 v19, v7;
	[tilespmem:s16+$0x130] =	vst v6  }
0x1f0: {  	v9 =	vld [tilespmem:s15+$0x330];
	v4 =	vbroadcast v4, $0xE;
	v8 =	vmul.f32 v50, v7;
	[tilespmem:s15+$0x280] =	vst v16  }
0x1f1: {  	v58 =	vld [tilespmem:s15+$0x390];
	v7 =	vmul.f32 v51, v7;
	[tilespmem:s15+$0x290] =	vst v19  }
0x1f2: {  	v60 =	vbroadcast v5, $0xB;
	v14 =	vld [tilespmem:s16+$0x1A0];
	v6 =	vmul.f32 v52, v4;
	[tilespmem:s15+$0x2A0] =	vst v8  }
0x1f3: {  	v56 =	vld [tilespmem:s16+$0x200];
	v10 =	vmul.f32 v20, v4;
	[tilespmem:s15+$0x2B0] =	vst v7  }
0x1f4: {  	v18 =	vld [tilespmem:s15+$0x3A0];
	v20 =	vbroadcast v5, $0xD;
	v8 =	vmul.f32 v12, v60;
	[tilespmem:s15+$0x300] =	vst v6  }
0x1f5: {  	v15 =	vld [tilespmem:s16+$0x210];
	v12 =	vmul.f32 v13, v60;
	v13 =	vmul.f32 v9, v4;
	[tilespmem:s15+$0x310] =	vst v10  }
0x1f6: {  	v11 =	vld [tilespmem:s16+$0x220];
	v6 =	vmul.f32 v57, v3;
	[tilespmem:s16+$0x180] =	vst v8;
	v8 =	vmul.f32 v54, v4  }
0x1f7: {  	v16 =	vld [tilespmem:s16+$0x280];
	v4 =	vmul.f32 v14, v60;
	[tilespmem:s16+$0x190] =	vst v12;
	v12 =	vbroadcast v5, $0xC  }
0x1f8: {  	v19 =	vld [tilespmem:s16+$0x290];
	v5 =	vbroadcast v5, $0xE;
	v14 =	vmul.f32 v55, v60;
	[tilespmem:s15+$0x330] =	vst v13  }
0x1f9: {  	v7 =	vld [tilespmem:s16+$0x300];
	[tilespmem:s16+$0x1A0] =	vst v4;
	v4 =	vmul.f32 v58, v3;
	v3 =	vmul.f32 v18, v3  }
0x1fa: {  	v9 =	vld [tilespmem:s16+$0x310];
	[tilespmem:s15+$0x320] =	vst v8;
	v63 =	vmul.f32 v56, v12;
	v8 =	vmul.f32 v15, v12  }
0x1fb: {  	v10 =	vld [tilespmem:s16+$0x320];
	[tilespmem:s15+$0x380] =	vst v6;
	v18 =	vmul.f32 v11, v12;
	v17 =	vmul.f32 v59, v12  }
0x1fc: {  	[tilespmem:s16+$0x1B0] =	vst v14;
	v11 =	vld [tilespmem:s16+$0x330];
	v14 =	vmul.f32 v61, v20;
	v15 =	vmul.f32 v62, v20  }
0x1fd: {  	s17 =	simm.s32 $0x1A400;
	s23 =	simm.s32 $0xC0;
	s25 =	simm.s32 $0x20;
	v12 =	vmul.f32 v16, v20;
	v13 =	vmul.f32 v19, v20;
	v16 =	vld [tilespmem:s16+$0x380];
	[tilespmem:s16+$0x200] =	vst v63  }
.LBB2_8:
0x1fe: {  	p0 =	sne.s32 s23, $0x1C0;
	v19 =	vld.idx.msk [tilespmem:v2+s25+$0x0 ss:$0x1], $0xffff;
	[tilespmem:s16+$0x210] =	vst v8;
	v6 =	vmul.f32 v7, v5  }
0x1ff: {  	[tilespmem:s16+$0x220] =	vst v18;
	v7 =	vmul.f32 v9, v5;
	v18 =	vld [tilespmem:s16+$0x390]  }
0x200: {  	s16 =	sadd.s32 $0x800, s16;
	[tilespmem:s17+$0x230] =	vst v17;
	v8 =	vmul.f32 v10, v5;
	v17 =	vld [tilespmem:s17+$0x3A0]  }
0x201: {  	v9 =	vld [tilespmem:s16+$0x3B0];
	[tilespmem:s17+$0x280] =	vst v12;
	v5 =	vmul.f32 v11, v5  }
0x202: {  	v20 =	vld [tilespmem:s16+$0xFFFFFC00];
	[tilespmem:s17+$0x290] =	vst v13;
	v13 =	vmul.f32 v16, v1  }
0x203: {  	v16 =	vld [tilespmem:s16+$0xFFFFFC10];
	[tilespmem:s17+$0x2A0] =	vst v14  }
0x204: {  	v14 =	vbroadcast v19, $0x0;
	v22 =	vbroadcast v19, $0xF;
	v21 =	vld [tilespmem:s16+$0xFFFFFC20];
	[tilespmem:s17+$0x2B0] =	vst v15  }
0x205: {  	v23 =	vbroadcast v19, $0x1;
	v24 =	vbroadcast v19, $0x2;
	v15 =	vld [tilespmem:s16+$0xFFFFFC30];
	[tilespmem:s17+$0x300] =	vst v6  }
0x206: {  	v26 =	vbroadcast v19, $0x3;
	v25 =	vld [tilespmem:s16+$0xFFFFFC80];
	v6 =	vmul.f32 v9, v22;
	[tilespmem:s17+$0x310] =	vst v7  }
0x207: {  	v28 =	vbroadcast v19, $0x4;
	v29 =	vbroadcast v19, $0x5;
	v27 =	vld [tilespmem:s16+$0xFFFFFC90];
	[tilespmem:s17+$0x320] =	vst v8  }
0x208: {  	v31 =	vbroadcast v19, $0x6;
	v12 =	vbroadcast v19, $0x7;
	v30 =	vld [tilespmem:s16+$0xFFFFFCA0];
	[tilespmem:s16+$0x3B0] =	vst v6  }
0x209: {  	v11 =	vbroadcast v19, $0x8;
	v10 =	vbroadcast v19, $0x9;
	v32 =	vld [tilespmem:s16+$0xFFFFFCB0];
	[tilespmem:s17+$0x330] =	vst v5  }
0x20a: {  	v9 =	vbroadcast v19, $0xA;
	v8 =	vbroadcast v19, $0xB;
	v33 =	vld [tilespmem:s16+$0xFFFFFD00];
	[tilespmem:s17+$0x380] =	vst v13  }
0x20b: {  	v7 =	vbroadcast v19, $0xC;
	v6 =	vbroadcast v19, $0xD;
	v13 =	vld [tilespmem:s16+$0xFFFFFD10];
	[tilespmem:s15+$0x390] =	vst v4  }
0x20c: {  	v5 =	vbroadcast v19, $0xE;
	v4 =	vmul.f32 v14, v20;
	v20 =	vld [tilespmem:s16+$0xFFFFFD20];
	[tilespmem:s15+$0x3A0] =	vst v3;
	s15 =	smov.u32 s17;
	s17 =	smov.u32 s16  }
0x20d: {  	v3 =	vmul.f32 v16, v14;
	v16 =	vmul.f32 v21, v14;
	v19 =	vld [tilespmem:s16+$0xFFFFFD30]  }
0x20e: {  	[tilespmem:s16+$0xFFFFFC00] =	vst v4;
	v4 =	vmul.f32 v15, v14;
	v14 =	vmul.f32 v25, v23;
	v15 =	vld [tilespmem:s16+$0xFFFFFD80]  }
0x20f: {  	v21 =	vmul.f32 v30, v23;
	[tilespmem:s16+$0xFFFFFC10] =	vst v3;
	v3 =	vmul.f32 v27, v23;
	v25 =	vld [tilespmem:s16+$0xFFFFFD90]  }
0x210: {  	[tilespmem:s16+$0xFFFFFC20] =	vst v16;
	v16 =	vmul.f32 v32, v23;
	v23 =	vmul.f32 v33, v24;
	v27 =	vld [tilespmem:s16+$0xFFFFFDA0]  }
0x211: {  	v13 =	vmul.f32 v13, v24;
	[tilespmem:s16+$0xFFFFFC30] =	vst v4;
	v20 =	vmul.f32 v20, v24;
	v30 =	vld [tilespmem:s16+$0xFFFFFDB0]  }
0x212: {  	v4 =	vmul.f32 v18, v1;
	[tilespmem:s16+$0xFFFFFC80] =	vst v14;
	v14 =	vmul.f32 v19, v24;
	v19 =	vld [tilespmem:s16+$0xFFFFFE00]  }
0x213: {  	[tilespmem:s16+$0xFFFFFC90] =	vst v3;
	v15 =	vmul.f32 v15, v26;
	v18 =	vld [tilespmem:s16+$0xFFFFFE10];
	v3 =	vmul.f32 v17, v1;
	v1 =	vmov v22  }
0x214: {  	[tilespmem:s16+$0xFFFFFCA0] =	vst v21;
	v17 =	vmul.f32 v25, v26;
	v21 =	vld [tilespmem:s16+$0xFFFFFE20]  }
0x215: {  	[tilespmem:s16+$0xFFFFFCB0] =	vst v16;
	v16 =	vmul.f32 v27, v26;
	v22 =	vld [tilespmem:s16+$0xFFFFFE30]  }
0x216: {  	[tilespmem:s16+$0xFFFFFD00] =	vst v23;
	v23 =	vmul.f32 v30, v26;
	v24 =	vld [tilespmem:s16+$0xFFFFFE80]  }
0x217: {  	[tilespmem:s16+$0xFFFFFD10] =	vst v13;
	v13 =	vmul.f32 v19, v28;
	v19 =	vld [tilespmem:s16+$0xFFFFFE90]  }
0x218: {  	[tilespmem:s16+$0xFFFFFD20] =	vst v20;
	v18 =	vmul.f32 v18, v28;
	v20 =	vld [tilespmem:s16+$0xFFFFFEA0]  }
0x219: {  	[tilespmem:s16+$0xFFFFFD30] =	vst v14;
	v14 =	vmul.f32 v21, v28;
	v21 =	vld [tilespmem:s16+$0xFFFFFEB0]  }
0x21a: {  	[tilespmem:s16+$0xFFFFFD80] =	vst v15;
	v15 =	vmul.f32 v22, v28;
	v22 =	vld [tilespmem:s16+$0xFFFFFF00]  }
0x21b: {  	[tilespmem:s16+$0xFFFFFD90] =	vst v17;
	v17 =	vmul.f32 v24, v29;
	v24 =	vld [tilespmem:s16+$0xFFFFFF10]  }
0x21c: {  	[tilespmem:s16+$0xFFFFFDA0] =	vst v16;
	v16 =	vmul.f32 v19, v29;
	v19 =	vld [tilespmem:s16+$0xFFFFFF20]  }
0x21d: {  	[tilespmem:s16+$0xFFFFFDB0] =	vst v23;
	v20 =	vmul.f32 v20, v29;
	v23 =	vld [tilespmem:s16+$0xFFFFFF30]  }
0x21e: {  	[tilespmem:s16+$0xFFFFFE00] =	vst v13;
	v13 =	vmul.f32 v21, v29;
	v21 =	vld [tilespmem:s16+$0xFFFFFF80]  }
0x21f: {  	[tilespmem:s16+$0xFFFFFE10] =	vst v18;
	v18 =	vmul.f32 v22, v31;
	v22 =	vld [tilespmem:s16+$0xFFFFFF90]  }
0x220: {  	[tilespmem:s16+$0xFFFFFE20] =	vst v14;
	v14 =	vmul.f32 v24, v31;
	v24 =	vld [tilespmem:s16+$0xFFFFFFA0]  }
0x221: {  	[tilespmem:s16+$0xFFFFFE30] =	vst v15;
	v15 =	vmul.f32 v19, v31;
	v19 =	vld [tilespmem:s16+$0xFFFFFFB0]  }
0x222: {  	[tilespmem:s16+$0xFFFFFE80] =	vst v17;
	v17 =	vmul.f32 v23, v31;
	v23 =	vld [tilespmem:s16+$0x0]  }
0x223: {  	[tilespmem:s16+$0xFFFFFE90] =	vst v16;
	v16 =	vmul.f32 v21, v12;
	v21 =	vld [tilespmem:s16+$0x10]  }
0x224: {  	[tilespmem:s16+$0xFFFFFEA0] =	vst v20;
	v20 =	vmul.f32 v22, v12;
	v22 =	vld [tilespmem:s16+$0x20]  }
0x225: {  	[tilespmem:s16+$0xFFFFFEB0] =	vst v13;
	v13 =	vmul.f32 v24, v12;
	v24 =	vld [tilespmem:s16+$0x30]  }
0x226: {  	[tilespmem:s16+$0xFFFFFF00] =	vst v18;
	v12 =	vmul.f32 v19, v12;
	v18 =	vld [tilespmem:s16+$0x80]  }
0x227: {  	[tilespmem:s16+$0xFFFFFF10] =	vst v14;
	v14 =	vmul.f32 v23, v11;
	v19 =	vld [tilespmem:s16+$0x90]  }
0x228: {  	[tilespmem:s16+$0xFFFFFF20] =	vst v15;
	v15 =	vmul.f32 v21, v11;
	v21 =	vld [tilespmem:s16+$0xA0]  }
0x229: {  	[tilespmem:s16+$0xFFFFFF30] =	vst v17;
	v17 =	vmul.f32 v22, v11;
	v22 =	vld [tilespmem:s16+$0xB0]  }
0x22a: {  	[tilespmem:s16+$0xFFFFFF80] =	vst v16;
	v11 =	vmul.f32 v24, v11;
	v16 =	vld [tilespmem:s16+$0x100]  }
0x22b: {  	[tilespmem:s16+$0xFFFFFF90] =	vst v20;
	v18 =	vmul.f32 v18, v10;
	v20 =	vld [tilespmem:s16+$0x110]  }
0x22c: {  	[tilespmem:s16+$0xFFFFFFA0] =	vst v13;
	v13 =	vmul.f32 v19, v10;
	v19 =	vld [tilespmem:s16+$0x120]  }
0x22d: {  	[tilespmem:s16+$0xFFFFFFB0] =	vst v12;
	v12 =	vmul.f32 v21, v10;
	v21 =	vld [tilespmem:s16+$0x130]  }
0x22e: {  	[tilespmem:s16+$0x0] =	vst v14;
	v10 =	vmul.f32 v22, v10;
	v14 =	vld [tilespmem:s16+$0x180]  }
0x22f: {  	[tilespmem:s16+$0x10] =	vst v15;
	v15 =	vmul.f32 v16, v9;
	v16 =	vld [tilespmem:s16+$0x190]  }
0x230: {  	[tilespmem:s16+$0x20] =	vst v17;
	v17 =	vmul.f32 v20, v9;
	v20 =	vld [tilespmem:s16+$0x1A0]  }
0x231: {  	[tilespmem:s16+$0x30] =	vst v11;
	v11 =	vmul.f32 v19, v9;
	v19 =	vld [tilespmem:s16+$0x1B0]  }
0x232: {  	[tilespmem:s16+$0x80] =	vst v18;
	v9 =	vmul.f32 v21, v9;
	v18 =	vld [tilespmem:s16+$0x200]  }
0x233: {  	[tilespmem:s16+$0x90] =	vst v13;
	v13 =	vmul.f32 v14, v8;
	v14 =	vld [tilespmem:s16+$0x210]  }
0x234: {  	[tilespmem:s16+$0xA0] =	vst v12;
	v12 =	vmul.f32 v16, v8;
	v16 =	vld [tilespmem:s16+$0x220]  }
0x235: {  	[tilespmem:s16+$0xB0] =	vst v10;
	v10 =	vmul.f32 v20, v8;
	v20 =	vld [tilespmem:s16+$0x230]  }
0x236: {  	[tilespmem:s16+$0x100] =	vst v15;
	v15 =	vmul.f32 v19, v8;
	v19 =	vld [tilespmem:s16+$0x280]  }
0x237: {  	[tilespmem:s16+$0x110] =	vst v17;
	v21 =	vmul.f32 v18, v7;
	v22 =	vld [tilespmem:s16+$0x290]  }
0x238: {  	[tilespmem:s16+$0x120] =	vst v11;
	v8 =	vmul.f32 v14, v7;
	v11 =	vld [tilespmem:s16+$0x2A0]  }
0x239: {  	[tilespmem:s16+$0x130] =	vst v9;
	v18 =	vmul.f32 v16, v7;
	v16 =	vld [tilespmem:s16+$0x2B0]  }
.Ltmp6:
0x23a: {  	[tilespmem:s16+$0x180] =	vst v13;
	v17 =	vmul.f32 v20, v7;
	v7 =	vld [tilespmem:s16+$0x300];
	(pc) =	sbr.rel @p0 .LBB2_8-.Ltmp6, $4  }
0x23b: {  	[tilespmem:s16+$0x190] =	vst v12;
	v12 =	vmul.f32 v19, v6;
	v9 =	vld [tilespmem:s16+$0x310]  }
0x23c: {  	[tilespmem:s16+$0x1A0] =	vst v10;
	v13 =	vmul.f32 v22, v6;
	v10 =	vld [tilespmem:s16+$0x320]  }
0x23d: {  	[tilespmem:s16+$0x1B0] =	vst v15;
	v14 =	vmul.f32 v11, v6;
	v11 =	vld [tilespmem:s16+$0x330]  }
0x23e: {  	s25 =	sshra.s32 s23, $0x2;
	s23 =	sadd.s32 $0x40, s23;
	[tilespmem:s16+$0x200] =	vst v21;
	v15 =	vmul.f32 v16, v6;
	v16 =	vld [tilespmem:s16+$0x380]  }
0x23f: {  	_ = 	snop  }
0x240: {  	[tilespmem:s16+$0x210] =	vst v8  }
0x241: {  	[tilespmem:s16+$0x220] =	vst v18  }
0x242: {  	v6 =	vld [tilespmem:s16+$0x390];
	[tilespmem:s15+$0x390] =	vst v4  }
0x243: {  	v8 =	vld.idx.msk [tilespmem:v2+s25+$0x0 ss:$0x1], $0xffff;
	[tilespmem:s15+$0x3A0] =	vst v3  }
0x244: {  	s25 =	sadd.s32 $0x800, s16;
	[tilespmem:s17+$0x230] =	vst v17;
	v2 =	vld [tilespmem:s17+$0x3A0]  }
0x245: {  	v28 =	vld [tilespmem:s25+$0x3B0];
	[tilespmem:s17+$0x280] =	vst v12  }
0x246: {  	[tilespmem:s17+$0x290] =	vst v13;
	v30 =	vld [tilespmem:s25+$0xFFFFFC00]  }
0x247: {  	v29 =	vmul.f32 v7, v5;
	[tilespmem:s17+$0x2A0] =	vst v14;
	v33 =	vld [tilespmem:s25+$0xFFFFFC10]  }
0x248: {  	v9 =	vmul.f32 v9, v5;
	[tilespmem:s17+$0x2B0] =	vst v15;
	v35 =	vld [tilespmem:s25+$0xFFFFFC20]  }
0x249: {  	v37 =	vld [tilespmem:s25+$0xFFFFFC30];
	v10 =	vmul.f32 v10, v5;
	[tilespmem:s17+$0x300] =	vst v29  }
0x24a: {  	v38 =	vld [tilespmem:s25+$0xFFFFFC80];
	[tilespmem:s17+$0x310] =	vst v9;
	v32 =	vmul.f32 v11, v5  }
0x24b: {  	v39 =	vld [tilespmem:s25+$0xFFFFFC90];
	[tilespmem:s17+$0x320] =	vst v10;
	v34 =	vmul.f32 v16, v1  }
0x24c: {  	v41 =	vld [tilespmem:s25+$0xFFFFFCA0];
	v7 =	vbroadcast v8, $0xF;
	[tilespmem:s17+$0x330] =	vst v32;
	v6 =	vmul.f32 v6, v1  }
0x24d: {  	v43 =	vld [tilespmem:s25+$0xFFFFFCB0];
	v36 =	vbroadcast v8, $0x0;
	[tilespmem:s17+$0x380] =	vst v34;
	v1 =	vmul.f32 v2, v1  }
0x24e: {  	v44 =	vld [tilespmem:s25+$0xFFFFFD00];
	v31 =	vmul.f32 v28, v7;
	[tilespmem:s17+$0x390] =	vst v6  }
0x24f: {  	v45 =	vld [tilespmem:s25+$0xFFFFFD20];
	v40 =	vmul.f32 v36, v30;
	[tilespmem:s17+$0x3A0] =	vst v1  }
0x250: {  	v47 =	vld [tilespmem:s25+$0xFFFFFD30];
	v3 =	vmul.f32 v33, v36;
	[tilespmem:s25+$0x3B0] =	vst v31  }
0x251: {  	v48 =	vld [tilespmem:s25+$0xFFFFFD80];
	v42 =	vbroadcast v8, $0x1;
	v11 =	vmul.f32 v35, v36;
	[tilespmem:s25+$0xFFFFFC00] =	vst v40  }
0x252: {  	v49 =	vld [tilespmem:s25+$0xFFFFFD90];
	v13 =	vmul.f32 v37, v36;
	[tilespmem:s25+$0xFFFFFC10] =	vst v3  }
0x253: {  	v50 =	vld [tilespmem:s25+$0xFFFFFDA0];
	v5 =	vmul.f32 v38, v42;
	[tilespmem:s25+$0xFFFFFC20] =	vst v11  }
0x254: {  	v54 =	vld [tilespmem:s25+$0xFFFFFE00];
	v10 =	vmul.f32 v39, v42;
	[tilespmem:s25+$0xFFFFFC30] =	vst v13  }
0x255: {  	v52 =	vld [tilespmem:s25+$0xFFFFFDB0];
	v46 =	vbroadcast v8, $0x2;
	v12 =	vmul.f32 v41, v42;
	[tilespmem:s25+$0xFFFFFC80] =	vst v5  }
0x256: {  	v55 =	vld [tilespmem:s25+$0xFFFFFE10];
	v9 =	vmul.f32 v43, v42;
	[tilespmem:s25+$0xFFFFFC90] =	vst v10  }
0x257: {  	v56 =	vld [tilespmem:s25+$0xFFFFFE20];
	v57 =	vbroadcast v8, $0x4;
	v4 =	vmul.f32 v44, v46;
	[tilespmem:s25+$0xFFFFFCA0] =	vst v12  }
0x258: {  	v58 =	vld [tilespmem:s25+$0xFFFFFE30];
	v53 =	vmul.f32 v47, v46;
	[tilespmem:s25+$0xFFFFFCB0] =	vst v9  }
0x259: {  	v59 =	vld [tilespmem:s25+$0xFFFFFE80];
	v51 =	vbroadcast v8, $0x3;
	v60 =	vmul.f32 v54, v57;
	[tilespmem:s25+$0xFFFFFD00] =	vst v4  }
0x25a: {  	v18 =	vld [tilespmem:s25+$0xFFFFFF10];
	v11 =	vmul.f32 v45, v46;
	[tilespmem:s25+$0xFFFFFD30] =	vst v53  }
0x25b: {  	v20 =	vld [tilespmem:s25+$0xFFFFFF20];
	v10 =	vmul.f32 v49, v51;
	[tilespmem:s25+$0xFFFFFE00] =	vst v60  }
0x25c: {  	v61 =	vld [tilespmem:s25+$0xFFFFFE90];
	v12 =	vmul.f32 v50, v51;
	[tilespmem:s25+$0xFFFFFD20] =	vst v11  }
0x25d: {  	v16 =	vld [tilespmem:s25+$0xFFFFFF00];
	v21 =	vbroadcast v8, $0x6;
	v5 =	vmul.f32 v55, v57;
	[tilespmem:s25+$0xFFFFFD90] =	vst v10  }
0x25e: {  	v22 =	vld [tilespmem:s25+$0xFFFFFF30];
	v4 =	vmul.f32 v58, v57;
	[tilespmem:s25+$0xFFFFFDA0] =	vst v12  }
0x25f: {  	v29 =	vld [tilespmem:s25+$0x20];
	v9 =	vmul.f32 v18, v21;
	[tilespmem:s25+$0xFFFFFE10] =	vst v5  }
0x260: {  	v28 =	vld [tilespmem:s25+$0x10];
	v13 =	vmul.f32 v20, v21;
	[tilespmem:s25+$0xFFFFFE30] =	vst v4  }
0x261: {  	v27 =	vld [tilespmem:s25+$0x0];
	v11 =	vmul.f32 v56, v57;
	[tilespmem:s25+$0xFFFFFF10] =	vst v9  }
0x262: {  	v30 =	vbroadcast v8, $0x8;
	v38 =	vld [tilespmem:s25+$0x120];
	v10 =	vmul.f32 v16, v21;
	[tilespmem:s25+$0xFFFFFF20] =	vst v13  }
0x263: {  	v3 =	vld [tilespmem:s25+$0xFFFFFD10];
	v4 =	vmul.f32 v22, v21;
	[tilespmem:s25+$0xFFFFFE20] =	vst v11  }
0x264: {  	v31 =	vld [tilespmem:s25+$0x30];
	v13 =	vmul.f32 v29, v30;
	[tilespmem:s25+$0xFFFFFF00] =	vst v10  }
0x265: {  	v37 =	vld [tilespmem:s25+$0x110];
	v39 =	vbroadcast v8, $0xA;
	v9 =	vmul.f32 v28, v30;
	[tilespmem:s25+$0xFFFFFF30] =	vst v4  }
0x266: {  	v62 =	vld [tilespmem:s25+$0xFFFFFEA0];
	v10 =	vmul.f32 v27, v30;
	[tilespmem:s25+$0x20] =	vst v13  }
0x267: {  	v36 =	vld [tilespmem:s25+$0x100];
	v13 =	vmul.f32 v38, v39;
	[tilespmem:s25+$0x10] =	vst v9  }
0x268: {  	v47 =	vld [tilespmem:s25+$0x220];
	v3 =	vmul.f32 v3, v46;
	[tilespmem:s25+$0x0] =	vst v10  }
0x269: {  	v40 =	vld [tilespmem:s25+$0x130];
	v4 =	vmul.f32 v31, v30;
	[tilespmem:s25+$0x120] =	vst v13  }
0x26a: {  	v45 =	vld [tilespmem:s25+$0x200];
	v9 =	vmul.f32 v37, v39;
	[tilespmem:s25+$0xFFFFFD10] =	vst v3  }
0x26b: {  	v49 =	vld [tilespmem:s25+$0x230];
	v3 =	vmul.f32 v48, v51;
	[tilespmem:s25+$0x30] =	vst v4  }
0x26c: {  	v63 =	vld [tilespmem:s25+$0xFFFFFEB0];
	v10 =	vmul.f32 v36, v39;
	[tilespmem:s25+$0x110] =	vst v9  }
0x26d: {  	v23 =	vld [tilespmem:s25+$0xFFFFFF80];
	v48 =	vbroadcast v8, $0xC;
	[tilespmem:s25+$0xFFFFFD80] =	vst v3;
	v3 =	vmul.f32 v52, v51  }
0x26e: {  	v57 =	vbroadcast v8, $0xE;
	v46 =	vld [tilespmem:s25+$0x210];
	v4 =	vmul.f32 v40, v39;
	[tilespmem:s25+$0x100] =	vst v10  }
0x26f: {  	v54 =	vld [tilespmem:s25+$0x300];
	v10 =	vmul.f32 v45, v48;
	[tilespmem:s25+$0xFFFFFDB0] =	vst v3;
	v3 =	vbroadcast v8, $0x5  }
0x270: {  	v24 =	vld [tilespmem:s25+$0xFFFFFF90];
	[tilespmem:s25+$0x130] =	vst v4;
	v13 =	vmul.f32 v47, v48;
	v4 =	vmul.f32 v49, v48  }
0x271: {  	v25 =	vld [tilespmem:s25+$0xFFFFFFA0];
	[tilespmem:s25+$0x200] =	vst v10;
	v17 =	vmul.f32 v59, v3;
	v19 =	vmul.f32 v61, v3  }
0x272: {  	v26 =	vld [tilespmem:s25+$0xFFFFFFB0];
	[tilespmem:s25+$0x220] =	vst v13;
	v12 =	vmul.f32 v62, v3;
	v3 =	vmul.f32 v63, v3  }
0x273: {  	v32 =	vld [tilespmem:s25+$0x80];
	v9 =	vmul.f32 v46, v48;
	[tilespmem:s25+$0x230] =	vst v4  }
0x274: {  	v34 =	vld [tilespmem:s25+$0xA0];
	v10 =	vmul.f32 v54, v57;
	[tilespmem:s25+$0xFFFFFEB0] =	vst v3;
	v3 =	vbroadcast v8, $0x7  }
0x275: {  	v33 =	vld [tilespmem:s25+$0x90];
	[tilespmem:s25+$0x210] =	vst v9  }
0x276: {  	v35 =	vld [tilespmem:s25+$0xB0];
	[tilespmem:s25+$0x300] =	vst v10;
	v5 =	vmul.f32 v23, v3;
	v11 =	vmul.f32 v24, v3  }
0x277: {  	v41 =	vld [tilespmem:s25+$0x180];
	[tilespmem:s25+$0xFFFFFEA0] =	vst v12;
	v12 =	vmul.f32 v25, v3;
	v3 =	vmul.f32 v26, v3  }
0x278: {  	v42 =	vld [tilespmem:s25+$0x190];
	[tilespmem:s25+$0xFFFFFE80] =	vst v17  }
0x279: {  	v43 =	vld [tilespmem:s25+$0x1A0];
	[tilespmem:s25+$0xFFFFFFB0] =	vst v3;
	v3 =	vbroadcast v8, $0x9  }
0x27a: {  	v55 =	vld [tilespmem:s25+$0x310];
	[tilespmem:s25+$0xFFFFFF80] =	vst v5  }
0x27b: {  	v44 =	vld [tilespmem:s25+$0x1B0];
	[tilespmem:s25+$0xFFFFFF90] =	vst v11;
	v5 =	vmul.f32 v32, v3;
	v11 =	vmul.f32 v33, v3  }
0x27c: {  	v50 =	vld [tilespmem:s25+$0x280];
	[tilespmem:s25+$0xFFFFFFA0] =	vst v12;
	v12 =	vmul.f32 v34, v3;
	v3 =	vmul.f32 v35, v3  }
0x27d: {  	v53 =	vld [tilespmem:s25+$0x2B0];
	[tilespmem:s25+$0xFFFFFE90] =	vst v19  }
0x27e: {  	v56 =	vld [tilespmem:s25+$0x320];
	[tilespmem:s25+$0xB0] =	vst v3;
	v3 =	vbroadcast v8, $0xB  }
0x27f: {  	v59 =	vld [tilespmem:s25+$0x330];
	v61 =	vmul.f32 v55, v57;
	[tilespmem:s25+$0x80] =	vst v5  }
0x280: {  	v51 =	vld [tilespmem:s25+$0x290];
	[tilespmem:s25+$0x90] =	vst v11;
	v5 =	vmul.f32 v41, v3;
	v11 =	vmul.f32 v42, v3  }
0x281: {  	v52 =	vld [tilespmem:s25+$0x2A0];
	[tilespmem:s25+$0xA0] =	vst v12;
	v12 =	vmul.f32 v43, v3;
	v3 =	vmul.f32 v44, v3  }
0x282: {  	v63 =	vld [tilespmem:s25+$0x3A0];
	[tilespmem:s25+$0x310] =	vst v61  }
0x283: {  	[tilespmem:s25+$0x1B0] =	vst v3;
	v3 =	vbroadcast v8, $0xD  }
0x284: {  	v62 =	vmul.f32 v56, v57;
	v4 =	vmul.f32 v59, v57;
	[tilespmem:s25+$0x180] =	vst v5  }
0x285: {  	[tilespmem:s25+$0x190] =	vst v11;
	v5 =	vmul.f32 v50, v3;
	v11 =	vmul.f32 v51, v3  }
0x286: {  	[tilespmem:s25+$0x320] =	vst v62;
	v58 =	vmul.f32 v52, v3;
	v3 =	vmul.f32 v53, v3  }
0x287: {  	v60 =	vld [tilespmem:s25+$0x380];
	v1 =	vmul.f32 v63, v7;
	[tilespmem:s25+$0x330] =	vst v4  }
0x288: {  	[tilespmem:s25+$0x2B0] =	vst v3;
	v3 =	vld [tilespmem:s25+$0x390]  }
0x289: {  	[tilespmem:s25+$0x3A0] =	vst v1  }
0x28a: {  	p0 =	seq.s32 s12, $0x7;
	[tilespmem:s25+$0x1A0] =	vst v12  }
.Ltmp7:
0x28b: {  	[tilespmem:s25+$0x280] =	vst v5;
	(pc) =	sbr.rel @p0 .LBB2_11-.Ltmp7, $4  }
0x28c: {  	[tilespmem:s25+$0x290] =	vst v11;
	v5 =	vmul.f32 v60, v7  }
0x28d: {  	[tilespmem:s25+$0x2A0] =	vst v58;
	v2 =	vmul.f32 v3, v7  }
0x28e: {  	[tilespmem:s25+$0x380] =	vst v5  }
0x28f: {  	s13 =	sadd.s32 $0x14800, s13;
	[tilespmem:s25+$0x390] =	vst v2  }
0x290: {  	_ =	swait.ge [sflag:s29], $0x2000  }
.Ltmp8:
0x291: {  	[sflag:s29] =	ssyncset.done $0x0;
	(pc) =	sbr.rel .LBB2_5-.Ltmp8, $4  }
0x292: {  	s14 =	sadd.s32 $0x14100, s14;
	[sflag:s29] =	ssyncadd.s32 $0xFFFFE000  }
0x293: {  	[tilespmem:s19], [sflag:$0x1] =	stream.indirect.gather [spmem:s3], $0x40, s14, s22, $0xb8;
	[tilespmem:$0x1D800] =	vst v63  }
0x294: {  	s12 =	sadd.s32 $0x1, s12;
	s5 =	sadd.s32 $0x100, s5;
	s8 =	sadd.s32 $0x100, s8  }
0x295: {  	[spmem:s2] =	stream.indirect.scatter.add.f32 [tilespmem:s24], [sflag:$0x4], $0x40, s13, s22, $0xb8;
	[tilespmem:$0x1D800] =	vst v63  }
.LBB2_13:
0x296: {  	_ =	sfence.sel $0x180000  }
0x297: {  	[bflag:$0x0] =	sbarrier.arrive $0xFFFF  }
0x298: {  	_ =	strace $0x90000047  }
0x299: {  	s0 =	stileid.u32;
	[bflag:$0x2] =	sbarrier.arrive $0xFFFF  }
0x29a: {  	p0 =	sne.s32 s0, $0x0;
	s0 =	rddreg [dreg:$0x4]  }
0x29b: {  	s0 =	sadd.s32 @!p0 $0x100000, s0  }
0x29c: {  	[sflag:s0] =	ssyncadd.tile.s32 @!p0 $0x1;
	_ =	shalt  }
.Lfunc_end2:
_tile_overlayer_lowered:
.L_overlay_start_2:
0x29d: {  	(tag) =	ssettag $0x2  }
0x29e: {  	s0 =	rddreg [dreg:$0x0];
	s2 =	stileid.u32  }
0x29f: {  	s1 =	rddreg [dreg:$0x1];
	p0 =	sne.s32 s2, $0x0  }
0x2a0: {  	s3 =	rddreg [dreg:$0x2];
	[bflag:$0x3] =	sbarrier.arrive $0xFFFF;
	s2 =	simm.s32 @!p0 $0x1C05  }
0x2a1: {  	[timem:s3], [sflag:s2] =	dma.local @!p0 [hbm:s0], s1  }
0x2a2: {  	s0 =	simm.s32 @!p0 $0x5  }
0x2a3: {  	_ =	swait.ge @!p0 [sflag:s0], s1  }
0x2a4: {  	s1 =	ssub.s32 @!p0 $0x0, s1;
	[sflag:s0] =	ssyncset.done @!p0 $0x0  }
0x2a5: {  	[sflag:s0] =	ssyncadd.s32 @!p0 s1  }
0x2a6: {  	[bflag:$0x3] =	sbarrier.arrive $0xFFFF  }
0x2a7: {  	_ =	shalt  }

</sc_bundles>
